<compile_context>
chip_gen: v7x
topology: tpu7x:2x2x1
jax: 0.10.2.dev20260603
libtpu: 0.0.44.dev20260713+nightly
codegen_flags: <defaults>
</compile_context>

<pallas_src>
import functools

import jax
import jax.numpy as jnp
from jax import lax
from jax.experimental import pallas as pl
from jax.experimental.pallas import tpu as pltpu
from jax.experimental.pallas import tpu_sc as plsc

_B = 8
_NP = 20000
_NW = 32
_PPW = 640
_NG = _PPW // 16
_NGT = 100
_NGT_PAD = 112


def _sc_body(yhat_hbm, obj_hbm, gt_hbm, minobj_hbm, out_hbm,
             yhat_v, obj_v, gt_v, cbuf, minobj_v, out_v,
             l2_buf, r2_buf, t2_buf, b2_buf, a2_buf):
    c = lax.axis_index("c")
    s = lax.axis_index("s")
    wid = s * 2 + c

    pltpu.sync_copy(yhat_hbm.at[wid], yhat_v)
    pltpu.sync_copy(obj_hbm.at[wid], obj_v)
    pltpu.sync_copy(gt_hbm, gt_v)
    pltpu.sync_copy(minobj_hbm, minobj_v)
    minobj = minobj_v[...]

    zeros_i = jnp.zeros((16,), jnp.int32)
    iota16 = lax.iota(jnp.int32, 16)

    def batch_body(b, carry):
        gbase = b * (4 * _NGT_PAD)
        gidx0 = jnp.full((16,), gbase, jnp.int32)

        def compact_g(g, cnt):
            sl = pl.ds(g * 16, 16)
            cx = yhat_v[b, 0, sl]
            cy = yhat_v[b, 1, sl]
            w = yhat_v[b, 2, sl]
            h = yhat_v[b, 3, sl]
            ob = obj_v[b, sl]
            keep = ob > minobj
            pos = plsc.cumsum(keep.astype(jnp.int32))
            idx = (cnt - 1) + pos
            plsc.store_scatter(cbuf, [idx], cx, mask=keep)
            plsc.store_scatter(cbuf, [idx + _PPW], cy, mask=keep)
            plsc.store_scatter(cbuf, [idx + 2 * _PPW], w, mask=keep)
            plsc.store_scatter(cbuf, [idx + 3 * _PPW], h, mask=keep)
            plsc.store_scatter(cbuf, [idx + 4 * _PPW], ob, mask=keep)
            return cnt + pos[15]

        cnt = lax.fori_loop(0, _NG, compact_g, jnp.int32(0))
        ng2 = (cnt + 15) // 16

        for jg in range(_NGT_PAD // 16):
            jo = jg * 16
            gcxv = gt_v[pl.ds(gbase + jo, 16)]
            gcyv = gt_v[pl.ds(gbase + _NGT_PAD + jo, 16)]
            gwv = gt_v[pl.ds(gbase + 2 * _NGT_PAD + jo, 16)]
            ghv = gt_v[pl.ds(gbase + 3 * _NGT_PAD + jo, 16)]
            l2v = gcxv - gwv * 0.5
            r2v = gcxv + gwv * 0.5
            t2v = gcyv - ghv * 0.5
            b2v = gcyv + ghv * 0.5
            l2_buf[pl.ds(jo, 16)] = l2v
            r2_buf[pl.ds(jo, 16)] = r2v
            t2_buf[pl.ds(jo, 16)] = t2v
            b2_buf[pl.ds(jo, 16)] = b2v
            a2_buf[pl.ds(jo, 16)] = (r2v - l2v) * (b2v - t2v)

        def group_body(g, accs):
            loc_acc, m_acc, xm_acc = accs
            sl = pl.ds(g * 16, 16)
            cx = cbuf[sl]
            cy = cbuf[pl.ds(_PPW + g * 16, 16)]
            w = cbuf[pl.ds(2 * _PPW + g * 16, 16)]
            h = cbuf[pl.ds(3 * _PPW + g * 16, 16)]
            ob = cbuf[pl.ds(4 * _PPW + g * 16, 16)]
            hw = w * 0.5
            hh = h * 0.5
            l1 = cx - hw
            r1 = cx + hw
            t1 = cy - hh
            b1 = cy + hh
            a1 = (r1 - l1) * (b1 - t1)
            valid = iota16 < (cnt - g * 16)

            def jg_body(jg, st):
                bi, bu, bj = st
                jo = jg * 16
                l2v = l2_buf[pl.ds(jo, 16)]
                r2v = r2_buf[pl.ds(jo, 16)]
                t2v = t2_buf[pl.ds(jo, 16)]
                b2v = b2_buf[pl.ds(jo, 16)]
                a2v = a2_buf[pl.ds(jo, 16)]

                def leaf(je):
                    l2 = l2v[je]
                    r2 = r2v[je]
                    t2 = t2v[je]
                    b2 = b2v[je]
                    a2 = a2v[je]
                    iw = jnp.maximum(jnp.minimum(r1, r2) - jnp.maximum(l1, l2), 0.0)
                    ih = jnp.maximum(jnp.minimum(b1, b2) - jnp.maximum(t1, t2), 0.0)
                    inter = iw * ih
                    union = (a1 + a2) - inter
                    return inter, union, je

                nodes = []
                for k in range(8):
                    ia, ua, pa = leaf(2 * k)
                    ib, ub, pb = leaf(2 * k + 1)
                    bb = ib * ua > ia * ub
                    nodes.append((jnp.where(bb, ib, ia),
                                  jnp.where(bb, ub, ua),
                                  jnp.where(bb, pb, pa)))
                while len(nodes) > 1:
                    nxt = []
                    for k in range(0, len(nodes), 2):
                        ia, ua, pa = nodes[k]
                        ib, ub, pb = nodes[k + 1]
                        bb = ib * ua > ia * ub
                        nxt.append((jnp.where(bb, ib, ia),
                                    jnp.where(bb, ub, ua),
                                    jnp.where(bb, pb, pa)))
                    nodes = nxt
                gi_, gu_, gp_ = nodes[0]
                better = gi_ * bu > bi * gu_
                bi = jnp.where(better, gi_, bi)
                bu = jnp.where(better, gu_, bu)
                bj = jnp.where(better, jo + gp_, bj)
                return bi, bu, bj

            bi0 = jnp.zeros((16,), jnp.float32)
            bu0 = jnp.ones((16,), jnp.float32)
            bi, bu, bj = lax.fori_loop(0, _NGT_PAD // 16, jg_body,
                                       (bi0, bu0, zeros_i))

            matched = valid & (bi + bi > bu)
            gi = gidx0 + bj
            gcx = plsc.load_gather(gt_v, [gi])
            gcy = plsc.load_gather(gt_v, [gi + _NGT_PAD])
            gw = plsc.load_gather(gt_v, [gi + 2 * _NGT_PAD])
            gh = plsc.load_gather(gt_v, [gi + 3 * _NGT_PAD])
            dcx = cx - gcx
            dcy = cy - gcy
            dw = w - gw
            dh = h - gh
            d = dcx * dcx + dcy * dcy + dw * dw + dh * dh
            zf = jnp.zeros((16,), jnp.float32)
            loc_acc = loc_acc + jnp.where(matched, d, zf)
            m_acc = m_acc + jnp.where(matched, 1.0, 0.0)
            xm_acc = xm_acc + jnp.where(matched, ob, zf)
            return loc_acc, m_acc, xm_acc

        z = jnp.zeros((16,), jnp.float32)
        loc_acc, m_acc, xm_acc = lax.fori_loop(0, ng2, group_body, (z, z, z))
        obase = b * 48
        plsc.store_scatter(out_v, [obase + iota16], loc_acc)
        plsc.store_scatter(out_v, [obase + 16 + iota16], m_acc)
        plsc.store_scatter(out_v, [obase + 32 + iota16], xm_acc)
        return carry
    lax.fori_loop(0, _B, batch_body, 0)

    pltpu.sync_copy(out_v, out_hbm.at[wid])


_sc_match = pl.kernel(
    _sc_body,
    out_type=jax.ShapeDtypeStruct((_NW, _B * 3 * 16), jnp.float32),
    mesh=plsc.VectorSubcoreMesh(core_axis_name="c", subcore_axis_name="s"),
    compiler_params=pltpu.CompilerParams(needs_layout_passes=False),
    scratch_types=[
        pltpu.VMEM((_B, 4, _PPW), jnp.float32),
        pltpu.VMEM((_B, _PPW), jnp.float32),
        pltpu.VMEM((_B * 4 * _NGT_PAD,), jnp.float32),
        pltpu.VMEM((5 * _PPW,), jnp.float32),
        pltpu.VMEM((16,), jnp.float32),
        pltpu.VMEM((_B * 3 * 16,), jnp.float32),
        pltpu.VMEM((_NGT_PAD,), jnp.float32),
        pltpu.VMEM((_NGT_PAD,), jnp.float32),
        pltpu.VMEM((_NGT_PAD,), jnp.float32),
        pltpu.VMEM((_NGT_PAD,), jnp.float32),
        pltpu.VMEM((_NGT_PAD,), jnp.float32),
    ],
)


def _tc_body(obj_ref, minobj_ref, part_ref, out_ref):
    x = obj_ref[...]
    minobj = minobj_ref[0, 0]
    keep = (x > minobj).astype(jnp.float32)
    k_b = jnp.sum(keep, axis=1)
    bce = jnp.maximum(x, 0.0) + jnp.log1p(jnp.exp(-jnp.abs(x)))
    a_b = jnp.sum(keep * bce, axis=1)
    part = part_ref[...].reshape(_NW, _B, 3, 16)
    sums = jnp.sum(jnp.sum(part, axis=3), axis=0)
    loc_sum = sums[:, 0]
    m = sums[:, 1]
    xm = sums[:, 2]
    loc = jnp.where(m > 0, loc_sum / (4.0 * jnp.maximum(m, 1.0)), 0.0)
    obj = (a_b - xm) / k_b
    pen = 0.1 * (k_b - m)
    total = jnp.sum(loc + obj + pen) / _B
    out_ref[...] = jnp.full((1, 1), total, jnp.float32)


_tc_combine = pl.pallas_call(
    _tc_body,
    out_shape=jax.ShapeDtypeStruct((1, 1), jnp.float32),
)


def kernel(batch_y_hat, batch_y, batch_obj_scores, min_obj_score):
    minobj = jnp.asarray(min_obj_score, jnp.float32)

    yhat_p = jnp.pad(batch_y_hat, ((0, 0), (0, _NW * _PPW - _NP), (0, 0)))
    yhat_r = yhat_p.reshape(_B, _NW, _PPW, 4).transpose(1, 0, 3, 2)

    obj_pad = jnp.broadcast_to(minobj, (_B, _NW * _PPW - _NP))
    obj_p = jnp.concatenate([batch_obj_scores, obj_pad], axis=1)
    obj_r = obj_p.reshape(_B, _NW, _PPW).transpose(1, 0, 2)

    gt_r = jnp.pad(batch_y.transpose(0, 2, 1),
                   ((0, 0), (0, 0), (0, _NGT_PAD - _NGT))).reshape(-1)

    minobj_vec = jnp.full((16,), minobj, jnp.float32)

    partials = _sc_match(yhat_r, obj_r, gt_r, minobj_vec)
    out = _tc_combine(batch_obj_scores, minobj.reshape(1, 1), partials)
    return out[0, 0]

# --- scband reference (transcript-rebuilt; emitter-appended) ---
"""Pipeline reference for scband-yolo-loss-5660766896341 (READ-ONLY COPY).

The authoritative reference and input builder live on the scoring server;
editing this copy changes nothing except your own understanding.
"""

import jax, jax.numpy as jnp
import numpy as np


def compute_iou(box1, box2):
    box1 = jnp.concatenate([box1[:, :2] - box1[:, 2:] / 2, box1[:, :2] + box1[:, 2:] / 2], axis=-1)
    box2 = jnp.concatenate([box2[:, :2] - box2[:, 2:] / 2, box2[:, :2] + box2[:, 2:] / 2], axis=-1)
    inter = jnp.clip(jnp.minimum(box1[:, None, 2:], box2[:, 2:]) - jnp.maximum(box1[:, None, :2], box2[:, :2]), 0, None)
    inter_area = inter[:, :, 0] * inter[:, :, 1]
    area1 = (box1[:, 2] - box1[:, 0]) * (box1[:, 3] - box1[:, 1])
    area2 = (box2[:, 2] - box2[:, 0]) * (box2[:, 3] - box2[:, 1])
    union = area1[:, None] + area2 - inter_area
    return inter_area / union


def bce_with_logits(x, z):
    return jnp.mean(jnp.maximum(x, 0.0) - x * z + jnp.log1p(jnp.exp(-jnp.abs(x))))


def setup_inputs(seed: int = 0):
    key = jax.random.key(seed)
    k1, k2, k3 = jax.random.split(key, 3)
    batch_y_hat = jax.random.uniform(k1, (8, 20000, 4), dtype=jnp.float32)
    batch_y = jax.random.uniform(k2, (8, 100, 4), dtype=jnp.float32)
    batch_obj_scores = jax.random.normal(k3, (8, 20000), dtype=jnp.float32)
    return {"batch_y_hat": batch_y_hat, "batch_y": batch_y, "batch_obj_scores": batch_obj_scores, "min_obj_score": 0}


def reference(batch_y_hat, batch_y, batch_obj_scores, min_obj_score=0):
    iou_threshold = 0.5
    penalty_factor = 0.1
    batch_size = batch_y_hat.shape[0]
    total_loc = 0.0
    total_obj = 0.0
    total_pen = 0.0
    for b in range(batch_size):
        y_hat_full = batch_y_hat[b]
        y = batch_y[b]
        obj_full = batch_obj_scores[b]
        keep = obj_full > min_obj_score
        keep_f = keep.astype(jnp.float32)
        iou = compute_iou(y_hat_full, y)
        max_iou = jnp.max(iou, axis=1)
        match_idx = jnp.argmax(iou, axis=1)
        matched = keep & (max_iou > iou_threshold)
        matched_f = matched.astype(jnp.float32)
        m_count = jnp.sum(matched_f)
        u_count = jnp.sum(keep_f) - m_count
        matched_gt = y[match_idx]
        loc_sum = jnp.sum(((y_hat_full - matched_gt) ** 2) * matched_f[:, None])
        loc = jnp.where(m_count > 0, loc_sum / (4.0 * jnp.maximum(m_count, 1.0)), 0.0)
        total_pen = total_pen + penalty_factor * u_count
        labels = matched_f
        elem = jnp.maximum(obj_full, 0.0) - obj_full * labels + jnp.log1p(jnp.exp(-jnp.abs(obj_full)))
        obj_loss = jnp.sum(elem * keep_f) / jnp.sum(keep_f)
        total_loc = total_loc + loc
        total_obj = total_obj + obj_loss
    return (total_loc + total_obj + total_pen) / batch_size

if __name__ == "__main__":
    import jax
    _d = setup_inputs()
    print(jax.jit(kernel)(*tuple(_d.values())))

</pallas_src>

<mosaic_0001>
#map = affine_map<(d0, d1) -> (0, 0, 0, 0)>
#map1 = affine_map<(d0, d1) -> (0, 0, 0)>
#map2 = affine_map<(d0, d1) -> (0)>
#map3 = affine_map<(d0, d1) -> (0, 0)>
module attributes {stable_mosaic.version = 14 : i64} {
  func.func @_sc_body(%arg0: i32, %arg1: i32, %arg2: memref<32x8x4x640xf32, #tpu.memory_space<hbm>>, %arg3: memref<32x8x640xf32, #tpu.memory_space<hbm>>, %arg4: memref<3584xf32, #tpu.memory_space<hbm>>, %arg5: memref<16xf32, #tpu.memory_space<hbm>>, %arg6: memref<32x384xf32, #tpu.memory_space<hbm>>, %arg7: memref<8x4x640xf32, #tpu.memory_space<vmem>>, %arg8: memref<8x640xf32, #tpu.memory_space<vmem>>, %arg9: memref<3584xf32, #tpu.memory_space<vmem>>, %arg10: memref<3200xf32, #tpu.memory_space<vmem>>, %arg11: memref<16xf32, #tpu.memory_space<vmem>>, %arg12: memref<384xf32, #tpu.memory_space<vmem>>, %arg13: memref<112xf32, #tpu.memory_space<vmem>>, %arg14: memref<112xf32, #tpu.memory_space<vmem>>, %arg15: memref<112xf32, #tpu.memory_space<vmem>>, %arg16: memref<112xf32, #tpu.memory_space<vmem>>, %arg17: memref<112xf32, #tpu.memory_space<vmem>>) attributes {dimension_semantics = [#tpu.dimension_semantics<core_parallel>, #tpu.dimension_semantics<subcore_parallel>], iteration_bounds = array<i64: 2, 16>, scalar_prefetch = 0 : i64, scratch_operands = 11 : i64, tpu.core_type = #tpu.core_type<sc_vector_subcore>, window_params = [{transform_indices = #map}, {transform_indices = #map1}, {transform_indices = #map2}, {transform_indices = #map2}, {transform_indices = #map3}]} {
    %mul3A = arith.constant 2 : i32
    %mul3A_0 = arith.muli %arg1, %mul3A : i32
    %add3A = arith.addi %mul3A_0, %arg0 : i32
    "tpu.region"() ({
      %run_scoped3A = tpu.sem_alloc : memref<!tpu.dma_semaphore, #tpu.memory_space<semaphore_mem>>
      %dma_start3A = arith.constant 0 : i32
      %dma_start3A_8 = arith.constant 0 : i32
      %dma_start3A_9 = arith.constant 0 : i32
      %dma_start3A_10 = tpu.memref_slice %arg2[%add3A, %dma_start3A, %dma_start3A_8, %dma_start3A_9] : memref<32x8x4x640xf32, #tpu.memory_space<hbm>> -> memref<1x8x4x640xf32, #tpu.memory_space<hbm>>
      %dma_start3A_11 = tpu.memref_squeeze %dma_start3A_10 : memref<1x8x4x640xf32, #tpu.memory_space<hbm>> -> memref<8x4x640xf32, #tpu.memory_space<hbm>>
      %dma_start3A_12 = arith.constant 0 : i32
      %dma_start3A_13 = arith.constant 0 : i32
      %dma_start3A_14 = arith.constant 0 : i32
      %dma_start3A_15 = tpu.memref_slice %arg2[%add3A, %dma_start3A_12, %dma_start3A_13, %dma_start3A_14] : memref<32x8x4x640xf32, #tpu.memory_space<hbm>> -> memref<1x8x4x640xf32, #tpu.memory_space<hbm>>
      %dma_start3A_16 = tpu.memref_squeeze %dma_start3A_15 : memref<1x8x4x640xf32, #tpu.memory_space<hbm>> -> memref<8x4x640xf32, #tpu.memory_space<hbm>>
      tpu.enqueue_dma source(%dma_start3A_16 : memref<8x4x640xf32, #tpu.memory_space<hbm>>) target(%arg7 : memref<8x4x640xf32, #tpu.memory_space<vmem>>) target_semaphore(%run_scoped3A : memref<!tpu.dma_semaphore, #tpu.memory_space<semaphore_mem>>)
      %dma_wait3A = arith.constant 0 : i32
      %dma_wait3A_17 = arith.constant 0 : i32
      %dma_wait3A_18 = arith.constant 0 : i32
      %dma_wait3A_19 = tpu.memref_slice %arg2[%add3A, %dma_wait3A, %dma_wait3A_17, %dma_wait3A_18] : memref<32x8x4x640xf32, #tpu.memory_space<hbm>> -> memref<1x8x4x640xf32, #tpu.memory_space<hbm>>
      %dma_wait3A_20 = tpu.memref_squeeze %dma_wait3A_19 : memref<1x8x4x640xf32, #tpu.memory_space<hbm>> -> memref<8x4x640xf32, #tpu.memory_space<hbm>>
      %dma_wait3A_21 = arith.constant 0 : i32
      %dma_wait3A_22 = arith.constant 0 : i32
      %dma_wait3A_23 = arith.constant 0 : i32
      %dma_wait3A_24 = tpu.memref_slice %arg2[%add3A, %dma_wait3A_21, %dma_wait3A_22, %dma_wait3A_23] : memref<32x8x4x640xf32, #tpu.memory_space<hbm>> -> memref<1x8x4x640xf32, #tpu.memory_space<hbm>>
      %dma_wait3A_25 = tpu.memref_squeeze %dma_wait3A_24 : memref<1x8x4x640xf32, #tpu.memory_space<hbm>> -> memref<8x4x640xf32, #tpu.memory_space<hbm>>
      tpu.wait_dma2 semaphore(%run_scoped3A : memref<!tpu.dma_semaphore, #tpu.memory_space<semaphore_mem>>) src(%dma_wait3A_25 : memref<8x4x640xf32, #tpu.memory_space<hbm>>) dst(%arg7 : memref<8x4x640xf32, #tpu.memory_space<vmem>>)
      tpu.yield
    }) : () -> ()
    "tpu.region"() ({
      %run_scoped3A = tpu.sem_alloc : memref<!tpu.dma_semaphore, #tpu.memory_space<semaphore_mem>>
      %dma_start3A = arith.constant 0 : i32
      %dma_start3A_8 = arith.constant 0 : i32
      %dma_start3A_9 = tpu.memref_slice %arg3[%add3A, %dma_start3A, %dma_start3A_8] : memref<32x8x640xf32, #tpu.memory_space<hbm>> -> memref<1x8x640xf32, #tpu.memory_space<hbm>>
      %dma_start3A_10 = tpu.memref_squeeze %dma_start3A_9 : memref<1x8x640xf32, #tpu.memory_space<hbm>> -> memref<8x640xf32, #tpu.memory_space<hbm>>
      %dma_start3A_11 = arith.constant 0 : i32
      %dma_start3A_12 = arith.constant 0 : i32
      %dma_start3A_13 = tpu.memref_slice %arg3[%add3A, %dma_start3A_11, %dma_start3A_12] : memref<32x8x640xf32, #tpu.memory_space<hbm>> -> memref<1x8x640xf32, #tpu.memory_space<hbm>>
      %dma_start3A_14 = tpu.memref_squeeze %dma_start3A_13 : memref<1x8x640xf32, #tpu.memory_space<hbm>> -> memref<8x640xf32, #tpu.memory_space<hbm>>
      tpu.enqueue_dma source(%dma_start3A_14 : memref<8x640xf32, #tpu.memory_space<hbm>>) target(%arg8 : memref<8x640xf32, #tpu.memory_space<vmem>>) target_semaphore(%run_scoped3A : memref<!tpu.dma_semaphore, #tpu.memory_space<semaphore_mem>>)
      %dma_wait3A = arith.constant 0 : i32
      %dma_wait3A_15 = arith.constant 0 : i32
      %dma_wait3A_16 = tpu.memref_slice %arg3[%add3A, %dma_wait3A, %dma_wait3A_15] : memref<32x8x640xf32, #tpu.memory_space<hbm>> -> memref<1x8x640xf32, #tpu.memory_space<hbm>>
      %dma_wait3A_17 = tpu.memref_squeeze %dma_wait3A_16 : memref<1x8x640xf32, #tpu.memory_space<hbm>> -> memref<8x640xf32, #tpu.memory_space<hbm>>
      %dma_wait3A_18 = arith.constant 0 : i32
      %dma_wait3A_19 = arith.constant 0 : i32
      %dma_wait3A_20 = tpu.memref_slice %arg3[%add3A, %dma_wait3A_18, %dma_wait3A_19] : memref<32x8x640xf32, #tpu.memory_space<hbm>> -> memref<1x8x640xf32, #tpu.memory_space<hbm>>
      %dma_wait3A_21 = tpu.memref_squeeze %dma_wait3A_20 : memref<1x8x640xf32, #tpu.memory_space<hbm>> -> memref<8x640xf32, #tpu.memory_space<hbm>>
      tpu.wait_dma2 semaphore(%run_scoped3A : memref<!tpu.dma_semaphore, #tpu.memory_space<semaphore_mem>>) src(%dma_wait3A_21 : memref<8x640xf32, #tpu.memory_space<hbm>>) dst(%arg8 : memref<8x640xf32, #tpu.memory_space<vmem>>)
      tpu.yield
    }) : () -> ()
    "tpu.region"() ({
      %run_scoped3A = tpu.sem_alloc : memref<!tpu.dma_semaphore, #tpu.memory_space<semaphore_mem>>
      tpu.enqueue_dma source(%arg4 : memref<3584xf32, #tpu.memory_space<hbm>>) target(%arg9 : memref<3584xf32, #tpu.memory_space<vmem>>) target_semaphore(%run_scoped3A : memref<!tpu.dma_semaphore, #tpu.memory_space<semaphore_mem>>)
      tpu.wait_dma2 semaphore(%run_scoped3A : memref<!tpu.dma_semaphore, #tpu.memory_space<semaphore_mem>>) src(%arg4 : memref<3584xf32, #tpu.memory_space<hbm>>) dst(%arg9 : memref<3584xf32, #tpu.memory_space<vmem>>)
      tpu.yield
    }) : () -> ()
    "tpu.region"() ({
      %run_scoped3A = tpu.sem_alloc : memref<!tpu.dma_semaphore, #tpu.memory_space<semaphore_mem>>
      tpu.enqueue_dma source(%arg5 : memref<16xf32, #tpu.memory_space<hbm>>) target(%arg11 : memref<16xf32, #tpu.memory_space<vmem>>) target_semaphore(%run_scoped3A : memref<!tpu.dma_semaphore, #tpu.memory_space<semaphore_mem>>)
      tpu.wait_dma2 semaphore(%run_scoped3A : memref<!tpu.dma_semaphore, #tpu.memory_space<semaphore_mem>>) src(%arg5 : memref<16xf32, #tpu.memory_space<hbm>>) dst(%arg11 : memref<16xf32, #tpu.memory_space<vmem>>)
      tpu.yield
    }) : () -> ()
    %get3A = arith.constant 0 : index
    %get3A_1 = tpu.vector_load %arg11[%get3A] {strides = array<i32>} : memref<16xf32, #tpu.memory_space<vmem>>, vector<16xf32>,
    %broadcast_in_dim3A = arith.constant 0 : i32
    %broadcast_in_dim3A_2 = vector.broadcast %broadcast_in_dim3A : i32 to vector<16xi32>
    %iota3A = tpu.iota {dimensions = array<i32: 0>} : vector<16xi32>
    %scan3A = arith.constant 0 : i32
    %scan3A_3 = arith.constant 0 : i32
    %scan3A_4 = arith.constant 8 : i32
    %scan3A_5 = arith.addi %scan3A_3, %scan3A_4 : i32
    %scan3A_6 = arith.constant 1 : i32
    scf.for %scan3A_8 = %scan3A_3 to %scan3A_5 step %scan3A_6  : i32 {
      %mul3A_9 = arith.constant 448 : i32
      %mul3A_10 = arith.muli %scan3A_8, %mul3A_9 : i32
      %broadcast_in_dim3A_11 = vector.broadcast %mul3A_10 : i32 to vector<16xi32>
      %scan3A_12 = arith.constant 0 : i32
      %scan3A_13 = arith.constant 0 : i32
      %scan3A_14 = arith.constant 40 : i32
      %scan3A_15 = arith.addi %scan3A_13, %scan3A_14 : i32
      %scan3A_16 = arith.constant 1 : i32
      %scan3A_17 = scf.for %scan3A_417 = %scan3A_13 to %scan3A_15 step %scan3A_16 iter_args(%scan3A_418 = %scan3A_12) -> (i32)  : i32 {
        %mul3A_419 = arith.constant 16 : i32
        %mul3A_420 = arith.muli %scan3A_417, %mul3A_419 : i32
        %get3A_421 = arith.constant 0 : i32
        %get3A_422 = arith.index_cast %scan3A_8 : i32 to index
        %get3A_423 = arith.index_cast %get3A_421 : i32 to index
        %get3A_424 = arith.index_cast %mul3A_420 : i32 to index
        %get3A_425 = tpu.vector_load %arg7[%get3A_422, %get3A_423, %get3A_424] {strides = array<i32>} : memref<8x4x640xf32, #tpu.memory_space<vmem>>, vector<16xf32>,
        %get3A_426 = arith.constant 1 : i32
        %get3A_427 = arith.index_cast %scan3A_8 : i32 to index
        %get3A_428 = arith.index_cast %get3A_426 : i32 to index
        %get3A_429 = arith.index_cast %mul3A_420 : i32 to index
        %get3A_430 = tpu.vector_load %arg7[%get3A_427, %get3A_428, %get3A_429] {strides = array<i32>} : memref<8x4x640xf32, #tpu.memory_space<vmem>>, vector<16xf32>,
        %get3A_431 = arith.constant 2 : i32
        %get3A_432 = arith.index_cast %scan3A_8 : i32 to index
        %get3A_433 = arith.index_cast %get3A_431 : i32 to index
        %get3A_434 = arith.index_cast %mul3A_420 : i32 to index
        %get3A_435 = tpu.vector_load %arg7[%get3A_432, %get3A_433, %get3A_434] {strides = array<i32>} : memref<8x4x640xf32, #tpu.memory_space<vmem>>, vector<16xf32>,
        %get3A_436 = arith.constant 3 : i32
        %get3A_437 = arith.index_cast %scan3A_8 : i32 to index
        %get3A_438 = arith.index_cast %get3A_436 : i32 to index
        %get3A_439 = arith.index_cast %mul3A_420 : i32 to index
        %get3A_440 = tpu.vector_load %arg7[%get3A_437, %get3A_438, %get3A_439] {strides = array<i32>} : memref<8x4x640xf32, #tpu.memory_space<vmem>>, vector<16xf32>,
        %get3A_441 = arith.index_cast %scan3A_8 : i32 to index
        %get3A_442 = arith.index_cast %mul3A_420 : i32 to index
        %get3A_443 = tpu.vector_load %arg8[%get3A_441, %get3A_442] {strides = array<i32>} : memref<8x640xf32, #tpu.memory_space<vmem>>, vector<16xf32>,
        %gt3A = arith.cmpf ogt, %get3A_443, %get3A_1 : vector<16xf32>
        %convert_element_type3A = arith.extui %gt3A : vector<16xi1> to vector<16xi32>
        %broadcast_in_dim3A_444 = arith.constant true
        %broadcast_in_dim3A_445 = vector.broadcast %broadcast_in_dim3A_444 : i1 to vector<16xi1>
        %masked_cumsum3A = tpu.scan <sum>, %convert_element_type3A masked %broadcast_in_dim3A_445 : vector<16xi32>, vector<16xi1> -> vector<16xi32>
        %sub3A_446 = arith.constant 1 : i32
        %sub3A_447 = arith.subi %scan3A_418, %sub3A_446 : i32
        %add3A_448 = vector.broadcast %sub3A_447 : i32 to vector<16xi32>
        %add3A_449 = arith.addi %add3A_448, %masked_cumsum3A : vector<16xi32>
        tpu.vector_store_idx %arg10[%add3A_449], %get3A_425 masked %gt3A : memref<3200xf32, #tpu.memory_space<vmem>>[vector<16xi32>], vector<16xf32>, vector<16xi1>
        %add3A_450 = arith.constant 640 : i32
        %add3A_451 = vector.broadcast %add3A_450 : i32 to vector<16xi32>
        %add3A_452 = arith.addi %add3A_449, %add3A_451 : vector<16xi32>
        tpu.vector_store_idx %arg10[%add3A_452], %get3A_430 masked %gt3A : memref<3200xf32, #tpu.memory_space<vmem>>[vector<16xi32>], vector<16xf32>, vector<16xi1>
        %add3A_453 = arith.constant 1280 : i32
        %add3A_454 = vector.broadcast %add3A_453 : i32 to vector<16xi32>
        %add3A_455 = arith.addi %add3A_449, %add3A_454 : vector<16xi32>
        tpu.vector_store_idx %arg10[%add3A_455], %get3A_435 masked %gt3A : memref<3200xf32, #tpu.memory_space<vmem>>[vector<16xi32>], vector<16xf32>, vector<16xi1>
        %add3A_456 = arith.constant 1920 : i32
        %add3A_457 = vector.broadcast %add3A_456 : i32 to vector<16xi32>
        %add3A_458 = arith.addi %add3A_449, %add3A_457 : vector<16xi32>
        tpu.vector_store_idx %arg10[%add3A_458], %get3A_440 masked %gt3A : memref<3200xf32, #tpu.memory_space<vmem>>[vector<16xi32>], vector<16xf32>, vector<16xi1>
        %add3A_459 = arith.constant 2560 : i32
        %add3A_460 = vector.broadcast %add3A_459 : i32 to vector<16xi32>
        %add3A_461 = arith.addi %add3A_449, %add3A_460 : vector<16xi32>
        tpu.vector_store_idx %arg10[%add3A_461], %get3A_443 masked %gt3A : memref<3200xf32, #tpu.memory_space<vmem>>[vector<16xi32>], vector<16xf32>, vector<16xi1>
        %slice3A = vector.extract_strided_slice %masked_cumsum3A {offsets = [15], sizes = [1], strides = [1]} : vector<16xi32> to vector<1xi32>
        %squeeze3A = vector.extract %slice3A[0] : i32 from vector<1xi32>
        %add3A_462 = arith.addi %scan3A_418, %squeeze3A : i32
        scf.yield %add3A_462 : i32
      }
      %scan3A_18 = arith.constant 40 : i32
      %add3A_19 = arith.constant 15 : i32
      %add3A_20 = arith.addi %scan3A_17, %add3A_19 : i32
      %jit3A = arith.constant 16 : i32
      %div3A = arith.divsi %add3A_20, %jit3A : i32
      %sign3A = arith.constant 0 : i32
      %sign3A_21 = arith.cmpi sgt, %add3A_20, %sign3A : i32
      %sign3A_22 = arith.extui %sign3A_21 : i1 to i32
      %sign3A_23 = arith.constant 0 : i32
      %sign3A_24 = arith.cmpi slt, %add3A_20, %sign3A_23 : i32
      %sign3A_25 = arith.extui %sign3A_24 : i1 to i32
      %sign3A_26 = arith.subi %sign3A_22, %sign3A_25 : i32
      %sign3A_27 = arith.constant 0 : i32
      %sign3A_28 = arith.cmpi sgt, %jit3A, %sign3A_27 : i32
      %sign3A_29 = arith.extui %sign3A_28 : i1 to i32
      %sign3A_30 = arith.constant 0 : i32
      %sign3A_31 = arith.cmpi slt, %jit3A, %sign3A_30 : i32
      %sign3A_32 = arith.extui %sign3A_31 : i1 to i32
      %sign3A_33 = arith.subi %sign3A_29, %sign3A_32 : i32
      %ne3A = arith.cmpi ne, %sign3A_26, %sign3A_33 : i32
      %rem3A = arith.remsi %add3A_20, %jit3A : i32
      %ne3A_34 = arith.constant 0 : i32
      %ne3A_35 = arith.cmpi ne, %rem3A, %ne3A_34 : i32
      %and3A = arith.andi %ne3A, %ne3A_35 : i1
      %sub3A = arith.constant 1 : i32
      %sub3A_36 = arith.subi %div3A, %sub3A : i32
      %select_n3A = arith.select %and3A, %sub3A_36, %div3A : i32
      %add3A_37 = arith.constant 0 : i32
      %add3A_38 = arith.addi %mul3A_10, %add3A_37 : i32
      %get3A_39 = arith.index_cast %add3A_38 : i32 to index
      %get3A_40 = tpu.vector_load %arg9[%get3A_39] {strides = array<i32>} : memref<3584xf32, #tpu.memory_space<vmem>>, vector<16xf32>,
      %add3A_41 = arith.constant 112 : i32
      %add3A_42 = arith.addi %mul3A_10, %add3A_41 : i32
      %add3A_43 = arith.constant 0 : i32
      %add3A_44 = arith.addi %add3A_42, %add3A_43 : i32
      %get3A_45 = arith.index_cast %add3A_44 : i32 to index
      %get3A_46 = tpu.vector_load %arg9[%get3A_45] {strides = array<i32>} : memref<3584xf32, #tpu.memory_space<vmem>>, vector<16xf32>,
      %add3A_47 = arith.constant 224 : i32
      %add3A_48 = arith.addi %mul3A_10, %add3A_47 : i32
      %add3A_49 = arith.constant 0 : i32
      %add3A_50 = arith.addi %add3A_48, %add3A_49 : i32
      %get3A_51 = arith.index_cast %add3A_50 : i32 to index
      %get3A_52 = tpu.vector_load %arg9[%get3A_51] {strides = array<i32>} : memref<3584xf32, #tpu.memory_space<vmem>>, vector<16xf32>,
      %add3A_53 = arith.constant 336 : i32
      %add3A_54 = arith.addi %mul3A_10, %add3A_53 : i32
      %add3A_55 = arith.constant 0 : i32
      %add3A_56 = arith.addi %add3A_54, %add3A_55 : i32
      %get3A_57 = arith.index_cast %add3A_56 : i32 to index
      %get3A_58 = tpu.vector_load %arg9[%get3A_57] {strides = array<i32>} : memref<3584xf32, #tpu.memory_space<vmem>>, vector<16xf32>,
      %mul3A_59 = arith.constant 5.000000e-01 : f32
      %mul3A_60 = vector.broadcast %mul3A_59 : f32 to vector<16xf32>
      %mul3A_61 = arith.mulf %get3A_52, %mul3A_60 : vector<16xf32>
      %sub3A_62 = arith.subf %get3A_40, %mul3A_61 : vector<16xf32>
      %mul3A_63 = arith.constant 5.000000e-01 : f32
      %mul3A_64 = vector.broadcast %mul3A_63 : f32 to vector<16xf32>
      %mul3A_65 = arith.mulf %get3A_52, %mul3A_64 : vector<16xf32>
      %add3A_66 = arith.addf %get3A_40, %mul3A_65 : vector<16xf32>
      %mul3A_67 = arith.constant 5.000000e-01 : f32
      %mul3A_68 = vector.broadcast %mul3A_67 : f32 to vector<16xf32>
      %mul3A_69 = arith.mulf %get3A_58, %mul3A_68 : vector<16xf32>
      %sub3A_70 = arith.subf %get3A_46, %mul3A_69 : vector<16xf32>
      %mul3A_71 = arith.constant 5.000000e-01 : f32
      %mul3A_72 = vector.broadcast %mul3A_71 : f32 to vector<16xf32>
      %mul3A_73 = arith.mulf %get3A_58, %mul3A_72 : vector<16xf32>
      %add3A_74 = arith.addf %get3A_46, %mul3A_73 : vector<16xf32>
      %swap3A = arith.constant 0 : index
      %swap3A_75 = tpu.vector_load %arg13[%swap3A] {strides = array<i32>} : memref<112xf32, #tpu.memory_space<vmem>>, vector<16xf32>,
      tpu.vector_store %arg13[%swap3A], %sub3A_62 {strides = array<i32>} : memref<112xf32, #tpu.memory_space<vmem>>, vector<16xf32>,
      %swap3A_76 = arith.constant 0 : index
      %swap3A_77 = tpu.vector_load %arg14[%swap3A_76] {strides = array<i32>} : memref<112xf32, #tpu.memory_space<vmem>>, vector<16xf32>,
      tpu.vector_store %arg14[%swap3A_76], %add3A_66 {strides = array<i32>} : memref<112xf32, #tpu.memory_space<vmem>>, vector<16xf32>,
      %swap3A_78 = arith.constant 0 : index
      %swap3A_79 = tpu.vector_load %arg15[%swap3A_78] {strides = array<i32>} : memref<112xf32, #tpu.memory_space<vmem>>, vector<16xf32>,
      tpu.vector_store %arg15[%swap3A_78], %sub3A_70 {strides = array<i32>} : memref<112xf32, #tpu.memory_space<vmem>>, vector<16xf32>,
      %swap3A_80 = arith.constant 0 : index
      %swap3A_81 = tpu.vector_load %arg16[%swap3A_80] {strides = array<i32>} : memref<112xf32, #tpu.memory_space<vmem>>, vector<16xf32>,
      tpu.vector_store %arg16[%swap3A_80], %add3A_74 {strides = array<i32>} : memref<112xf32, #tpu.memory_space<vmem>>, vector<16xf32>,
      %sub3A_82 = arith.subf %add3A_66, %sub3A_62 : vector<16xf32>
      %sub3A_83 = arith.subf %add3A_74, %sub3A_70 : vector<16xf32>
      %mul3A_84 = arith.mulf %sub3A_82, %sub3A_83 : vector<16xf32>
      %swap3A_85 = arith.constant 0 : index
      %swap3A_86 = tpu.vector_load %arg17[%swap3A_85] {strides = array<i32>} : memref<112xf32, #tpu.memory_space<vmem>>, vector<16xf32>,
      tpu.vector_store %arg17[%swap3A_85], %mul3A_84 {strides = array<i32>} : memref<112xf32, #tpu.memory_space<vmem>>, vector<16xf32>,
      %add3A_87 = arith.constant 16 : i32
      %add3A_88 = arith.addi %mul3A_10, %add3A_87 : i32
      %get3A_89 = arith.index_cast %add3A_88 : i32 to index
      %get3A_90 = tpu.vector_load %arg9[%get3A_89] {strides = array<i32>} : memref<3584xf32, #tpu.memory_space<vmem>>, vector<16xf32>,
      %add3A_91 = arith.constant 112 : i32
      %add3A_92 = arith.addi %mul3A_10, %add3A_91 : i32
      %add3A_93 = arith.constant 16 : i32
      %add3A_94 = arith.addi %add3A_92, %add3A_93 : i32
      %get3A_95 = arith.index_cast %add3A_94 : i32 to index
      %get3A_96 = tpu.vector_load %arg9[%get3A_95] {strides = array<i32>} : memref<3584xf32, #tpu.memory_space<vmem>>, vector<16xf32>,
      %add3A_97 = arith.constant 224 : i32
      %add3A_98 = arith.addi %mul3A_10, %add3A_97 : i32
      %add3A_99 = arith.constant 16 : i32
      %add3A_100 = arith.addi %add3A_98, %add3A_99 : i32
      %get3A_101 = arith.index_cast %add3A_100 : i32 to index
      %get3A_102 = tpu.vector_load %arg9[%get3A_101] {strides = array<i32>} : memref<3584xf32, #tpu.memory_space<vmem>>, vector<16xf32>,
      %add3A_103 = arith.constant 336 : i32
      %add3A_104 = arith.addi %mul3A_10, %add3A_103 : i32
      %add3A_105 = arith.constant 16 : i32
      %add3A_106 = arith.addi %add3A_104, %add3A_105 : i32
      %get3A_107 = arith.index_cast %add3A_106 : i32 to index
      %get3A_108 = tpu.vector_load %arg9[%get3A_107] {strides = array<i32>} : memref<3584xf32, #tpu.memory_space<vmem>>, vector<16xf32>,
      %mul3A_109 = arith.constant 5.000000e-01 : f32
      %mul3A_110 = vector.broadcast %mul3A_109 : f32 to vector<16xf32>
      %mul3A_111 = arith.mulf %get3A_102, %mul3A_110 : vector<16xf32>
      %sub3A_112 = arith.subf %get3A_90, %mul3A_111 : vector<16xf32>
      %mul3A_113 = arith.constant 5.000000e-01 : f32
      %mul3A_114 = vector.broadcast %mul3A_113 : f32 to vector<16xf32>
      %mul3A_115 = arith.mulf %get3A_102, %mul3A_114 : vector<16xf32>
      %add3A_116 = arith.addf %get3A_90, %mul3A_115 : vector<16xf32>
      %mul3A_117 = arith.constant 5.000000e-01 : f32
      %mul3A_118 = vector.broadcast %mul3A_117 : f32 to vector<16xf32>
      %mul3A_119 = arith.mulf %get3A_108, %mul3A_118 : vector<16xf32>
      %sub3A_120 = arith.subf %get3A_96, %mul3A_119 : vector<16xf32>
      %mul3A_121 = arith.constant 5.000000e-01 : f32
      %mul3A_122 = vector.broadcast %mul3A_121 : f32 to vector<16xf32>
      %mul3A_123 = arith.mulf %get3A_108, %mul3A_122 : vector<16xf32>
      %add3A_124 = arith.addf %get3A_96, %mul3A_123 : vector<16xf32>
      %swap3A_125 = arith.constant 16 : index
      %swap3A_126 = tpu.vector_load %arg13[%swap3A_125] {strides = array<i32>} : memref<112xf32, #tpu.memory_space<vmem>>, vector<16xf32>,
      tpu.vector_store %arg13[%swap3A_125], %sub3A_112 {strides = array<i32>} : memref<112xf32, #tpu.memory_space<vmem>>, vector<16xf32>,
      %swap3A_127 = arith.constant 16 : index
      %swap3A_128 = tpu.vector_load %arg14[%swap3A_127] {strides = array<i32>} : memref<112xf32, #tpu.memory_space<vmem>>, vector<16xf32>,
      tpu.vector_store %arg14[%swap3A_127], %add3A_116 {strides = array<i32>} : memref<112xf32, #tpu.memory_space<vmem>>, vector<16xf32>,
      %swap3A_129 = arith.constant 16 : index
      %swap3A_130 = tpu.vector_load %arg15[%swap3A_129] {strides = array<i32>} : memref<112xf32, #tpu.memory_space<vmem>>, vector<16xf32>,
      tpu.vector_store %arg15[%swap3A_129], %sub3A_120 {strides = array<i32>} : memref<112xf32, #tpu.memory_space<vmem>>, vector<16xf32>,
      %swap3A_131 = arith.constant 16 : index
      %swap3A_132 = tpu.vector_load %arg16[%swap3A_131] {strides = array<i32>} : memref<112xf32, #tpu.memory_space<vmem>>, vector<16xf32>,
      tpu.vector_store %arg16[%swap3A_131], %add3A_124 {strides = array<i32>} : memref<112xf32, #tpu.memory_space<vmem>>, vector<16xf32>,
      %sub3A_133 = arith.subf %add3A_116, %sub3A_112 : vector<16xf32>
      %sub3A_134 = arith.subf %add3A_124, %sub3A_120 : vector<16xf32>
      %mul3A_135 = arith.mulf %sub3A_133, %sub3A_134 : vector<16xf32>
      %swap3A_136 = arith.constant 16 : index
      %swap3A_137 = tpu.vector_load %arg17[%swap3A_136] {strides = array<i32>} : memref<112xf32, #tpu.memory_space<vmem>>, vector<16xf32>,
      tpu.vector_store %arg17[%swap3A_136], %mul3A_135 {strides = array<i32>} : memref<112xf32, #tpu.memory_space<vmem>>, vector<16xf32>,
      %add3A_138 = arith.constant 32 : i32
      %add3A_139 = arith.addi %mul3A_10, %add3A_138 : i32
      %get3A_140 = arith.index_cast %add3A_139 : i32 to index
      %get3A_141 = tpu.vector_load %arg9[%get3A_140] {strides = array<i32>} : memref<3584xf32, #tpu.memory_space<vmem>>, vector<16xf32>,
      %add3A_142 = arith.constant 112 : i32
      %add3A_143 = arith.addi %mul3A_10, %add3A_142 : i32
      %add3A_144 = arith.constant 32 : i32
      %add3A_145 = arith.addi %add3A_143, %add3A_144 : i32
      %get3A_146 = arith.index_cast %add3A_145 : i32 to index
      %get3A_147 = tpu.vector_load %arg9[%get3A_146] {strides = array<i32>} : memref<3584xf32, #tpu.memory_space<vmem>>, vector<16xf32>,
      %add3A_148 = arith.constant 224 : i32
      %add3A_149 = arith.addi %mul3A_10, %add3A_148 : i32
      %add3A_150 = arith.constant 32 : i32
      %add3A_151 = arith.addi %add3A_149, %add3A_150 : i32
      %get3A_152 = arith.index_cast %add3A_151 : i32 to index
      %get3A_153 = tpu.vector_load %arg9[%get3A_152] {strides = array<i32>} : memref<3584xf32, #tpu.memory_space<vmem>>, vector<16xf32>,
      %add3A_154 = arith.constant 336 : i32
      %add3A_155 = arith.addi %mul3A_10, %add3A_154 : i32
      %add3A_156 = arith.constant 32 : i32
      %add3A_157 = arith.addi %add3A_155, %add3A_156 : i32
      %get3A_158 = arith.index_cast %add3A_157 : i32 to index
      %get3A_159 = tpu.vector_load %arg9[%get3A_158] {strides = array<i32>} : memref<3584xf32, #tpu.memory_space<vmem>>, vector<16xf32>,
      %mul3A_160 = arith.constant 5.000000e-01 : f32
      %mul3A_161 = vector.broadcast %mul3A_160 : f32 to vector<16xf32>
      %mul3A_162 = arith.mulf %get3A_153, %mul3A_161 : vector<16xf32>
      %sub3A_163 = arith.subf %get3A_141, %mul3A_162 : vector<16xf32>
      %mul3A_164 = arith.constant 5.000000e-01 : f32
      %mul3A_165 = vector.broadcast %mul3A_164 : f32 to vector<16xf32>
      %mul3A_166 = arith.mulf %get3A_153, %mul3A_165 : vector<16xf32>
      %add3A_167 = arith.addf %get3A_141, %mul3A_166 : vector<16xf32>
      %mul3A_168 = arith.constant 5.000000e-01 : f32
      %mul3A_169 = vector.broadcast %mul3A_168 : f32 to vector<16xf32>
      %mul3A_170 = arith.mulf %get3A_159, %mul3A_169 : vector<16xf32>
      %sub3A_171 = arith.subf %get3A_147, %mul3A_170 : vector<16xf32>
      %mul3A_172 = arith.constant 5.000000e-01 : f32
      %mul3A_173 = vector.broadcast %mul3A_172 : f32 to vector<16xf32>
      %mul3A_174 = arith.mulf %get3A_159, %mul3A_173 : vector<16xf32>
      %add3A_175 = arith.addf %get3A_147, %mul3A_174 : vector<16xf32>
      %swap3A_176 = arith.constant 32 : index
      %swap3A_177 = tpu.vector_load %arg13[%swap3A_176] {strides = array<i32>} : memref<112xf32, #tpu.memory_space<vmem>>, vector<16xf32>,
      tpu.vector_store %arg13[%swap3A_176], %sub3A_163 {strides = array<i32>} : memref<112xf32, #tpu.memory_space<vmem>>, vector<16xf32>,
      %swap3A_178 = arith.constant 32 : index
      %swap3A_179 = tpu.vector_load %arg14[%swap3A_178] {strides = array<i32>} : memref<112xf32, #tpu.memory_space<vmem>>, vector<16xf32>,
      tpu.vector_store %arg14[%swap3A_178], %add3A_167 {strides = array<i32>} : memref<112xf32, #tpu.memory_space<vmem>>, vector<16xf32>,
      %swap3A_180 = arith.constant 32 : index
      %swap3A_181 = tpu.vector_load %arg15[%swap3A_180] {strides = array<i32>} : memref<112xf32, #tpu.memory_space<vmem>>, vector<16xf32>,
      tpu.vector_store %arg15[%swap3A_180], %sub3A_171 {strides = array<i32>} : memref<112xf32, #tpu.memory_space<vmem>>, vector<16xf32>,
      %swap3A_182 = arith.constant 32 : index
      %swap3A_183 = tpu.vector_load %arg16[%swap3A_182] {strides = array<i32>} : memref<112xf32, #tpu.memory_space<vmem>>, vector<16xf32>,
      tpu.vector_store %arg16[%swap3A_182], %add3A_175 {strides = array<i32>} : memref<112xf32, #tpu.memory_space<vmem>>, vector<16xf32>,
      %sub3A_184 = arith.subf %add3A_167, %sub3A_163 : vector<16xf32>
      %sub3A_185 = arith.subf %add3A_175, %sub3A_171 : vector<16xf32>
      %mul3A_186 = arith.mulf %sub3A_184, %sub3A_185 : vector<16xf32>
      %swap3A_187 = arith.constant 32 : index
      %swap3A_188 = tpu.vector_load %arg17[%swap3A_187] {strides = array<i32>} : memref<112xf32, #tpu.memory_space<vmem>>, vector<16xf32>,
      tpu.vector_store %arg17[%swap3A_187], %mul3A_186 {strides = array<i32>} : memref<112xf32, #tpu.memory_space<vmem>>, vector<16xf32>,
      %add3A_189 = arith.constant 48 : i32
      %add3A_190 = arith.addi %mul3A_10, %add3A_189 : i32
      %get3A_191 = arith.index_cast %add3A_190 : i32 to index
      %get3A_192 = tpu.vector_load %arg9[%get3A_191] {strides = array<i32>} : memref<3584xf32, #tpu.memory_space<vmem>>, vector<16xf32>,
      %add3A_193 = arith.constant 112 : i32
      %add3A_194 = arith.addi %mul3A_10, %add3A_193 : i32
      %add3A_195 = arith.constant 48 : i32
      %add3A_196 = arith.addi %add3A_194, %add3A_195 : i32
      %get3A_197 = arith.index_cast %add3A_196 : i32 to index
      %get3A_198 = tpu.vector_load %arg9[%get3A_197] {strides = array<i32>} : memref<3584xf32, #tpu.memory_space<vmem>>, vector<16xf32>,
      %add3A_199 = arith.constant 224 : i32
      %add3A_200 = arith.addi %mul3A_10, %add3A_199 : i32
      %add3A_201 = arith.constant 48 : i32
      %add3A_202 = arith.addi %add3A_200, %add3A_201 : i32
      %get3A_203 = arith.index_cast %add3A_202 : i32 to index
      %get3A_204 = tpu.vector_load %arg9[%get3A_203] {strides = array<i32>} : memref<3584xf32, #tpu.memory_space<vmem>>, vector<16xf32>,
      %add3A_205 = arith.constant 336 : i32
      %add3A_206 = arith.addi %mul3A_10, %add3A_205 : i32
      %add3A_207 = arith.constant 48 : i32
      %add3A_208 = arith.addi %add3A_206, %add3A_207 : i32
      %get3A_209 = arith.index_cast %add3A_208 : i32 to index
      %get3A_210 = tpu.vector_load %arg9[%get3A_209] {strides = array<i32>} : memref<3584xf32, #tpu.memory_space<vmem>>, vector<16xf32>,
      %mul3A_211 = arith.constant 5.000000e-01 : f32
      %mul3A_212 = vector.broadcast %mul3A_211 : f32 to vector<16xf32>
      %mul3A_213 = arith.mulf %get3A_204, %mul3A_212 : vector<16xf32>
      %sub3A_214 = arith.subf %get3A_192, %mul3A_213 : vector<16xf32>
      %mul3A_215 = arith.constant 5.000000e-01 : f32
      %mul3A_216 = vector.broadcast %mul3A_215 : f32 to vector<16xf32>
      %mul3A_217 = arith.mulf %get3A_204, %mul3A_216 : vector<16xf32>
      %add3A_218 = arith.addf %get3A_192, %mul3A_217 : vector<16xf32>
      %mul3A_219 = arith.constant 5.000000e-01 : f32
      %mul3A_220 = vector.broadcast %mul3A_219 : f32 to vector<16xf32>
      %mul3A_221 = arith.mulf %get3A_210, %mul3A_220 : vector<16xf32>
      %sub3A_222 = arith.subf %get3A_198, %mul3A_221 : vector<16xf32>
      %mul3A_223 = arith.constant 5.000000e-01 : f32
      %mul3A_224 = vector.broadcast %mul3A_223 : f32 to vector<16xf32>
      %mul3A_225 = arith.mulf %get3A_210, %mul3A_224 : vector<16xf32>
      %add3A_226 = arith.addf %get3A_198, %mul3A_225 : vector<16xf32>
      %swap3A_227 = arith.constant 48 : index
      %swap3A_228 = tpu.vector_load %arg13[%swap3A_227] {strides = array<i32>} : memref<112xf32, #tpu.memory_space<vmem>>, vector<16xf32>,
      tpu.vector_store %arg13[%swap3A_227], %sub3A_214 {strides = array<i32>} : memref<112xf32, #tpu.memory_space<vmem>>, vector<16xf32>,
      %swap3A_229 = arith.constant 48 : index
      %swap3A_230 = tpu.vector_load %arg14[%swap3A_229] {strides = array<i32>} : memref<112xf32, #tpu.memory_space<vmem>>, vector<16xf32>,
      tpu.vector_store %arg14[%swap3A_229], %add3A_218 {strides = array<i32>} : memref<112xf32, #tpu.memory_space<vmem>>, vector<16xf32>,
      %swap3A_231 = arith.constant 48 : index
      %swap3A_232 = tpu.vector_load %arg15[%swap3A_231] {strides = array<i32>} : memref<112xf32, #tpu.memory_space<vmem>>, vector<16xf32>,
      tpu.vector_store %arg15[%swap3A_231], %sub3A_222 {strides = array<i32>} : memref<112xf32, #tpu.memory_space<vmem>>, vector<16xf32>,
      %swap3A_233 = arith.constant 48 : index
      %swap3A_234 = tpu.vector_load %arg16[%swap3A_233] {strides = array<i32>} : memref<112xf32, #tpu.memory_space<vmem>>, vector<16xf32>,
      tpu.vector_store %arg16[%swap3A_233], %add3A_226 {strides = array<i32>} : memref<112xf32, #tpu.memory_space<vmem>>, vector<16xf32>,
      %sub3A_235 = arith.subf %add3A_218, %sub3A_214 : vector<16xf32>
      %sub3A_236 = arith.subf %add3A_226, %sub3A_222 : vector<16xf32>
      %mul3A_237 = arith.mulf %sub3A_235, %sub3A_236 : vector<16xf32>
      %swap3A_238 = arith.constant 48 : index
      %swap3A_239 = tpu.vector_load %arg17[%swap3A_238] {strides = array<i32>} : memref<112xf32, #tpu.memory_space<vmem>>, vector<16xf32>,
      tpu.vector_store %arg17[%swap3A_238], %mul3A_237 {strides = array<i32>} : memref<112xf32, #tpu.memory_space<vmem>>, vector<16xf32>,
      %add3A_240 = arith.constant 64 : i32
      %add3A_241 = arith.addi %mul3A_10, %add3A_240 : i32
      %get3A_242 = arith.index_cast %add3A_241 : i32 to index
      %get3A_243 = tpu.vector_load %arg9[%get3A_242] {strides = array<i32>} : memref<3584xf32, #tpu.memory_space<vmem>>, vector<16xf32>,
      %add3A_244 = arith.constant 112 : i32
      %add3A_245 = arith.addi %mul3A_10, %add3A_244 : i32
      %add3A_246 = arith.constant 64 : i32
      %add3A_247 = arith.addi %add3A_245, %add3A_246 : i32
      %get3A_248 = arith.index_cast %add3A_247 : i32 to index
      %get3A_249 = tpu.vector_load %arg9[%get3A_248] {strides = array<i32>} : memref<3584xf32, #tpu.memory_space<vmem>>, vector<16xf32>,
      %add3A_250 = arith.constant 224 : i32
      %add3A_251 = arith.addi %mul3A_10, %add3A_250 : i32
      %add3A_252 = arith.constant 64 : i32
      %add3A_253 = arith.addi %add3A_251, %add3A_252 : i32
      %get3A_254 = arith.index_cast %add3A_253 : i32 to index
      %get3A_255 = tpu.vector_load %arg9[%get3A_254] {strides = array<i32>} : memref<3584xf32, #tpu.memory_space<vmem>>, vector<16xf32>,
      %add3A_256 = arith.constant 336 : i32
      %add3A_257 = arith.addi %mul3A_10, %add3A_256 : i32
      %add3A_258 = arith.constant 64 : i32
      %add3A_259 = arith.addi %add3A_257, %add3A_258 : i32
      %get3A_260 = arith.index_cast %add3A_259 : i32 to index
      %get3A_261 = tpu.vector_load %arg9[%get3A_260] {strides = array<i32>} : memref<3584xf32, #tpu.memory_space<vmem>>, vector<16xf32>,
      %mul3A_262 = arith.constant 5.000000e-01 : f32
      %mul3A_263 = vector.broadcast %mul3A_262 : f32 to vector<16xf32>
      %mul3A_264 = arith.mulf %get3A_255, %mul3A_263 : vector<16xf32>
      %sub3A_265 = arith.subf %get3A_243, %mul3A_264 : vector<16xf32>
      %mul3A_266 = arith.constant 5.000000e-01 : f32
      %mul3A_267 = vector.broadcast %mul3A_266 : f32 to vector<16xf32>
      %mul3A_268 = arith.mulf %get3A_255, %mul3A_267 : vector<16xf32>
      %add3A_269 = arith.addf %get3A_243, %mul3A_268 : vector<16xf32>
      %mul3A_270 = arith.constant 5.000000e-01 : f32
      %mul3A_271 = vector.broadcast %mul3A_270 : f32 to vector<16xf32>
      %mul3A_272 = arith.mulf %get3A_261, %mul3A_271 : vector<16xf32>
      %sub3A_273 = arith.subf %get3A_249, %mul3A_272 : vector<16xf32>
      %mul3A_274 = arith.constant 5.000000e-01 : f32
      %mul3A_275 = vector.broadcast %mul3A_274 : f32 to vector<16xf32>
      %mul3A_276 = arith.mulf %get3A_261, %mul3A_275 : vector<16xf32>
      %add3A_277 = arith.addf %get3A_249, %mul3A_276 : vector<16xf32>
      %swap3A_278 = arith.constant 64 : index
      %swap3A_279 = tpu.vector_load %arg13[%swap3A_278] {strides = array<i32>} : memref<112xf32, #tpu.memory_space<vmem>>, vector<16xf32>,
      tpu.vector_store %arg13[%swap3A_278], %sub3A_265 {strides = array<i32>} : memref<112xf32, #tpu.memory_space<vmem>>, vector<16xf32>,
      %swap3A_280 = arith.constant 64 : index
      %swap3A_281 = tpu.vector_load %arg14[%swap3A_280] {strides = array<i32>} : memref<112xf32, #tpu.memory_space<vmem>>, vector<16xf32>,
      tpu.vector_store %arg14[%swap3A_280], %add3A_269 {strides = array<i32>} : memref<112xf32, #tpu.memory_space<vmem>>, vector<16xf32>,
      %swap3A_282 = arith.constant 64 : index
      %swap3A_283 = tpu.vector_load %arg15[%swap3A_282] {strides = array<i32>} : memref<112xf32, #tpu.memory_space<vmem>>, vector<16xf32>,
      tpu.vector_store %arg15[%swap3A_282], %sub3A_273 {strides = array<i32>} : memref<112xf32, #tpu.memory_space<vmem>>, vector<16xf32>,
      %swap3A_284 = arith.constant 64 : index
      %swap3A_285 = tpu.vector_load %arg16[%swap3A_284] {strides = array<i32>} : memref<112xf32, #tpu.memory_space<vmem>>, vector<16xf32>,
      tpu.vector_store %arg16[%swap3A_284], %add3A_277 {strides = array<i32>} : memref<112xf32, #tpu.memory_space<vmem>>, vector<16xf32>,
      %sub3A_286 = arith.subf %add3A_269, %sub3A_265 : vector<16xf32>
      %sub3A_287 = arith.subf %add3A_277, %sub3A_273 : vector<16xf32>
      %mul3A_288 = arith.mulf %sub3A_286, %sub3A_287 : vector<16xf32>
      %swap3A_289 = arith.constant 64 : index
      %swap3A_290 = tpu.vector_load %arg17[%swap3A_289] {strides = array<i32>} : memref<112xf32, #tpu.memory_space<vmem>>, vector<16xf32>,
      tpu.vector_store %arg17[%swap3A_289], %mul3A_288 {strides = array<i32>} : memref<112xf32, #tpu.memory_space<vmem>>, vector<16xf32>,
      %add3A_291 = arith.constant 80 : i32
      %add3A_292 = arith.addi %mul3A_10, %add3A_291 : i32
      %get3A_293 = arith.index_cast %add3A_292 : i32 to index
      %get3A_294 = tpu.vector_load %arg9[%get3A_293] {strides = array<i32>} : memref<3584xf32, #tpu.memory_space<vmem>>, vector<16xf32>,
      %add3A_295 = arith.constant 112 : i32
      %add3A_296 = arith.addi %mul3A_10, %add3A_295 : i32
      %add3A_297 = arith.constant 80 : i32
      %add3A_298 = arith.addi %add3A_296, %add3A_297 : i32
      %get3A_299 = arith.index_cast %add3A_298 : i32 to index
      %get3A_300 = tpu.vector_load %arg9[%get3A_299] {strides = array<i32>} : memref<3584xf32, #tpu.memory_space<vmem>>, vector<16xf32>,
      %add3A_301 = arith.constant 224 : i32
      %add3A_302 = arith.addi %mul3A_10, %add3A_301 : i32
      %add3A_303 = arith.constant 80 : i32
      %add3A_304 = arith.addi %add3A_302, %add3A_303 : i32
      %get3A_305 = arith.index_cast %add3A_304 : i32 to index
      %get3A_306 = tpu.vector_load %arg9[%get3A_305] {strides = array<i32>} : memref<3584xf32, #tpu.memory_space<vmem>>, vector<16xf32>,
      %add3A_307 = arith.constant 336 : i32
      %add3A_308 = arith.addi %mul3A_10, %add3A_307 : i32
      %add3A_309 = arith.constant 80 : i32
      %add3A_310 = arith.addi %add3A_308, %add3A_309 : i32
      %get3A_311 = arith.index_cast %add3A_310 : i32 to index
      %get3A_312 = tpu.vector_load %arg9[%get3A_311] {strides = array<i32>} : memref<3584xf32, #tpu.memory_space<vmem>>, vector<16xf32>,
      %mul3A_313 = arith.constant 5.000000e-01 : f32
      %mul3A_314 = vector.broadcast %mul3A_313 : f32 to vector<16xf32>
      %mul3A_315 = arith.mulf %get3A_306, %mul3A_314 : vector<16xf32>
      %sub3A_316 = arith.subf %get3A_294, %mul3A_315 : vector<16xf32>
      %mul3A_317 = arith.constant 5.000000e-01 : f32
      %mul3A_318 = vector.broadcast %mul3A_317 : f32 to vector<16xf32>
      %mul3A_319 = arith.mulf %get3A_306, %mul3A_318 : vector<16xf32>
      %add3A_320 = arith.addf %get3A_294, %mul3A_319 : vector<16xf32>
      %mul3A_321 = arith.constant 5.000000e-01 : f32
      %mul3A_322 = vector.broadcast %mul3A_321 : f32 to vector<16xf32>
      %mul3A_323 = arith.mulf %get3A_312, %mul3A_322 : vector<16xf32>
      %sub3A_324 = arith.subf %get3A_300, %mul3A_323 : vector<16xf32>
      %mul3A_325 = arith.constant 5.000000e-01 : f32
      %mul3A_326 = vector.broadcast %mul3A_325 : f32 to vector<16xf32>
      %mul3A_327 = arith.mulf %get3A_312, %mul3A_326 : vector<16xf32>
      %add3A_328 = arith.addf %get3A_300, %mul3A_327 : vector<16xf32>
      %swap3A_329 = arith.constant 80 : index
      %swap3A_330 = tpu.vector_load %arg13[%swap3A_329] {strides = array<i32>} : memref<112xf32, #tpu.memory_space<vmem>>, vector<16xf32>,
      tpu.vector_store %arg13[%swap3A_329], %sub3A_316 {strides = array<i32>} : memref<112xf32, #tpu.memory_space<vmem>>, vector<16xf32>,
      %swap3A_331 = arith.constant 80 : index
      %swap3A_332 = tpu.vector_load %arg14[%swap3A_331] {strides = array<i32>} : memref<112xf32, #tpu.memory_space<vmem>>, vector<16xf32>,
      tpu.vector_store %arg14[%swap3A_331], %add3A_320 {strides = array<i32>} : memref<112xf32, #tpu.memory_space<vmem>>, vector<16xf32>,
      %swap3A_333 = arith.constant 80 : index
      %swap3A_334 = tpu.vector_load %arg15[%swap3A_333] {strides = array<i32>} : memref<112xf32, #tpu.memory_space<vmem>>, vector<16xf32>,
      tpu.vector_store %arg15[%swap3A_333], %sub3A_324 {strides = array<i32>} : memref<112xf32, #tpu.memory_space<vmem>>, vector<16xf32>,
      %swap3A_335 = arith.constant 80 : index
      %swap3A_336 = tpu.vector_load %arg16[%swap3A_335] {strides = array<i32>} : memref<112xf32, #tpu.memory_space<vmem>>, vector<16xf32>,
      tpu.vector_store %arg16[%swap3A_335], %add3A_328 {strides = array<i32>} : memref<112xf32, #tpu.memory_space<vmem>>, vector<16xf32>,
      %sub3A_337 = arith.subf %add3A_320, %sub3A_316 : vector<16xf32>
      %sub3A_338 = arith.subf %add3A_328, %sub3A_324 : vector<16xf32>
      %mul3A_339 = arith.mulf %sub3A_337, %sub3A_338 : vector<16xf32>
      %swap3A_340 = arith.constant 80 : index
      %swap3A_341 = tpu.vector_load %arg17[%swap3A_340] {strides = array<i32>} : memref<112xf32, #tpu.memory_space<vmem>>, vector<16xf32>,
      tpu.vector_store %arg17[%swap3A_340], %mul3A_339 {strides = array<i32>} : memref<112xf32, #tpu.memory_space<vmem>>, vector<16xf32>,
      %add3A_342 = arith.constant 96 : i32
      %add3A_343 = arith.addi %mul3A_10, %add3A_342 : i32
      %get3A_344 = arith.index_cast %add3A_343 : i32 to index
      %get3A_345 = tpu.vector_load %arg9[%get3A_344] {strides = array<i32>} : memref<3584xf32, #tpu.memory_space<vmem>>, vector<16xf32>,
      %add3A_346 = arith.constant 112 : i32
      %add3A_347 = arith.addi %mul3A_10, %add3A_346 : i32
      %add3A_348 = arith.constant 96 : i32
      %add3A_349 = arith.addi %add3A_347, %add3A_348 : i32
      %get3A_350 = arith.index_cast %add3A_349 : i32 to index
      %get3A_351 = tpu.vector_load %arg9[%get3A_350] {strides = array<i32>} : memref<3584xf32, #tpu.memory_space<vmem>>, vector<16xf32>,
      %add3A_352 = arith.constant 224 : i32
      %add3A_353 = arith.addi %mul3A_10, %add3A_352 : i32
      %add3A_354 = arith.constant 96 : i32
      %add3A_355 = arith.addi %add3A_353, %add3A_354 : i32
      %get3A_356 = arith.index_cast %add3A_355 : i32 to index
      %get3A_357 = tpu.vector_load %arg9[%get3A_356] {strides = array<i32>} : memref<3584xf32, #tpu.memory_space<vmem>>, vector<16xf32>,
      %add3A_358 = arith.constant 336 : i32
      %add3A_359 = arith.addi %mul3A_10, %add3A_358 : i32
      %add3A_360 = arith.constant 96 : i32
      %add3A_361 = arith.addi %add3A_359, %add3A_360 : i32
      %get3A_362 = arith.index_cast %add3A_361 : i32 to index
      %get3A_363 = tpu.vector_load %arg9[%get3A_362] {strides = array<i32>} : memref<3584xf32, #tpu.memory_space<vmem>>, vector<16xf32>,
      %mul3A_364 = arith.constant 5.000000e-01 : f32
      %mul3A_365 = vector.broadcast %mul3A_364 : f32 to vector<16xf32>
      %mul3A_366 = arith.mulf %get3A_357, %mul3A_365 : vector<16xf32>
      %sub3A_367 = arith.subf %get3A_345, %mul3A_366 : vector<16xf32>
      %mul3A_368 = arith.constant 5.000000e-01 : f32
      %mul3A_369 = vector.broadcast %mul3A_368 : f32 to vector<16xf32>
      %mul3A_370 = arith.mulf %get3A_357, %mul3A_369 : vector<16xf32>
      %add3A_371 = arith.addf %get3A_345, %mul3A_370 : vector<16xf32>
      %mul3A_372 = arith.constant 5.000000e-01 : f32
      %mul3A_373 = vector.broadcast %mul3A_372 : f32 to vector<16xf32>
      %mul3A_374 = arith.mulf %get3A_363, %mul3A_373 : vector<16xf32>
      %sub3A_375 = arith.subf %get3A_351, %mul3A_374 : vector<16xf32>
      %mul3A_376 = arith.constant 5.000000e-01 : f32
      %mul3A_377 = vector.broadcast %mul3A_376 : f32 to vector<16xf32>
      %mul3A_378 = arith.mulf %get3A_363, %mul3A_377 : vector<16xf32>
      %add3A_379 = arith.addf %get3A_351, %mul3A_378 : vector<16xf32>
      %swap3A_380 = arith.constant 96 : index
      %swap3A_381 = tpu.vector_load %arg13[%swap3A_380] {strides = array<i32>} : memref<112xf32, #tpu.memory_space<vmem>>, vector<16xf32>,
      tpu.vector_store %arg13[%swap3A_380], %sub3A_367 {strides = array<i32>} : memref<112xf32, #tpu.memory_space<vmem>>, vector<16xf32>,
      %swap3A_382 = arith.constant 96 : index
      %swap3A_383 = tpu.vector_load %arg14[%swap3A_382] {strides = array<i32>} : memref<112xf32, #tpu.memory_space<vmem>>, vector<16xf32>,
      tpu.vector_store %arg14[%swap3A_382], %add3A_371 {strides = array<i32>} : memref<112xf32, #tpu.memory_space<vmem>>, vector<16xf32>,
      %swap3A_384 = arith.constant 96 : index
      %swap3A_385 = tpu.vector_load %arg15[%swap3A_384] {strides = array<i32>} : memref<112xf32, #tpu.memory_space<vmem>>, vector<16xf32>,
      tpu.vector_store %arg15[%swap3A_384], %sub3A_375 {strides = array<i32>} : memref<112xf32, #tpu.memory_space<vmem>>, vector<16xf32>,
      %swap3A_386 = arith.constant 96 : index
      %swap3A_387 = tpu.vector_load %arg16[%swap3A_386] {strides = array<i32>} : memref<112xf32, #tpu.memory_space<vmem>>, vector<16xf32>,
      tpu.vector_store %arg16[%swap3A_386], %add3A_379 {strides = array<i32>} : memref<112xf32, #tpu.memory_space<vmem>>, vector<16xf32>,
      %sub3A_388 = arith.subf %add3A_371, %sub3A_367 : vector<16xf32>
      %sub3A_389 = arith.subf %add3A_379, %sub3A_375 : vector<16xf32>
      %mul3A_390 = arith.mulf %sub3A_388, %sub3A_389 : vector<16xf32>
      %swap3A_391 = arith.constant 96 : index
      %swap3A_392 = tpu.vector_load %arg17[%swap3A_391] {strides = array<i32>} : memref<112xf32, #tpu.memory_space<vmem>>, vector<16xf32>,
      tpu.vector_store %arg17[%swap3A_391], %mul3A_390 {strides = array<i32>} : memref<112xf32, #tpu.memory_space<vmem>>, vector<16xf32>,
      %broadcast_in_dim3A_393 = arith.constant 0.000000e+00 : f32
      %broadcast_in_dim3A_394 = vector.broadcast %broadcast_in_dim3A_393 : f32 to vector<16xf32>
      %while3A = arith.constant 0 : i32
      %while3A_395 = arith.subi %select_n3A, %while3A : i32
      %while3A_396 = arith.addi %while3A, %while3A_395 : i32
      %while3A_397 = arith.constant 1 : i32
      %while3A_398 = arith.divsi %while3A_395, %while3A_397 : i32
      %while3A_399 = arith.muli %while3A_398, %while3A_397 : i32
      %while3A_400 = arith.addi %while3A, %while3A_399 : i32
      %while3A_401 = arith.constant 1 : i32
      %while3A_402:3 = scf.for %while3A_417 = %while3A to %while3A_400 step %while3A_401 iter_args(%while3A_418 = %broadcast_in_dim3A_394, %while3A_419 = %broadcast_in_dim3A_394, %while3A_420 = %broadcast_in_dim3A_394) -> (vector<16xf32>, vector<16xf32>, vector<16xf32>)  : i32 {
        %mul3A_421 = arith.constant 16 : i32
        %mul3A_422 = arith.muli %while3A_417, %mul3A_421 : i32
        %get3A_423 = arith.index_cast %mul3A_422 : i32 to index
        %get3A_424 = tpu.vector_load %arg10[%get3A_423] {strides = array<i32>} : memref<3200xf32, #tpu.memory_space<vmem>>, vector<16xf32>,
        %mul3A_425 = arith.constant 16 : i32
        %mul3A_426 = arith.muli %while3A_417, %mul3A_425 : i32
        %add3A_427 = arith.constant 640 : i32
        %add3A_428 = arith.addi %add3A_427, %mul3A_426 : i32
        %get3A_429 = arith.index_cast %add3A_428 : i32 to index
        %get3A_430 = tpu.vector_load %arg10[%get3A_429] {strides = array<i32>} : memref<3200xf32, #tpu.memory_space<vmem>>, vector<16xf32>,
        %mul3A_431 = arith.constant 16 : i32
        %mul3A_432 = arith.muli %while3A_417, %mul3A_431 : i32
        %add3A_433 = arith.constant 1280 : i32
        %add3A_434 = arith.addi %add3A_433, %mul3A_432 : i32
        %get3A_435 = arith.index_cast %add3A_434 : i32 to index
        %get3A_436 = tpu.vector_load %arg10[%get3A_435] {strides = array<i32>} : memref<3200xf32, #tpu.memory_space<vmem>>, vector<16xf32>,
        %mul3A_437 = arith.constant 16 : i32
        %mul3A_438 = arith.muli %while3A_417, %mul3A_437 : i32
        %add3A_439 = arith.constant 1920 : i32
        %add3A_440 = arith.addi %add3A_439, %mul3A_438 : i32
        %get3A_441 = arith.index_cast %add3A_440 : i32 to index
        %get3A_442 = tpu.vector_load %arg10[%get3A_441] {strides = array<i32>} : memref<3200xf32, #tpu.memory_space<vmem>>, vector<16xf32>,
        %mul3A_443 = arith.constant 16 : i32
        %mul3A_444 = arith.muli %while3A_417, %mul3A_443 : i32
        %add3A_445 = arith.constant 2560 : i32
        %add3A_446 = arith.addi %add3A_445, %mul3A_444 : i32
        %get3A_447 = arith.index_cast %add3A_446 : i32 to index
        %get3A_448 = tpu.vector_load %arg10[%get3A_447] {strides = array<i32>} : memref<3200xf32, #tpu.memory_space<vmem>>, vector<16xf32>,
        %mul3A_449 = arith.constant 5.000000e-01 : f32
        %mul3A_450 = vector.broadcast %mul3A_449 : f32 to vector<16xf32>
        %mul3A_451 = arith.mulf %get3A_436, %mul3A_450 : vector<16xf32>
        %mul3A_452 = arith.constant 5.000000e-01 : f32
        %mul3A_453 = vector.broadcast %mul3A_452 : f32 to vector<16xf32>
        %mul3A_454 = arith.mulf %get3A_442, %mul3A_453 : vector<16xf32>
        %sub3A_455 = arith.subf %get3A_424, %mul3A_451 : vector<16xf32>
        %add3A_456 = arith.addf %get3A_424, %mul3A_451 : vector<16xf32>
        %sub3A_457 = arith.subf %get3A_430, %mul3A_454 : vector<16xf32>
        %add3A_458 = arith.addf %get3A_430, %mul3A_454 : vector<16xf32>
        %sub3A_459 = arith.subf %add3A_456, %sub3A_455 : vector<16xf32>
        %sub3A_460 = arith.subf %add3A_458, %sub3A_457 : vector<16xf32>
        %mul3A_461 = arith.mulf %sub3A_459, %sub3A_460 : vector<16xf32>
        %mul3A_462 = arith.constant 16 : i32
        %mul3A_463 = arith.muli %while3A_417, %mul3A_462 : i32
        %sub3A_464 = arith.subi %scan3A_17, %mul3A_463 : i32
        %lt3A = vector.broadcast %sub3A_464 : i32 to vector<16xi32>
        %lt3A_465 = arith.cmpi slt, %iota3A, %lt3A : vector<16xi32>
        %broadcast_in_dim3A_466 = arith.constant 0.000000e+00 : f32
        %broadcast_in_dim3A_467 = vector.broadcast %broadcast_in_dim3A_466 : f32 to vector<16xf32>
        %broadcast_in_dim3A_468 = arith.constant 1.000000e+00 : f32
        %broadcast_in_dim3A_469 = vector.broadcast %broadcast_in_dim3A_468 : f32 to vector<16xf32>
        %scan3A_470 = arith.constant 0 : i32
        %scan3A_471 = arith.constant 7 : i32
        %scan3A_472 = arith.addi %scan3A_470, %scan3A_471 : i32
        %scan3A_473 = arith.constant 1 : i32
        %scan3A_474:3 = scf.for %scan3A_514 = %scan3A_470 to %scan3A_472 step %scan3A_473 iter_args(%scan3A_515 = %broadcast_in_dim3A_467, %scan3A_516 = %broadcast_in_dim3A_469, %scan3A_517 = %broadcast_in_dim3A_2) -> (vector<16xf32>, vector<16xf32>, vector<16xi32>)  : i32 {
          %mul3A_518 = arith.constant 16 : i32
          %mul3A_519 = arith.muli %scan3A_514, %mul3A_518 : i32
          %get3A_520 = arith.index_cast %mul3A_519 : i32 to index
          %get3A_521 = tpu.vector_load %arg13[%get3A_520] {strides = array<i32>} : memref<112xf32, #tpu.memory_space<vmem>>, vector<16xf32>,
          %get3A_522 = arith.index_cast %mul3A_519 : i32 to index
          %get3A_523 = tpu.vector_load %arg14[%get3A_522] {strides = array<i32>} : memref<112xf32, #tpu.memory_space<vmem>>, vector<16xf32>,
          %get3A_524 = arith.index_cast %mul3A_519 : i32 to index
          %get3A_525 = tpu.vector_load %arg15[%get3A_524] {strides = array<i32>} : memref<112xf32, #tpu.memory_space<vmem>>, vector<16xf32>,
          %get3A_526 = arith.index_cast %mul3A_519 : i32 to index
          %get3A_527 = tpu.vector_load %arg16[%get3A_526] {strides = array<i32>} : memref<112xf32, #tpu.memory_space<vmem>>, vector<16xf32>,
          %get3A_528 = arith.index_cast %mul3A_519 : i32 to index
          %get3A_529 = tpu.vector_load %arg17[%get3A_528] {strides = array<i32>} : memref<112xf32, #tpu.memory_space<vmem>>, vector<16xf32>,
          %slice3A = vector.extract_strided_slice %get3A_521 {offsets = [0], sizes = [1], strides = [1]} : vector<16xf32> to vector<1xf32>
          %squeeze3A = vector.extract %slice3A[0] : f32 from vector<1xf32>
          %slice3A_530 = vector.extract_strided_slice %get3A_523 {offsets = [0], sizes = [1], strides = [1]} : vector<16xf32> to vector<1xf32>
          %squeeze3A_531 = vector.extract %slice3A_530[0] : f32 from vector<1xf32>
          %slice3A_532 = vector.extract_strided_slice %get3A_525 {offsets = [0], sizes = [1], strides = [1]} : vector<16xf32> to vector<1xf32>
          %squeeze3A_533 = vector.extract %slice3A_532[0] : f32 from vector<1xf32>
          %slice3A_534 = vector.extract_strided_slice %get3A_527 {offsets = [0], sizes = [1], strides = [1]} : vector<16xf32> to vector<1xf32>
          %squeeze3A_535 = vector.extract %slice3A_534[0] : f32 from vector<1xf32>
          %slice3A_536 = vector.extract_strided_slice %get3A_529 {offsets = [0], sizes = [1], strides = [1]} : vector<16xf32> to vector<1xf32>
          %squeeze3A_537 = vector.extract %slice3A_536[0] : f32 from vector<1xf32>
          %min3A = vector.broadcast %squeeze3A_531 : f32 to vector<16xf32>
          %min3A_538 = arith.minimumf %add3A_456, %min3A : vector<16xf32>
          %max3A = vector.broadcast %squeeze3A : f32 to vector<16xf32>
          %max3A_539 = arith.maximumf %sub3A_455, %max3A : vector<16xf32>
          %sub3A_540 = arith.subf %min3A_538, %max3A_539 : vector<16xf32>
          %max3A_541 = arith.constant 0.000000e+00 : f32
          %max3A_542 = vector.broadcast %max3A_541 : f32 to vector<16xf32>
          %max3A_543 = arith.maximumf %sub3A_540, %max3A_542 : vector<16xf32>
          %min3A_544 = vector.broadcast %squeeze3A_535 : f32 to vector<16xf32>
          %min3A_545 = arith.minimumf %add3A_458, %min3A_544 : vector<16xf32>
          %max3A_546 = vector.broadcast %squeeze3A_533 : f32 to vector<16xf32>
          %max3A_547 = arith.maximumf %sub3A_457, %max3A_546 : vector<16xf32>
          %sub3A_548 = arith.subf %min3A_545, %max3A_547 : vector<16xf32>
          %max3A_549 = arith.constant 0.000000e+00 : f32
          %max3A_550 = vector.broadcast %max3A_549 : f32 to vector<16xf32>
          %max3A_551 = arith.maximumf %sub3A_548, %max3A_550 : vector<16xf32>
          %mul3A_552 = arith.mulf %max3A_543, %max3A_551 : vector<16xf32>
          %add3A_553 = vector.broadcast %squeeze3A_537 : f32 to vector<16xf32>
          %add3A_554 = arith.addf %mul3A_461, %add3A_553 : vector<16xf32>
          %sub3A_555 = arith.subf %add3A_554, %mul3A_552 : vector<16xf32>
          %slice3A_556 = vector.extract_strided_slice %get3A_521 {offsets = [1], sizes = [1], strides = [1]} : vector<16xf32> to vector<1xf32>
          %squeeze3A_557 = vector.extract %slice3A_556[0] : f32 from vector<1xf32>
          %slice3A_558 = vector.extract_strided_slice %get3A_523 {offsets = [1], sizes = [1], strides = [1]} : vector<16xf32> to vector<1xf32>
          %squeeze3A_559 = vector.extract %slice3A_558[0] : f32 from vector<1xf32>
          %slice3A_560 = vector.extract_strided_slice %get3A_525 {offsets = [1], sizes = [1], strides = [1]} : vector<16xf32> to vector<1xf32>
          %squeeze3A_561 = vector.extract %slice3A_560[0] : f32 from vector<1xf32>
          %slice3A_562 = vector.extract_strided_slice %get3A_527 {offsets = [1], sizes = [1], strides = [1]} : vector<16xf32> to vector<1xf32>
          %squeeze3A_563 = vector.extract %slice3A_562[0] : f32 from vector<1xf32>
          %slice3A_564 = vector.extract_strided_slice %get3A_529 {offsets = [1], sizes = [1], strides = [1]} : vector<16xf32> to vector<1xf32>
          %squeeze3A_565 = vector.extract %slice3A_564[0] : f32 from vector<1xf32>
          %min3A_566 = vector.broadcast %squeeze3A_559 : f32 to vector<16xf32>
          %min3A_567 = arith.minimumf %add3A_456, %min3A_566 : vector<16xf32>
          %max3A_568 = vector.broadcast %squeeze3A_557 : f32 to vector<16xf32>
          %max3A_569 = arith.maximumf %sub3A_455, %max3A_568 : vector<16xf32>
          %sub3A_570 = arith.subf %min3A_567, %max3A_569 : vector<16xf32>
          %max3A_571 = arith.constant 0.000000e+00 : f32
          %max3A_572 = vector.broadcast %max3A_571 : f32 to vector<16xf32>
          %max3A_573 = arith.maximumf %sub3A_570, %max3A_572 : vector<16xf32>
          %min3A_574 = vector.broadcast %squeeze3A_563 : f32 to vector<16xf32>
          %min3A_575 = arith.minimumf %add3A_458, %min3A_574 : vector<16xf32>
          %max3A_576 = vector.broadcast %squeeze3A_561 : f32 to vector<16xf32>
          %max3A_577 = arith.maximumf %sub3A_457, %max3A_576 : vector<16xf32>
          %sub3A_578 = arith.subf %min3A_575, %max3A_577 : vector<16xf32>
          %max3A_579 = arith.constant 0.000000e+00 : f32
          %max3A_580 = vector.broadcast %max3A_579 : f32 to vector<16xf32>
          %max3A_581 = arith.maximumf %sub3A_578, %max3A_580 : vector<16xf32>
          %mul3A_582 = arith.mulf %max3A_573, %max3A_581 : vector<16xf32>
          %add3A_583 = vector.broadcast %squeeze3A_565 : f32 to vector<16xf32>
          %add3A_584 = arith.addf %mul3A_461, %add3A_583 : vector<16xf32>
          %sub3A_585 = arith.subf %add3A_584, %mul3A_582 : vector<16xf32>
          %mul3A_586 = arith.mulf %mul3A_582, %sub3A_555 : vector<16xf32>
          %mul3A_587 = arith.mulf %mul3A_552, %sub3A_585 : vector<16xf32>
          %gt3A_588 = arith.cmpf ogt, %mul3A_586, %mul3A_587 : vector<16xf32>
          %select_n3A_589 = arith.select %gt3A_588, %mul3A_582, %mul3A_552 : vector<16xi1>, vector<16xf32>
          %select_n3A_590 = arith.select %gt3A_588, %sub3A_585, %sub3A_555 : vector<16xi1>, vector<16xf32>
          %jit3A_591 = arith.constant 1 : i32
          %jit3A_592 = arith.constant 0 : i32
          %broadcast_in_dim3A_593 = vector.broadcast %jit3A_591 : i32 to vector<16xi32>
          %broadcast_in_dim3A_594 = vector.broadcast %jit3A_592 : i32 to vector<16xi32>
          %select_n3A_595 = arith.select %gt3A_588, %broadcast_in_dim3A_593, %broadcast_in_dim3A_594 : vector<16xi1>, vector<16xi32>
          %slice3A_596 = vector.extract_strided_slice %get3A_521 {offsets = [2], sizes = [1], strides = [1]} : vector<16xf32> to vector<1xf32>
          %squeeze3A_597 = vector.extract %slice3A_596[0] : f32 from vector<1xf32>
          %slice3A_598 = vector.extract_strided_slice %get3A_523 {offsets = [2], sizes = [1], strides = [1]} : vector<16xf32> to vector<1xf32>
          %squeeze3A_599 = vector.extract %slice3A_598[0] : f32 from vector<1xf32>
          %slice3A_600 = vector.extract_strided_slice %get3A_525 {offsets = [2], sizes = [1], strides = [1]} : vector<16xf32> to vector<1xf32>
          %squeeze3A_601 = vector.extract %slice3A_600[0] : f32 from vector<1xf32>
          %slice3A_602 = vector.extract_strided_slice %get3A_527 {offsets = [2], sizes = [1], strides = [1]} : vector<16xf32> to vector<1xf32>
          %squeeze3A_603 = vector.extract %slice3A_602[0] : f32 from vector<1xf32>
          %slice3A_604 = vector.extract_strided_slice %get3A_529 {offsets = [2], sizes = [1], strides = [1]} : vector<16xf32> to vector<1xf32>
          %squeeze3A_605 = vector.extract %slice3A_604[0] : f32 from vector<1xf32>
          %min3A_606 = vector.broadcast %squeeze3A_599 : f32 to vector<16xf32>
          %min3A_607 = arith.minimumf %add3A_456, %min3A_606 : vector<16xf32>
          %max3A_608 = vector.broadcast %squeeze3A_597 : f32 to vector<16xf32>
          %max3A_609 = arith.maximumf %sub3A_455, %max3A_608 : vector<16xf32>
          %sub3A_610 = arith.subf %min3A_607, %max3A_609 : vector<16xf32>
          %max3A_611 = arith.constant 0.000000e+00 : f32
          %max3A_612 = vector.broadcast %max3A_611 : f32 to vector<16xf32>
          %max3A_613 = arith.maximumf %sub3A_610, %max3A_612 : vector<16xf32>
          %min3A_614 = vector.broadcast %squeeze3A_603 : f32 to vector<16xf32>
          %min3A_615 = arith.minimumf %add3A_458, %min3A_614 : vector<16xf32>
          %max3A_616 = vector.broadcast %squeeze3A_601 : f32 to vector<16xf32>
          %max3A_617 = arith.maximumf %sub3A_457, %max3A_616 : vector<16xf32>
          %sub3A_618 = arith.subf %min3A_615, %max3A_617 : vector<16xf32>
          %max3A_619 = arith.constant 0.000000e+00 : f32
          %max3A_620 = vector.broadcast %max3A_619 : f32 to vector<16xf32>
          %max3A_621 = arith.maximumf %sub3A_618, %max3A_620 : vector<16xf32>
          %mul3A_622 = arith.mulf %max3A_613, %max3A_621 : vector<16xf32>
          %add3A_623 = vector.broadcast %squeeze3A_605 : f32 to vector<16xf32>
          %add3A_624 = arith.addf %mul3A_461, %add3A_623 : vector<16xf32>
          %sub3A_625 = arith.subf %add3A_624, %mul3A_622 : vector<16xf32>
          %slice3A_626 = vector.extract_strided_slice %get3A_521 {offsets = [3], sizes = [1], strides = [1]} : vector<16xf32> to vector<1xf32>
          %squeeze3A_627 = vector.extract %slice3A_626[0] : f32 from vector<1xf32>
          %slice3A_628 = vector.extract_strided_slice %get3A_523 {offsets = [3], sizes = [1], strides = [1]} : vector<16xf32> to vector<1xf32>
          %squeeze3A_629 = vector.extract %slice3A_628[0] : f32 from vector<1xf32>
          %slice3A_630 = vector.extract_strided_slice %get3A_525 {offsets = [3], sizes = [1], strides = [1]} : vector<16xf32> to vector<1xf32>
          %squeeze3A_631 = vector.extract %slice3A_630[0] : f32 from vector<1xf32>
          %slice3A_632 = vector.extract_strided_slice %get3A_527 {offsets = [3], sizes = [1], strides = [1]} : vector<16xf32> to vector<1xf32>
          %squeeze3A_633 = vector.extract %slice3A_632[0] : f32 from vector<1xf32>
          %slice3A_634 = vector.extract_strided_slice %get3A_529 {offsets = [3], sizes = [1], strides = [1]} : vector<16xf32> to vector<1xf32>
          %squeeze3A_635 = vector.extract %slice3A_634[0] : f32 from vector<1xf32>
          %min3A_636 = vector.broadcast %squeeze3A_629 : f32 to vector<16xf32>
          %min3A_637 = arith.minimumf %add3A_456, %min3A_636 : vector<16xf32>
          %max3A_638 = vector.broadcast %squeeze3A_627 : f32 to vector<16xf32>
          %max3A_639 = arith.maximumf %sub3A_455, %max3A_638 : vector<16xf32>
          %sub3A_640 = arith.subf %min3A_637, %max3A_639 : vector<16xf32>
          %max3A_641 = arith.constant 0.000000e+00 : f32
          %max3A_642 = vector.broadcast %max3A_641 : f32 to vector<16xf32>
          %max3A_643 = arith.maximumf %sub3A_640, %max3A_642 : vector<16xf32>
          %min3A_644 = vector.broadcast %squeeze3A_633 : f32 to vector<16xf32>
          %min3A_645 = arith.minimumf %add3A_458, %min3A_644 : vector<16xf32>
          %max3A_646 = vector.broadcast %squeeze3A_631 : f32 to vector<16xf32>
          %max3A_647 = arith.maximumf %sub3A_457, %max3A_646 : vector<16xf32>
          %sub3A_648 = arith.subf %min3A_645, %max3A_647 : vector<16xf32>
          %max3A_649 = arith.constant 0.000000e+00 : f32
          %max3A_650 = vector.broadcast %max3A_649 : f32 to vector<16xf32>
          %max3A_651 = arith.maximumf %sub3A_648, %max3A_650 : vector<16xf32>
          %mul3A_652 = arith.mulf %max3A_643, %max3A_651 : vector<16xf32>
          %add3A_653 = vector.broadcast %squeeze3A_635 : f32 to vector<16xf32>
          %add3A_654 = arith.addf %mul3A_461, %add3A_653 : vector<16xf32>
          %sub3A_655 = arith.subf %add3A_654, %mul3A_652 : vector<16xf32>
          %mul3A_656 = arith.mulf %mul3A_652, %sub3A_625 : vector<16xf32>
          %mul3A_657 = arith.mulf %mul3A_622, %sub3A_655 : vector<16xf32>
          %gt3A_658 = arith.cmpf ogt, %mul3A_656, %mul3A_657 : vector<16xf32>
          %select_n3A_659 = arith.select %gt3A_658, %mul3A_652, %mul3A_622 : vector<16xi1>, vector<16xf32>
          %select_n3A_660 = arith.select %gt3A_658, %sub3A_655, %sub3A_625 : vector<16xi1>, vector<16xf32>
          %jit3A_661 = arith.constant 3 : i32
          %jit3A_662 = arith.constant 2 : i32
          %broadcast_in_dim3A_663 = vector.broadcast %jit3A_661 : i32 to vector<16xi32>
          %broadcast_in_dim3A_664 = vector.broadcast %jit3A_662 : i32 to vector<16xi32>
          %select_n3A_665 = arith.select %gt3A_658, %broadcast_in_dim3A_663, %broadcast_in_dim3A_664 : vector<16xi1>, vector<16xi32>
          %slice3A_666 = vector.extract_strided_slice %get3A_521 {offsets = [4], sizes = [1], strides = [1]} : vector<16xf32> to vector<1xf32>
          %squeeze3A_667 = vector.extract %slice3A_666[0] : f32 from vector<1xf32>
          %slice3A_668 = vector.extract_strided_slice %get3A_523 {offsets = [4], sizes = [1], strides = [1]} : vector<16xf32> to vector<1xf32>
          %squeeze3A_669 = vector.extract %slice3A_668[0] : f32 from vector<1xf32>
          %slice3A_670 = vector.extract_strided_slice %get3A_525 {offsets = [4], sizes = [1], strides = [1]} : vector<16xf32> to vector<1xf32>
          %squeeze3A_671 = vector.extract %slice3A_670[0] : f32 from vector<1xf32>
          %slice3A_672 = vector.extract_strided_slice %get3A_527 {offsets = [4], sizes = [1], strides = [1]} : vector<16xf32> to vector<1xf32>
          %squeeze3A_673 = vector.extract %slice3A_672[0] : f32 from vector<1xf32>
          %slice3A_674 = vector.extract_strided_slice %get3A_529 {offsets = [4], sizes = [1], strides = [1]} : vector<16xf32> to vector<1xf32>
          %squeeze3A_675 = vector.extract %slice3A_674[0] : f32 from vector<1xf32>
          %min3A_676 = vector.broadcast %squeeze3A_669 : f32 to vector<16xf32>
          %min3A_677 = arith.minimumf %add3A_456, %min3A_676 : vector<16xf32>
          %max3A_678 = vector.broadcast %squeeze3A_667 : f32 to vector<16xf32>
          %max3A_679 = arith.maximumf %sub3A_455, %max3A_678 : vector<16xf32>
          %sub3A_680 = arith.subf %min3A_677, %max3A_679 : vector<16xf32>
          %max3A_681 = arith.constant 0.000000e+00 : f32
          %max3A_682 = vector.broadcast %max3A_681 : f32 to vector<16xf32>
          %max3A_683 = arith.maximumf %sub3A_680, %max3A_682 : vector<16xf32>
          %min3A_684 = vector.broadcast %squeeze3A_673 : f32 to vector<16xf32>
          %min3A_685 = arith.minimumf %add3A_458, %min3A_684 : vector<16xf32>
          %max3A_686 = vector.broadcast %squeeze3A_671 : f32 to vector<16xf32>
          %max3A_687 = arith.maximumf %sub3A_457, %max3A_686 : vector<16xf32>
          %sub3A_688 = arith.subf %min3A_685, %max3A_687 : vector<16xf32>
          %max3A_689 = arith.constant 0.000000e+00 : f32
          %max3A_690 = vector.broadcast %max3A_689 : f32 to vector<16xf32>
          %max3A_691 = arith.maximumf %sub3A_688, %max3A_690 : vector<16xf32>
          %mul3A_692 = arith.mulf %max3A_683, %max3A_691 : vector<16xf32>
          %add3A_693 = vector.broadcast %squeeze3A_675 : f32 to vector<16xf32>
          %add3A_694 = arith.addf %mul3A_461, %add3A_693 : vector<16xf32>
          %sub3A_695 = arith.subf %add3A_694, %mul3A_692 : vector<16xf32>
          %slice3A_696 = vector.extract_strided_slice %get3A_521 {offsets = [5], sizes = [1], strides = [1]} : vector<16xf32> to vector<1xf32>
          %squeeze3A_697 = vector.extract %slice3A_696[0] : f32 from vector<1xf32>
          %slice3A_698 = vector.extract_strided_slice %get3A_523 {offsets = [5], sizes = [1], strides = [1]} : vector<16xf32> to vector<1xf32>
          %squeeze3A_699 = vector.extract %slice3A_698[0] : f32 from vector<1xf32>
          %slice3A_700 = vector.extract_strided_slice %get3A_525 {offsets = [5], sizes = [1], strides = [1]} : vector<16xf32> to vector<1xf32>
          %squeeze3A_701 = vector.extract %slice3A_700[0] : f32 from vector<1xf32>
          %slice3A_702 = vector.extract_strided_slice %get3A_527 {offsets = [5], sizes = [1], strides = [1]} : vector<16xf32> to vector<1xf32>
          %squeeze3A_703 = vector.extract %slice3A_702[0] : f32 from vector<1xf32>
          %slice3A_704 = vector.extract_strided_slice %get3A_529 {offsets = [5], sizes = [1], strides = [1]} : vector<16xf32> to vector<1xf32>
          %squeeze3A_705 = vector.extract %slice3A_704[0] : f32 from vector<1xf32>
          %min3A_706 = vector.broadcast %squeeze3A_699 : f32 to vector<16xf32>
          %min3A_707 = arith.minimumf %add3A_456, %min3A_706 : vector<16xf32>
          %max3A_708 = vector.broadcast %squeeze3A_697 : f32 to vector<16xf32>
          %max3A_709 = arith.maximumf %sub3A_455, %max3A_708 : vector<16xf32>
          %sub3A_710 = arith.subf %min3A_707, %max3A_709 : vector<16xf32>
          %max3A_711 = arith.constant 0.000000e+00 : f32
          %max3A_712 = vector.broadcast %max3A_711 : f32 to vector<16xf32>
          %max3A_713 = arith.maximumf %sub3A_710, %max3A_712 : vector<16xf32>
          %min3A_714 = vector.broadcast %squeeze3A_703 : f32 to vector<16xf32>
          %min3A_715 = arith.minimumf %add3A_458, %min3A_714 : vector<16xf32>
          %max3A_716 = vector.broadcast %squeeze3A_701 : f32 to vector<16xf32>
          %max3A_717 = arith.maximumf %sub3A_457, %max3A_716 : vector<16xf32>
          %sub3A_718 = arith.subf %min3A_715, %max3A_717 : vector<16xf32>
          %max3A_719 = arith.constant 0.000000e+00 : f32
          %max3A_720 = vector.broadcast %max3A_719 : f32 to vector<16xf32>
          %max3A_721 = arith.maximumf %sub3A_718, %max3A_720 : vector<16xf32>
          %mul3A_722 = arith.mulf %max3A_713, %max3A_721 : vector<16xf32>
          %add3A_723 = vector.broadcast %squeeze3A_705 : f32 to vector<16xf32>
          %add3A_724 = arith.addf %mul3A_461, %add3A_723 : vector<16xf32>
          %sub3A_725 = arith.subf %add3A_724, %mul3A_722 : vector<16xf32>
          %mul3A_726 = arith.mulf %mul3A_722, %sub3A_695 : vector<16xf32>
          %mul3A_727 = arith.mulf %mul3A_692, %sub3A_725 : vector<16xf32>
          %gt3A_728 = arith.cmpf ogt, %mul3A_726, %mul3A_727 : vector<16xf32>
          %select_n3A_729 = arith.select %gt3A_728, %mul3A_722, %mul3A_692 : vector<16xi1>, vector<16xf32>
          %select_n3A_730 = arith.select %gt3A_728, %sub3A_725, %sub3A_695 : vector<16xi1>, vector<16xf32>
          %jit3A_731 = arith.constant 5 : i32
          %jit3A_732 = arith.constant 4 : i32
          %broadcast_in_dim3A_733 = vector.broadcast %jit3A_731 : i32 to vector<16xi32>
          %broadcast_in_dim3A_734 = vector.broadcast %jit3A_732 : i32 to vector<16xi32>
          %select_n3A_735 = arith.select %gt3A_728, %broadcast_in_dim3A_733, %broadcast_in_dim3A_734 : vector<16xi1>, vector<16xi32>
          %slice3A_736 = vector.extract_strided_slice %get3A_521 {offsets = [6], sizes = [1], strides = [1]} : vector<16xf32> to vector<1xf32>
          %squeeze3A_737 = vector.extract %slice3A_736[0] : f32 from vector<1xf32>
          %slice3A_738 = vector.extract_strided_slice %get3A_523 {offsets = [6], sizes = [1], strides = [1]} : vector<16xf32> to vector<1xf32>
          %squeeze3A_739 = vector.extract %slice3A_738[0] : f32 from vector<1xf32>
          %slice3A_740 = vector.extract_strided_slice %get3A_525 {offsets = [6], sizes = [1], strides = [1]} : vector<16xf32> to vector<1xf32>
          %squeeze3A_741 = vector.extract %slice3A_740[0] : f32 from vector<1xf32>
          %slice3A_742 = vector.extract_strided_slice %get3A_527 {offsets = [6], sizes = [1], strides = [1]} : vector<16xf32> to vector<1xf32>
          %squeeze3A_743 = vector.extract %slice3A_742[0] : f32 from vector<1xf32>
          %slice3A_744 = vector.extract_strided_slice %get3A_529 {offsets = [6], sizes = [1], strides = [1]} : vector<16xf32> to vector<1xf32>
          %squeeze3A_745 = vector.extract %slice3A_744[0] : f32 from vector<1xf32>
          %min3A_746 = vector.broadcast %squeeze3A_739 : f32 to vector<16xf32>
          %min3A_747 = arith.minimumf %add3A_456, %min3A_746 : vector<16xf32>
          %max3A_748 = vector.broadcast %squeeze3A_737 : f32 to vector<16xf32>
          %max3A_749 = arith.maximumf %sub3A_455, %max3A_748 : vector<16xf32>
          %sub3A_750 = arith.subf %min3A_747, %max3A_749 : vector<16xf32>
          %max3A_751 = arith.constant 0.000000e+00 : f32
          %max3A_752 = vector.broadcast %max3A_751 : f32 to vector<16xf32>
          %max3A_753 = arith.maximumf %sub3A_750, %max3A_752 : vector<16xf32>
          %min3A_754 = vector.broadcast %squeeze3A_743 : f32 to vector<16xf32>
          %min3A_755 = arith.minimumf %add3A_458, %min3A_754 : vector<16xf32>
          %max3A_756 = vector.broadcast %squeeze3A_741 : f32 to vector<16xf32>
          %max3A_757 = arith.maximumf %sub3A_457, %max3A_756 : vector<16xf32>
          %sub3A_758 = arith.subf %min3A_755, %max3A_757 : vector<16xf32>
          %max3A_759 = arith.constant 0.000000e+00 : f32
          %max3A_760 = vector.broadcast %max3A_759 : f32 to vector<16xf32>
          %max3A_761 = arith.maximumf %sub3A_758, %max3A_760 : vector<16xf32>
          %mul3A_762 = arith.mulf %max3A_753, %max3A_761 : vector<16xf32>
          %add3A_763 = vector.broadcast %squeeze3A_745 : f32 to vector<16xf32>
          %add3A_764 = arith.addf %mul3A_461, %add3A_763 : vector<16xf32>
          %sub3A_765 = arith.subf %add3A_764, %mul3A_762 : vector<16xf32>
          %slice3A_766 = vector.extract_strided_slice %get3A_521 {offsets = [7], sizes = [1], strides = [1]} : vector<16xf32> to vector<1xf32>
          %squeeze3A_767 = vector.extract %slice3A_766[0] : f32 from vector<1xf32>
          %slice3A_768 = vector.extract_strided_slice %get3A_523 {offsets = [7], sizes = [1], strides = [1]} : vector<16xf32> to vector<1xf32>
          %squeeze3A_769 = vector.extract %slice3A_768[0] : f32 from vector<1xf32>
          %slice3A_770 = vector.extract_strided_slice %get3A_525 {offsets = [7], sizes = [1], strides = [1]} : vector<16xf32> to vector<1xf32>
          %squeeze3A_771 = vector.extract %slice3A_770[0] : f32 from vector<1xf32>
          %slice3A_772 = vector.extract_strided_slice %get3A_527 {offsets = [7], sizes = [1], strides = [1]} : vector<16xf32> to vector<1xf32>
          %squeeze3A_773 = vector.extract %slice3A_772[0] : f32 from vector<1xf32>
          %slice3A_774 = vector.extract_strided_slice %get3A_529 {offsets = [7], sizes = [1], strides = [1]} : vector<16xf32> to vector<1xf32>
          %squeeze3A_775 = vector.extract %slice3A_774[0] : f32 from vector<1xf32>
          %min3A_776 = vector.broadcast %squeeze3A_769 : f32 to vector<16xf32>
          %min3A_777 = arith.minimumf %add3A_456, %min3A_776 : vector<16xf32>
          %max3A_778 = vector.broadcast %squeeze3A_767 : f32 to vector<16xf32>
          %max3A_779 = arith.maximumf %sub3A_455, %max3A_778 : vector<16xf32>
          %sub3A_780 = arith.subf %min3A_777, %max3A_779 : vector<16xf32>
          %max3A_781 = arith.constant 0.000000e+00 : f32
          %max3A_782 = vector.broadcast %max3A_781 : f32 to vector<16xf32>
          %max3A_783 = arith.maximumf %sub3A_780, %max3A_782 : vector<16xf32>
          %min3A_784 = vector.broadcast %squeeze3A_773 : f32 to vector<16xf32>
          %min3A_785 = arith.minimumf %add3A_458, %min3A_784 : vector<16xf32>
          %max3A_786 = vector.broadcast %squeeze3A_771 : f32 to vector<16xf32>
          %max3A_787 = arith.maximumf %sub3A_457, %max3A_786 : vector<16xf32>
          %sub3A_788 = arith.subf %min3A_785, %max3A_787 : vector<16xf32>
          %max3A_789 = arith.constant 0.000000e+00 : f32
          %max3A_790 = vector.broadcast %max3A_789 : f32 to vector<16xf32>
          %max3A_791 = arith.maximumf %sub3A_788, %max3A_790 : vector<16xf32>
          %mul3A_792 = arith.mulf %max3A_783, %max3A_791 : vector<16xf32>
          %add3A_793 = vector.broadcast %squeeze3A_775 : f32 to vector<16xf32>
          %add3A_794 = arith.addf %mul3A_461, %add3A_793 : vector<16xf32>
          %sub3A_795 = arith.subf %add3A_794, %mul3A_792 : vector<16xf32>
          %mul3A_796 = arith.mulf %mul3A_792, %sub3A_765 : vector<16xf32>
          %mul3A_797 = arith.mulf %mul3A_762, %sub3A_795 : vector<16xf32>
          %gt3A_798 = arith.cmpf ogt, %mul3A_796, %mul3A_797 : vector<16xf32>
          %select_n3A_799 = arith.select %gt3A_798, %mul3A_792, %mul3A_762 : vector<16xi1>, vector<16xf32>
          %select_n3A_800 = arith.select %gt3A_798, %sub3A_795, %sub3A_765 : vector<16xi1>, vector<16xf32>
          %jit3A_801 = arith.constant 7 : i32
          %jit3A_802 = arith.constant 6 : i32
          %broadcast_in_dim3A_803 = vector.broadcast %jit3A_801 : i32 to vector<16xi32>
          %broadcast_in_dim3A_804 = vector.broadcast %jit3A_802 : i32 to vector<16xi32>
          %select_n3A_805 = arith.select %gt3A_798, %broadcast_in_dim3A_803, %broadcast_in_dim3A_804 : vector<16xi1>, vector<16xi32>
          %slice3A_806 = vector.extract_strided_slice %get3A_521 {offsets = [8], sizes = [1], strides = [1]} : vector<16xf32> to vector<1xf32>
          %squeeze3A_807 = vector.extract %slice3A_806[0] : f32 from vector<1xf32>
          %slice3A_808 = vector.extract_strided_slice %get3A_523 {offsets = [8], sizes = [1], strides = [1]} : vector<16xf32> to vector<1xf32>
          %squeeze3A_809 = vector.extract %slice3A_808[0] : f32 from vector<1xf32>
          %slice3A_810 = vector.extract_strided_slice %get3A_525 {offsets = [8], sizes = [1], strides = [1]} : vector<16xf32> to vector<1xf32>
          %squeeze3A_811 = vector.extract %slice3A_810[0] : f32 from vector<1xf32>
          %slice3A_812 = vector.extract_strided_slice %get3A_527 {offsets = [8], sizes = [1], strides = [1]} : vector<16xf32> to vector<1xf32>
          %squeeze3A_813 = vector.extract %slice3A_812[0] : f32 from vector<1xf32>
          %slice3A_814 = vector.extract_strided_slice %get3A_529 {offsets = [8], sizes = [1], strides = [1]} : vector<16xf32> to vector<1xf32>
          %squeeze3A_815 = vector.extract %slice3A_814[0] : f32 from vector<1xf32>
          %min3A_816 = vector.broadcast %squeeze3A_809 : f32 to vector<16xf32>
          %min3A_817 = arith.minimumf %add3A_456, %min3A_816 : vector<16xf32>
          %max3A_818 = vector.broadcast %squeeze3A_807 : f32 to vector<16xf32>
          %max3A_819 = arith.maximumf %sub3A_455, %max3A_818 : vector<16xf32>
          %sub3A_820 = arith.subf %min3A_817, %max3A_819 : vector<16xf32>
          %max3A_821 = arith.constant 0.000000e+00 : f32
          %max3A_822 = vector.broadcast %max3A_821 : f32 to vector<16xf32>
          %max3A_823 = arith.maximumf %sub3A_820, %max3A_822 : vector<16xf32>
          %min3A_824 = vector.broadcast %squeeze3A_813 : f32 to vector<16xf32>
          %min3A_825 = arith.minimumf %add3A_458, %min3A_824 : vector<16xf32>
          %max3A_826 = vector.broadcast %squeeze3A_811 : f32 to vector<16xf32>
          %max3A_827 = arith.maximumf %sub3A_457, %max3A_826 : vector<16xf32>
          %sub3A_828 = arith.subf %min3A_825, %max3A_827 : vector<16xf32>
          %max3A_829 = arith.constant 0.000000e+00 : f32
          %max3A_830 = vector.broadcast %max3A_829 : f32 to vector<16xf32>
          %max3A_831 = arith.maximumf %sub3A_828, %max3A_830 : vector<16xf32>
          %mul3A_832 = arith.mulf %max3A_823, %max3A_831 : vector<16xf32>
          %add3A_833 = vector.broadcast %squeeze3A_815 : f32 to vector<16xf32>
          %add3A_834 = arith.addf %mul3A_461, %add3A_833 : vector<16xf32>
          %sub3A_835 = arith.subf %add3A_834, %mul3A_832 : vector<16xf32>
          %slice3A_836 = vector.extract_strided_slice %get3A_521 {offsets = [9], sizes = [1], strides = [1]} : vector<16xf32> to vector<1xf32>
          %squeeze3A_837 = vector.extract %slice3A_836[0] : f32 from vector<1xf32>
          %slice3A_838 = vector.extract_strided_slice %get3A_523 {offsets = [9], sizes = [1], strides = [1]} : vector<16xf32> to vector<1xf32>
          %squeeze3A_839 = vector.extract %slice3A_838[0] : f32 from vector<1xf32>
          %slice3A_840 = vector.extract_strided_slice %get3A_525 {offsets = [9], sizes = [1], strides = [1]} : vector<16xf32> to vector<1xf32>
          %squeeze3A_841 = vector.extract %slice3A_840[0] : f32 from vector<1xf32>
          %slice3A_842 = vector.extract_strided_slice %get3A_527 {offsets = [9], sizes = [1], strides = [1]} : vector<16xf32> to vector<1xf32>
          %squeeze3A_843 = vector.extract %slice3A_842[0] : f32 from vector<1xf32>
          %slice3A_844 = vector.extract_strided_slice %get3A_529 {offsets = [9], sizes = [1], strides = [1]} : vector<16xf32> to vector<1xf32>
          %squeeze3A_845 = vector.extract %slice3A_844[0] : f32 from vector<1xf32>
          %min3A_846 = vector.broadcast %squeeze3A_839 : f32 to vector<16xf32>
          %min3A_847 = arith.minimumf %add3A_456, %min3A_846 : vector<16xf32>
          %max3A_848 = vector.broadcast %squeeze3A_837 : f32 to vector<16xf32>
          %max3A_849 = arith.maximumf %sub3A_455, %max3A_848 : vector<16xf32>
          %sub3A_850 = arith.subf %min3A_847, %max3A_849 : vector<16xf32>
          %max3A_851 = arith.constant 0.000000e+00 : f32
          %max3A_852 = vector.broadcast %max3A_851 : f32 to vector<16xf32>
          %max3A_853 = arith.maximumf %sub3A_850, %max3A_852 : vector<16xf32>
          %min3A_854 = vector.broadcast %squeeze3A_843 : f32 to vector<16xf32>
          %min3A_855 = arith.minimumf %add3A_458, %min3A_854 : vector<16xf32>
          %max3A_856 = vector.broadcast %squeeze3A_841 : f32 to vector<16xf32>
          %max3A_857 = arith.maximumf %sub3A_457, %max3A_856 : vector<16xf32>
          %sub3A_858 = arith.subf %min3A_855, %max3A_857 : vector<16xf32>
          %max3A_859 = arith.constant 0.000000e+00 : f32
          %max3A_860 = vector.broadcast %max3A_859 : f32 to vector<16xf32>
          %max3A_861 = arith.maximumf %sub3A_858, %max3A_860 : vector<16xf32>
          %mul3A_862 = arith.mulf %max3A_853, %max3A_861 : vector<16xf32>
          %add3A_863 = vector.broadcast %squeeze3A_845 : f32 to vector<16xf32>
          %add3A_864 = arith.addf %mul3A_461, %add3A_863 : vector<16xf32>
          %sub3A_865 = arith.subf %add3A_864, %mul3A_862 : vector<16xf32>
          %mul3A_866 = arith.mulf %mul3A_862, %sub3A_835 : vector<16xf32>
          %mul3A_867 = arith.mulf %mul3A_832, %sub3A_865 : vector<16xf32>
          %gt3A_868 = arith.cmpf ogt, %mul3A_866, %mul3A_867 : vector<16xf32>
          %select_n3A_869 = arith.select %gt3A_868, %mul3A_862, %mul3A_832 : vector<16xi1>, vector<16xf32>
          %select_n3A_870 = arith.select %gt3A_868, %sub3A_865, %sub3A_835 : vector<16xi1>, vector<16xf32>
          %jit3A_871 = arith.constant 9 : i32
          %jit3A_872 = arith.constant 8 : i32
          %broadcast_in_dim3A_873 = vector.broadcast %jit3A_871 : i32 to vector<16xi32>
          %broadcast_in_dim3A_874 = vector.broadcast %jit3A_872 : i32 to vector<16xi32>
          %select_n3A_875 = arith.select %gt3A_868, %broadcast_in_dim3A_873, %broadcast_in_dim3A_874 : vector<16xi1>, vector<16xi32>
          %slice3A_876 = vector.extract_strided_slice %get3A_521 {offsets = [10], sizes = [1], strides = [1]} : vector<16xf32> to vector<1xf32>
          %squeeze3A_877 = vector.extract %slice3A_876[0] : f32 from vector<1xf32>
          %slice3A_878 = vector.extract_strided_slice %get3A_523 {offsets = [10], sizes = [1], strides = [1]} : vector<16xf32> to vector<1xf32>
          %squeeze3A_879 = vector.extract %slice3A_878[0] : f32 from vector<1xf32>
          %slice3A_880 = vector.extract_strided_slice %get3A_525 {offsets = [10], sizes = [1], strides = [1]} : vector<16xf32> to vector<1xf32>
          %squeeze3A_881 = vector.extract %slice3A_880[0] : f32 from vector<1xf32>
          %slice3A_882 = vector.extract_strided_slice %get3A_527 {offsets = [10], sizes = [1], strides = [1]} : vector<16xf32> to vector<1xf32>
          %squeeze3A_883 = vector.extract %slice3A_882[0] : f32 from vector<1xf32>
          %slice3A_884 = vector.extract_strided_slice %get3A_529 {offsets = [10], sizes = [1], strides = [1]} : vector<16xf32> to vector<1xf32>
          %squeeze3A_885 = vector.extract %slice3A_884[0] : f32 from vector<1xf32>
          %min3A_886 = vector.broadcast %squeeze3A_879 : f32 to vector<16xf32>
          %min3A_887 = arith.minimumf %add3A_456, %min3A_886 : vector<16xf32>
          %max3A_888 = vector.broadcast %squeeze3A_877 : f32 to vector<16xf32>
          %max3A_889 = arith.maximumf %sub3A_455, %max3A_888 : vector<16xf32>
          %sub3A_890 = arith.subf %min3A_887, %max3A_889 : vector<16xf32>
          %max3A_891 = arith.constant 0.000000e+00 : f32
          %max3A_892 = vector.broadcast %max3A_891 : f32 to vector<16xf32>
          %max3A_893 = arith.maximumf %sub3A_890, %max3A_892 : vector<16xf32>
          %min3A_894 = vector.broadcast %squeeze3A_883 : f32 to vector<16xf32>
          %min3A_895 = arith.minimumf %add3A_458, %min3A_894 : vector<16xf32>
          %max3A_896 = vector.broadcast %squeeze3A_881 : f32 to vector<16xf32>
          %max3A_897 = arith.maximumf %sub3A_457, %max3A_896 : vector<16xf32>
          %sub3A_898 = arith.subf %min3A_895, %max3A_897 : vector<16xf32>
          %max3A_899 = arith.constant 0.000000e+00 : f32
          %max3A_900 = vector.broadcast %max3A_899 : f32 to vector<16xf32>
          %max3A_901 = arith.maximumf %sub3A_898, %max3A_900 : vector<16xf32>
          %mul3A_902 = arith.mulf %max3A_893, %max3A_901 : vector<16xf32>
          %add3A_903 = vector.broadcast %squeeze3A_885 : f32 to vector<16xf32>
          %add3A_904 = arith.addf %mul3A_461, %add3A_903 : vector<16xf32>
          %sub3A_905 = arith.subf %add3A_904, %mul3A_902 : vector<16xf32>
          %slice3A_906 = vector.extract_strided_slice %get3A_521 {offsets = [11], sizes = [1], strides = [1]} : vector<16xf32> to vector<1xf32>
          %squeeze3A_907 = vector.extract %slice3A_906[0] : f32 from vector<1xf32>
          %slice3A_908 = vector.extract_strided_slice %get3A_523 {offsets = [11], sizes = [1], strides = [1]} : vector<16xf32> to vector<1xf32>
          %squeeze3A_909 = vector.extract %slice3A_908[0] : f32 from vector<1xf32>
          %slice3A_910 = vector.extract_strided_slice %get3A_525 {offsets = [11], sizes = [1], strides = [1]} : vector<16xf32> to vector<1xf32>
          %squeeze3A_911 = vector.extract %slice3A_910[0] : f32 from vector<1xf32>
          %slice3A_912 = vector.extract_strided_slice %get3A_527 {offsets = [11], sizes = [1], strides = [1]} : vector<16xf32> to vector<1xf32>
          %squeeze3A_913 = vector.extract %slice3A_912[0] : f32 from vector<1xf32>
          %slice3A_914 = vector.extract_strided_slice %get3A_529 {offsets = [11], sizes = [1], strides = [1]} : vector<16xf32> to vector<1xf32>
          %squeeze3A_915 = vector.extract %slice3A_914[0] : f32 from vector<1xf32>
          %min3A_916 = vector.broadcast %squeeze3A_909 : f32 to vector<16xf32>
          %min3A_917 = arith.minimumf %add3A_456, %min3A_916 : vector<16xf32>
          %max3A_918 = vector.broadcast %squeeze3A_907 : f32 to vector<16xf32>
          %max3A_919 = arith.maximumf %sub3A_455, %max3A_918 : vector<16xf32>
          %sub3A_920 = arith.subf %min3A_917, %max3A_919 : vector<16xf32>
          %max3A_921 = arith.constant 0.000000e+00 : f32
          %max3A_922 = vector.broadcast %max3A_921 : f32 to vector<16xf32>
          %max3A_923 = arith.maximumf %sub3A_920, %max3A_922 : vector<16xf32>
          %min3A_924 = vector.broadcast %squeeze3A_913 : f32 to vector<16xf32>
          %min3A_925 = arith.minimumf %add3A_458, %min3A_924 : vector<16xf32>
          %max3A_926 = vector.broadcast %squeeze3A_911 : f32 to vector<16xf32>
          %max3A_927 = arith.maximumf %sub3A_457, %max3A_926 : vector<16xf32>
          %sub3A_928 = arith.subf %min3A_925, %max3A_927 : vector<16xf32>
          %max3A_929 = arith.constant 0.000000e+00 : f32
          %max3A_930 = vector.broadcast %max3A_929 : f32 to vector<16xf32>
          %max3A_931 = arith.maximumf %sub3A_928, %max3A_930 : vector<16xf32>
          %mul3A_932 = arith.mulf %max3A_923, %max3A_931 : vector<16xf32>
          %add3A_933 = vector.broadcast %squeeze3A_915 : f32 to vector<16xf32>
          %add3A_934 = arith.addf %mul3A_461, %add3A_933 : vector<16xf32>
          %sub3A_935 = arith.subf %add3A_934, %mul3A_932 : vector<16xf32>
          %mul3A_936 = arith.mulf %mul3A_932, %sub3A_905 : vector<16xf32>
          %mul3A_937 = arith.mulf %mul3A_902, %sub3A_935 : vector<16xf32>
          %gt3A_938 = arith.cmpf ogt, %mul3A_936, %mul3A_937 : vector<16xf32>
          %select_n3A_939 = arith.select %gt3A_938, %mul3A_932, %mul3A_902 : vector<16xi1>, vector<16xf32>
          %select_n3A_940 = arith.select %gt3A_938, %sub3A_935, %sub3A_905 : vector<16xi1>, vector<16xf32>
          %jit3A_941 = arith.constant 11 : i32
          %jit3A_942 = arith.constant 10 : i32
          %broadcast_in_dim3A_943 = vector.broadcast %jit3A_941 : i32 to vector<16xi32>
          %broadcast_in_dim3A_944 = vector.broadcast %jit3A_942 : i32 to vector<16xi32>
          %select_n3A_945 = arith.select %gt3A_938, %broadcast_in_dim3A_943, %broadcast_in_dim3A_944 : vector<16xi1>, vector<16xi32>
          %slice3A_946 = vector.extract_strided_slice %get3A_521 {offsets = [12], sizes = [1], strides = [1]} : vector<16xf32> to vector<1xf32>
          %squeeze3A_947 = vector.extract %slice3A_946[0] : f32 from vector<1xf32>
          %slice3A_948 = vector.extract_strided_slice %get3A_523 {offsets = [12], sizes = [1], strides = [1]} : vector<16xf32> to vector<1xf32>
          %squeeze3A_949 = vector.extract %slice3A_948[0] : f32 from vector<1xf32>
          %slice3A_950 = vector.extract_strided_slice %get3A_525 {offsets = [12], sizes = [1], strides = [1]} : vector<16xf32> to vector<1xf32>
          %squeeze3A_951 = vector.extract %slice3A_950[0] : f32 from vector<1xf32>
          %slice3A_952 = vector.extract_strided_slice %get3A_527 {offsets = [12], sizes = [1], strides = [1]} : vector<16xf32> to vector<1xf32>
          %squeeze3A_953 = vector.extract %slice3A_952[0] : f32 from vector<1xf32>
          %slice3A_954 = vector.extract_strided_slice %get3A_529 {offsets = [12], sizes = [1], strides = [1]} : vector<16xf32> to vector<1xf32>
          %squeeze3A_955 = vector.extract %slice3A_954[0] : f32 from vector<1xf32>
          %min3A_956 = vector.broadcast %squeeze3A_949 : f32 to vector<16xf32>
          %min3A_957 = arith.minimumf %add3A_456, %min3A_956 : vector<16xf32>
          %max3A_958 = vector.broadcast %squeeze3A_947 : f32 to vector<16xf32>
          %max3A_959 = arith.maximumf %sub3A_455, %max3A_958 : vector<16xf32>
          %sub3A_960 = arith.subf %min3A_957, %max3A_959 : vector<16xf32>
          %max3A_961 = arith.constant 0.000000e+00 : f32
          %max3A_962 = vector.broadcast %max3A_961 : f32 to vector<16xf32>
          %max3A_963 = arith.maximumf %sub3A_960, %max3A_962 : vector<16xf32>
          %min3A_964 = vector.broadcast %squeeze3A_953 : f32 to vector<16xf32>
          %min3A_965 = arith.minimumf %add3A_458, %min3A_964 : vector<16xf32>
          %max3A_966 = vector.broadcast %squeeze3A_951 : f32 to vector<16xf32>
          %max3A_967 = arith.maximumf %sub3A_457, %max3A_966 : vector<16xf32>
          %sub3A_968 = arith.subf %min3A_965, %max3A_967 : vector<16xf32>
          %max3A_969 = arith.constant 0.000000e+00 : f32
          %max3A_970 = vector.broadcast %max3A_969 : f32 to vector<16xf32>
          %max3A_971 = arith.maximumf %sub3A_968, %max3A_970 : vector<16xf32>
          %mul3A_972 = arith.mulf %max3A_963, %max3A_971 : vector<16xf32>
          %add3A_973 = vector.broadcast %squeeze3A_955 : f32 to vector<16xf32>
          %add3A_974 = arith.addf %mul3A_461, %add3A_973 : vector<16xf32>
          %sub3A_975 = arith.subf %add3A_974, %mul3A_972 : vector<16xf32>
          %slice3A_976 = vector.extract_strided_slice %get3A_521 {offsets = [13], sizes = [1], strides = [1]} : vector<16xf32> to vector<1xf32>
          %squeeze3A_977 = vector.extract %slice3A_976[0] : f32 from vector<1xf32>
          %slice3A_978 = vector.extract_strided_slice %get3A_523 {offsets = [13], sizes = [1], strides = [1]} : vector<16xf32> to vector<1xf32>
          %squeeze3A_979 = vector.extract %slice3A_978[0] : f32 from vector<1xf32>
          %slice3A_980 = vector.extract_strided_slice %get3A_525 {offsets = [13], sizes = [1], strides = [1]} : vector<16xf32> to vector<1xf32>
          %squeeze3A_981 = vector.extract %slice3A_980[0] : f32 from vector<1xf32>
          %slice3A_982 = vector.extract_strided_slice %get3A_527 {offsets = [13], sizes = [1], strides = [1]} : vector<16xf32> to vector<1xf32>
          %squeeze3A_983 = vector.extract %slice3A_982[0] : f32 from vector<1xf32>
          %slice3A_984 = vector.extract_strided_slice %get3A_529 {offsets = [13], sizes = [1], strides = [1]} : vector<16xf32> to vector<1xf32>
          %squeeze3A_985 = vector.extract %slice3A_984[0] : f32 from vector<1xf32>
          %min3A_986 = vector.broadcast %squeeze3A_979 : f32 to vector<16xf32>
          %min3A_987 = arith.minimumf %add3A_456, %min3A_986 : vector<16xf32>
          %max3A_988 = vector.broadcast %squeeze3A_977 : f32 to vector<16xf32>
          %max3A_989 = arith.maximumf %sub3A_455, %max3A_988 : vector<16xf32>
          %sub3A_990 = arith.subf %min3A_987, %max3A_989 : vector<16xf32>
          %max3A_991 = arith.constant 0.000000e+00 : f32
          %max3A_992 = vector.broadcast %max3A_991 : f32 to vector<16xf32>
          %max3A_993 = arith.maximumf %sub3A_990, %max3A_992 : vector<16xf32>
          %min3A_994 = vector.broadcast %squeeze3A_983 : f32 to vector<16xf32>
          %min3A_995 = arith.minimumf %add3A_458, %min3A_994 : vector<16xf32>
          %max3A_996 = vector.broadcast %squeeze3A_981 : f32 to vector<16xf32>
          %max3A_997 = arith.maximumf %sub3A_457, %max3A_996 : vector<16xf32>
          %sub3A_998 = arith.subf %min3A_995, %max3A_997 : vector<16xf32>
          %max3A_999 = arith.constant 0.000000e+00 : f32
          %max3A_1000 = vector.broadcast %max3A_999 : f32 to vector<16xf32>
          %max3A_1001 = arith.maximumf %sub3A_998, %max3A_1000 : vector<16xf32>
          %mul3A_1002 = arith.mulf %max3A_993, %max3A_1001 : vector<16xf32>
          %add3A_1003 = vector.broadcast %squeeze3A_985 : f32 to vector<16xf32>
          %add3A_1004 = arith.addf %mul3A_461, %add3A_1003 : vector<16xf32>
          %sub3A_1005 = arith.subf %add3A_1004, %mul3A_1002 : vector<16xf32>
          %mul3A_1006 = arith.mulf %mul3A_1002, %sub3A_975 : vector<16xf32>
          %mul3A_1007 = arith.mulf %mul3A_972, %sub3A_1005 : vector<16xf32>
          %gt3A_1008 = arith.cmpf ogt, %mul3A_1006, %mul3A_1007 : vector<16xf32>
          %select_n3A_1009 = arith.select %gt3A_1008, %mul3A_1002, %mul3A_972 : vector<16xi1>, vector<16xf32>
          %select_n3A_1010 = arith.select %gt3A_1008, %sub3A_1005, %sub3A_975 : vector<16xi1>, vector<16xf32>
          %jit3A_1011 = arith.constant 13 : i32
          %jit3A_1012 = arith.constant 12 : i32
          %broadcast_in_dim3A_1013 = vector.broadcast %jit3A_1011 : i32 to vector<16xi32>
          %broadcast_in_dim3A_1014 = vector.broadcast %jit3A_1012 : i32 to vector<16xi32>
          %select_n3A_1015 = arith.select %gt3A_1008, %broadcast_in_dim3A_1013, %broadcast_in_dim3A_1014 : vector<16xi1>, vector<16xi32>
          %slice3A_1016 = vector.extract_strided_slice %get3A_521 {offsets = [14], sizes = [1], strides = [1]} : vector<16xf32> to vector<1xf32>
          %squeeze3A_1017 = vector.extract %slice3A_1016[0] : f32 from vector<1xf32>
          %slice3A_1018 = vector.extract_strided_slice %get3A_523 {offsets = [14], sizes = [1], strides = [1]} : vector<16xf32> to vector<1xf32>
          %squeeze3A_1019 = vector.extract %slice3A_1018[0] : f32 from vector<1xf32>
          %slice3A_1020 = vector.extract_strided_slice %get3A_525 {offsets = [14], sizes = [1], strides = [1]} : vector<16xf32> to vector<1xf32>
          %squeeze3A_1021 = vector.extract %slice3A_1020[0] : f32 from vector<1xf32>
          %slice3A_1022 = vector.extract_strided_slice %get3A_527 {offsets = [14], sizes = [1], strides = [1]} : vector<16xf32> to vector<1xf32>
          %squeeze3A_1023 = vector.extract %slice3A_1022[0] : f32 from vector<1xf32>
          %slice3A_1024 = vector.extract_strided_slice %get3A_529 {offsets = [14], sizes = [1], strides = [1]} : vector<16xf32> to vector<1xf32>
          %squeeze3A_1025 = vector.extract %slice3A_1024[0] : f32 from vector<1xf32>
          %min3A_1026 = vector.broadcast %squeeze3A_1019 : f32 to vector<16xf32>
          %min3A_1027 = arith.minimumf %add3A_456, %min3A_1026 : vector<16xf32>
          %max3A_1028 = vector.broadcast %squeeze3A_1017 : f32 to vector<16xf32>
          %max3A_1029 = arith.maximumf %sub3A_455, %max3A_1028 : vector<16xf32>
          %sub3A_1030 = arith.subf %min3A_1027, %max3A_1029 : vector<16xf32>
          %max3A_1031 = arith.constant 0.000000e+00 : f32
          %max3A_1032 = vector.broadcast %max3A_1031 : f32 to vector<16xf32>
          %max3A_1033 = arith.maximumf %sub3A_1030, %max3A_1032 : vector<16xf32>
          %min3A_1034 = vector.broadcast %squeeze3A_1023 : f32 to vector<16xf32>
          %min3A_1035 = arith.minimumf %add3A_458, %min3A_1034 : vector<16xf32>
          %max3A_1036 = vector.broadcast %squeeze3A_1021 : f32 to vector<16xf32>
          %max3A_1037 = arith.maximumf %sub3A_457, %max3A_1036 : vector<16xf32>
          %sub3A_1038 = arith.subf %min3A_1035, %max3A_1037 : vector<16xf32>
          %max3A_1039 = arith.constant 0.000000e+00 : f32
          %max3A_1040 = vector.broadcast %max3A_1039 : f32 to vector<16xf32>
          %max3A_1041 = arith.maximumf %sub3A_1038, %max3A_1040 : vector<16xf32>
          %mul3A_1042 = arith.mulf %max3A_1033, %max3A_1041 : vector<16xf32>
          %add3A_1043 = vector.broadcast %squeeze3A_1025 : f32 to vector<16xf32>
          %add3A_1044 = arith.addf %mul3A_461, %add3A_1043 : vector<16xf32>
          %sub3A_1045 = arith.subf %add3A_1044, %mul3A_1042 : vector<16xf32>
          %slice3A_1046 = vector.extract_strided_slice %get3A_521 {offsets = [15], sizes = [1], strides = [1]} : vector<16xf32> to vector<1xf32>
          %squeeze3A_1047 = vector.extract %slice3A_1046[0] : f32 from vector<1xf32>
          %slice3A_1048 = vector.extract_strided_slice %get3A_523 {offsets = [15], sizes = [1], strides = [1]} : vector<16xf32> to vector<1xf32>
          %squeeze3A_1049 = vector.extract %slice3A_1048[0] : f32 from vector<1xf32>
          %slice3A_1050 = vector.extract_strided_slice %get3A_525 {offsets = [15], sizes = [1], strides = [1]} : vector<16xf32> to vector<1xf32>
          %squeeze3A_1051 = vector.extract %slice3A_1050[0] : f32 from vector<1xf32>
          %slice3A_1052 = vector.extract_strided_slice %get3A_527 {offsets = [15], sizes = [1], strides = [1]} : vector<16xf32> to vector<1xf32>
          %squeeze3A_1053 = vector.extract %slice3A_1052[0] : f32 from vector<1xf32>
          %slice3A_1054 = vector.extract_strided_slice %get3A_529 {offsets = [15], sizes = [1], strides = [1]} : vector<16xf32> to vector<1xf32>
          %squeeze3A_1055 = vector.extract %slice3A_1054[0] : f32 from vector<1xf32>
          %min3A_1056 = vector.broadcast %squeeze3A_1049 : f32 to vector<16xf32>
          %min3A_1057 = arith.minimumf %add3A_456, %min3A_1056 : vector<16xf32>
          %max3A_1058 = vector.broadcast %squeeze3A_1047 : f32 to vector<16xf32>
          %max3A_1059 = arith.maximumf %sub3A_455, %max3A_1058 : vector<16xf32>
          %sub3A_1060 = arith.subf %min3A_1057, %max3A_1059 : vector<16xf32>
          %max3A_1061 = arith.constant 0.000000e+00 : f32
          %max3A_1062 = vector.broadcast %max3A_1061 : f32 to vector<16xf32>
          %max3A_1063 = arith.maximumf %sub3A_1060, %max3A_1062 : vector<16xf32>
          %min3A_1064 = vector.broadcast %squeeze3A_1053 : f32 to vector<16xf32>
          %min3A_1065 = arith.minimumf %add3A_458, %min3A_1064 : vector<16xf32>
          %max3A_1066 = vector.broadcast %squeeze3A_1051 : f32 to vector<16xf32>
          %max3A_1067 = arith.maximumf %sub3A_457, %max3A_1066 : vector<16xf32>
          %sub3A_1068 = arith.subf %min3A_1065, %max3A_1067 : vector<16xf32>
          %max3A_1069 = arith.constant 0.000000e+00 : f32
          %max3A_1070 = vector.broadcast %max3A_1069 : f32 to vector<16xf32>
          %max3A_1071 = arith.maximumf %sub3A_1068, %max3A_1070 : vector<16xf32>
          %mul3A_1072 = arith.mulf %max3A_1063, %max3A_1071 : vector<16xf32>
          %add3A_1073 = vector.broadcast %squeeze3A_1055 : f32 to vector<16xf32>
          %add3A_1074 = arith.addf %mul3A_461, %add3A_1073 : vector<16xf32>
          %sub3A_1075 = arith.subf %add3A_1074, %mul3A_1072 : vector<16xf32>
          %mul3A_1076 = arith.mulf %mul3A_1072, %sub3A_1045 : vector<16xf32>
          %mul3A_1077 = arith.mulf %mul3A_1042, %sub3A_1075 : vector<16xf32>
          %gt3A_1078 = arith.cmpf ogt, %mul3A_1076, %mul3A_1077 : vector<16xf32>
          %select_n3A_1079 = arith.select %gt3A_1078, %mul3A_1072, %mul3A_1042 : vector<16xi1>, vector<16xf32>
          %select_n3A_1080 = arith.select %gt3A_1078, %sub3A_1075, %sub3A_1045 : vector<16xi1>, vector<16xf32>
          %jit3A_1081 = arith.constant 15 : i32
          %jit3A_1082 = arith.constant 14 : i32
          %broadcast_in_dim3A_1083 = vector.broadcast %jit3A_1081 : i32 to vector<16xi32>
          %broadcast_in_dim3A_1084 = vector.broadcast %jit3A_1082 : i32 to vector<16xi32>
          %select_n3A_1085 = arith.select %gt3A_1078, %broadcast_in_dim3A_1083, %broadcast_in_dim3A_1084 : vector<16xi1>, vector<16xi32>
          %mul3A_1086 = arith.mulf %select_n3A_659, %select_n3A_590 : vector<16xf32>
          %mul3A_1087 = arith.mulf %select_n3A_589, %select_n3A_660 : vector<16xf32>
          %gt3A_1088 = arith.cmpf ogt, %mul3A_1086, %mul3A_1087 : vector<16xf32>
          %select_n3A_1089 = arith.select %gt3A_1088, %select_n3A_659, %select_n3A_589 : vector<16xi1>, vector<16xf32>
          %select_n3A_1090 = arith.select %gt3A_1088, %select_n3A_660, %select_n3A_590 : vector<16xi1>, vector<16xf32>
          %select_n3A_1091 = arith.select %gt3A_1088, %select_n3A_665, %select_n3A_595 : vector<16xi1>, vector<16xi32>
          %mul3A_1092 = arith.mulf %select_n3A_799, %select_n3A_730 : vector<16xf32>
          %mul3A_1093 = arith.mulf %select_n3A_729, %select_n3A_800 : vector<16xf32>
          %gt3A_1094 = arith.cmpf ogt, %mul3A_1092, %mul3A_1093 : vector<16xf32>
          %select_n3A_1095 = arith.select %gt3A_1094, %select_n3A_799, %select_n3A_729 : vector<16xi1>, vector<16xf32>
          %select_n3A_1096 = arith.select %gt3A_1094, %select_n3A_800, %select_n3A_730 : vector<16xi1>, vector<16xf32>
          %select_n3A_1097 = arith.select %gt3A_1094, %select_n3A_805, %select_n3A_735 : vector<16xi1>, vector<16xi32>
          %mul3A_1098 = arith.mulf %select_n3A_939, %select_n3A_870 : vector<16xf32>
          %mul3A_1099 = arith.mulf %select_n3A_869, %select_n3A_940 : vector<16xf32>
          %gt3A_1100 = arith.cmpf ogt, %mul3A_1098, %mul3A_1099 : vector<16xf32>
          %select_n3A_1101 = arith.select %gt3A_1100, %select_n3A_939, %select_n3A_869 : vector<16xi1>, vector<16xf32>
          %select_n3A_1102 = arith.select %gt3A_1100, %select_n3A_940, %select_n3A_870 : vector<16xi1>, vector<16xf32>
          %select_n3A_1103 = arith.select %gt3A_1100, %select_n3A_945, %select_n3A_875 : vector<16xi1>, vector<16xi32>
          %mul3A_1104 = arith.mulf %select_n3A_1079, %select_n3A_1010 : vector<16xf32>
          %mul3A_1105 = arith.mulf %select_n3A_1009, %select_n3A_1080 : vector<16xf32>
          %gt3A_1106 = arith.cmpf ogt, %mul3A_1104, %mul3A_1105 : vector<16xf32>
          %select_n3A_1107 = arith.select %gt3A_1106, %select_n3A_1079, %select_n3A_1009 : vector<16xi1>, vector<16xf32>
          %select_n3A_1108 = arith.select %gt3A_1106, %select_n3A_1080, %select_n3A_1010 : vector<16xi1>, vector<16xf32>
          %select_n3A_1109 = arith.select %gt3A_1106, %select_n3A_1085, %select_n3A_1015 : vector<16xi1>, vector<16xi32>
          %mul3A_1110 = arith.mulf %select_n3A_1095, %select_n3A_1090 : vector<16xf32>
          %mul3A_1111 = arith.mulf %select_n3A_1089, %select_n3A_1096 : vector<16xf32>
          %gt3A_1112 = arith.cmpf ogt, %mul3A_1110, %mul3A_1111 : vector<16xf32>
          %select_n3A_1113 = arith.select %gt3A_1112, %select_n3A_1095, %select_n3A_1089 : vector<16xi1>, vector<16xf32>
          %select_n3A_1114 = arith.select %gt3A_1112, %select_n3A_1096, %select_n3A_1090 : vector<16xi1>, vector<16xf32>
          %select_n3A_1115 = arith.select %gt3A_1112, %select_n3A_1097, %select_n3A_1091 : vector<16xi1>, vector<16xi32>
          %mul3A_1116 = arith.mulf %select_n3A_1107, %select_n3A_1102 : vector<16xf32>
          %mul3A_1117 = arith.mulf %select_n3A_1101, %select_n3A_1108 : vector<16xf32>
          %gt3A_1118 = arith.cmpf ogt, %mul3A_1116, %mul3A_1117 : vector<16xf32>
          %select_n3A_1119 = arith.select %gt3A_1118, %select_n3A_1107, %select_n3A_1101 : vector<16xi1>, vector<16xf32>
          %select_n3A_1120 = arith.select %gt3A_1118, %select_n3A_1108, %select_n3A_1102 : vector<16xi1>, vector<16xf32>
          %select_n3A_1121 = arith.select %gt3A_1118, %select_n3A_1109, %select_n3A_1103 : vector<16xi1>, vector<16xi32>
          %mul3A_1122 = arith.mulf %select_n3A_1119, %select_n3A_1114 : vector<16xf32>
          %mul3A_1123 = arith.mulf %select_n3A_1113, %select_n3A_1120 : vector<16xf32>
          %gt3A_1124 = arith.cmpf ogt, %mul3A_1122, %mul3A_1123 : vector<16xf32>
          %select_n3A_1125 = arith.select %gt3A_1124, %select_n3A_1119, %select_n3A_1113 : vector<16xi1>, vector<16xf32>
          %select_n3A_1126 = arith.select %gt3A_1124, %select_n3A_1120, %select_n3A_1114 : vector<16xi1>, vector<16xf32>
          %select_n3A_1127 = arith.select %gt3A_1124, %select_n3A_1121, %select_n3A_1115 : vector<16xi1>, vector<16xi32>
          %mul3A_1128 = arith.mulf %select_n3A_1125, %scan3A_516 : vector<16xf32>
          %mul3A_1129 = arith.mulf %scan3A_515, %select_n3A_1126 : vector<16xf32>
          %gt3A_1130 = arith.cmpf ogt, %mul3A_1128, %mul3A_1129 : vector<16xf32>
          %select_n3A_1131 = arith.select %gt3A_1130, %select_n3A_1125, %scan3A_515 : vector<16xi1>, vector<16xf32>
          %select_n3A_1132 = arith.select %gt3A_1130, %select_n3A_1126, %scan3A_516 : vector<16xi1>, vector<16xf32>
          %add3A_1133 = vector.broadcast %mul3A_519 : i32 to vector<16xi32>
          %add3A_1134 = arith.addi %add3A_1133, %select_n3A_1127 : vector<16xi32>
          %select_n3A_1135 = arith.select %gt3A_1130, %add3A_1134, %scan3A_517 : vector<16xi1>, vector<16xi32>
          scf.yield %select_n3A_1131, %select_n3A_1132, %select_n3A_1135 : vector<16xf32>, vector<16xf32>, vector<16xi32>
        }
        %scan3A_475 = arith.constant 7 : i32
        %add3A_476 = arith.addf %scan3A_474#0, %scan3A_474#0 : vector<16xf32>
        %gt3A = arith.cmpf ogt, %add3A_476, %scan3A_474#1 : vector<16xf32>
        %and3A_477 = arith.andi %lt3A_465, %gt3A : vector<16xi1>
        %add3A_478 = arith.addi %broadcast_in_dim3A_11, %scan3A_474#2 : vector<16xi32>
        %gather3A = tpu.vector_load_idx %arg9[%add3A_478] : memref<3584xf32, #tpu.memory_space<vmem>>[vector<16xi32>], vector<16xf32>,
        %add3A_479 = arith.constant 112 : i32
        %add3A_480 = vector.broadcast %add3A_479 : i32 to vector<16xi32>
        %add3A_481 = arith.addi %add3A_478, %add3A_480 : vector<16xi32>
        %gather3A_482 = tpu.vector_load_idx %arg9[%add3A_481] : memref<3584xf32, #tpu.memory_space<vmem>>[vector<16xi32>], vector<16xf32>,
        %add3A_483 = arith.constant 224 : i32
        %add3A_484 = vector.broadcast %add3A_483 : i32 to vector<16xi32>
        %add3A_485 = arith.addi %add3A_478, %add3A_484 : vector<16xi32>
        %gather3A_486 = tpu.vector_load_idx %arg9[%add3A_485] : memref<3584xf32, #tpu.memory_space<vmem>>[vector<16xi32>], vector<16xf32>,
        %add3A_487 = arith.constant 336 : i32
        %add3A_488 = vector.broadcast %add3A_487 : i32 to vector<16xi32>
        %add3A_489 = arith.addi %add3A_478, %add3A_488 : vector<16xi32>
        %gather3A_490 = tpu.vector_load_idx %arg9[%add3A_489] : memref<3584xf32, #tpu.memory_space<vmem>>[vector<16xi32>], vector<16xf32>,
        %sub3A_491 = arith.subf %get3A_424, %gather3A : vector<16xf32>
        %sub3A_492 = arith.subf %get3A_430, %gather3A_482 : vector<16xf32>
        %sub3A_493 = arith.subf %get3A_436, %gather3A_486 : vector<16xf32>
        %sub3A_494 = arith.subf %get3A_442, %gather3A_490 : vector<16xf32>
        %mul3A_495 = arith.mulf %sub3A_491, %sub3A_491 : vector<16xf32>
        %mul3A_496 = arith.mulf %sub3A_492, %sub3A_492 : vector<16xf32>
        %add3A_497 = arith.addf %mul3A_495, %mul3A_496 : vector<16xf32>
        %mul3A_498 = arith.mulf %sub3A_493, %sub3A_493 : vector<16xf32>
        %add3A_499 = arith.addf %add3A_497, %mul3A_498 : vector<16xf32>
        %mul3A_500 = arith.mulf %sub3A_494, %sub3A_494 : vector<16xf32>
        %add3A_501 = arith.addf %add3A_499, %mul3A_500 : vector<16xf32>
        %broadcast_in_dim3A_502 = arith.constant 0.000000e+00 : f32
        %broadcast_in_dim3A_503 = vector.broadcast %broadcast_in_dim3A_502 : f32 to vector<16xf32>
        %select_n3A_504 = arith.select %and3A_477, %add3A_501, %broadcast_in_dim3A_503 : vector<16xi1>, vector<16xf32>
        %add3A_505 = arith.addf %while3A_418, %select_n3A_504 : vector<16xf32>
        %jit3A_506 = arith.constant 1.000000e+00 : f32
        %jit3A_507 = arith.constant 0.000000e+00 : f32
        %broadcast_in_dim3A_508 = vector.broadcast %jit3A_506 : f32 to vector<16xf32>
        %broadcast_in_dim3A_509 = vector.broadcast %jit3A_507 : f32 to vector<16xf32>
        %select_n3A_510 = arith.select %and3A_477, %broadcast_in_dim3A_508, %broadcast_in_dim3A_509 : vector<16xi1>, vector<16xf32>
        %add3A_511 = arith.addf %while3A_419, %select_n3A_510 : vector<16xf32>
        %select_n3A_512 = arith.select %and3A_477, %get3A_448, %broadcast_in_dim3A_503 : vector<16xi1>, vector<16xf32>
        %add3A_513 = arith.addf %while3A_420, %select_n3A_512 : vector<16xf32>
        scf.yield %add3A_505, %add3A_511, %add3A_513 : vector<16xf32>, vector<16xf32>, vector<16xf32>
      }
      %while3A_403 = arith.constant 1 : i32
      %while3A_404:3 = scf.for %while3A_417 = %while3A_400 to %while3A_396 step %while3A_403 iter_args(%while3A_418 = %while3A_402#0, %while3A_419 = %while3A_402#1, %while3A_420 = %while3A_402#2) -> (vector<16xf32>, vector<16xf32>, vector<16xf32>)  : i32 {
        %mul3A_421 = arith.constant 16 : i32
        %mul3A_422 = arith.muli %while3A_417, %mul3A_421 : i32
        %get3A_423 = arith.index_cast %mul3A_422 : i32 to index
        %get3A_424 = tpu.vector_load %arg10[%get3A_423] {strides = array<i32>} : memref<3200xf32, #tpu.memory_space<vmem>>, vector<16xf32>,
        %mul3A_425 = arith.constant 16 : i32
        %mul3A_426 = arith.muli %while3A_417, %mul3A_425 : i32
        %add3A_427 = arith.constant 640 : i32
        %add3A_428 = arith.addi %add3A_427, %mul3A_426 : i32
        %get3A_429 = arith.index_cast %add3A_428 : i32 to index
        %get3A_430 = tpu.vector_load %arg10[%get3A_429] {strides = array<i32>} : memref<3200xf32, #tpu.memory_space<vmem>>, vector<16xf32>,
        %mul3A_431 = arith.constant 16 : i32
        %mul3A_432 = arith.muli %while3A_417, %mul3A_431 : i32
        %add3A_433 = arith.constant 1280 : i32
        %add3A_434 = arith.addi %add3A_433, %mul3A_432 : i32
        %get3A_435 = arith.index_cast %add3A_434 : i32 to index
        %get3A_436 = tpu.vector_load %arg10[%get3A_435] {strides = array<i32>} : memref<3200xf32, #tpu.memory_space<vmem>>, vector<16xf32>,
        %mul3A_437 = arith.constant 16 : i32
        %mul3A_438 = arith.muli %while3A_417, %mul3A_437 : i32
        %add3A_439 = arith.constant 1920 : i32
        %add3A_440 = arith.addi %add3A_439, %mul3A_438 : i32
        %get3A_441 = arith.index_cast %add3A_440 : i32 to index
        %get3A_442 = tpu.vector_load %arg10[%get3A_441] {strides = array<i32>} : memref<3200xf32, #tpu.memory_space<vmem>>, vector<16xf32>,
        %mul3A_443 = arith.constant 16 : i32
        %mul3A_444 = arith.muli %while3A_417, %mul3A_443 : i32
        %add3A_445 = arith.constant 2560 : i32
        %add3A_446 = arith.addi %add3A_445, %mul3A_444 : i32
        %get3A_447 = arith.index_cast %add3A_446 : i32 to index
        %get3A_448 = tpu.vector_load %arg10[%get3A_447] {strides = array<i32>} : memref<3200xf32, #tpu.memory_space<vmem>>, vector<16xf32>,
        %mul3A_449 = arith.constant 5.000000e-01 : f32
        %mul3A_450 = vector.broadcast %mul3A_449 : f32 to vector<16xf32>
        %mul3A_451 = arith.mulf %get3A_436, %mul3A_450 : vector<16xf32>
        %mul3A_452 = arith.constant 5.000000e-01 : f32
        %mul3A_453 = vector.broadcast %mul3A_452 : f32 to vector<16xf32>
        %mul3A_454 = arith.mulf %get3A_442, %mul3A_453 : vector<16xf32>
        %sub3A_455 = arith.subf %get3A_424, %mul3A_451 : vector<16xf32>
        %add3A_456 = arith.addf %get3A_424, %mul3A_451 : vector<16xf32>
        %sub3A_457 = arith.subf %get3A_430, %mul3A_454 : vector<16xf32>
        %add3A_458 = arith.addf %get3A_430, %mul3A_454 : vector<16xf32>
        %sub3A_459 = arith.subf %add3A_456, %sub3A_455 : vector<16xf32>
        %sub3A_460 = arith.subf %add3A_458, %sub3A_457 : vector<16xf32>
        %mul3A_461 = arith.mulf %sub3A_459, %sub3A_460 : vector<16xf32>
        %mul3A_462 = arith.constant 16 : i32
        %mul3A_463 = arith.muli %while3A_417, %mul3A_462 : i32
        %sub3A_464 = arith.subi %scan3A_17, %mul3A_463 : i32
        %lt3A = vector.broadcast %sub3A_464 : i32 to vector<16xi32>
        %lt3A_465 = arith.cmpi slt, %iota3A, %lt3A : vector<16xi32>
        %broadcast_in_dim3A_466 = arith.constant 0.000000e+00 : f32
        %broadcast_in_dim3A_467 = vector.broadcast %broadcast_in_dim3A_466 : f32 to vector<16xf32>
        %broadcast_in_dim3A_468 = arith.constant 1.000000e+00 : f32
        %broadcast_in_dim3A_469 = vector.broadcast %broadcast_in_dim3A_468 : f32 to vector<16xf32>
        %scan3A_470 = arith.constant 0 : i32
        %scan3A_471 = arith.constant 7 : i32
        %scan3A_472 = arith.addi %scan3A_470, %scan3A_471 : i32
        %scan3A_473 = arith.constant 1 : i32
        %scan3A_474:3 = scf.for %scan3A_514 = %scan3A_470 to %scan3A_472 step %scan3A_473 iter_args(%scan3A_515 = %broadcast_in_dim3A_467, %scan3A_516 = %broadcast_in_dim3A_469, %scan3A_517 = %broadcast_in_dim3A_2) -> (vector<16xf32>, vector<16xf32>, vector<16xi32>)  : i32 {
          %mul3A_518 = arith.constant 16 : i32
          %mul3A_519 = arith.muli %scan3A_514, %mul3A_518 : i32
          %get3A_520 = arith.index_cast %mul3A_519 : i32 to index
          %get3A_521 = tpu.vector_load %arg13[%get3A_520] {strides = array<i32>} : memref<112xf32, #tpu.memory_space<vmem>>, vector<16xf32>,
          %get3A_522 = arith.index_cast %mul3A_519 : i32 to index
          %get3A_523 = tpu.vector_load %arg14[%get3A_522] {strides = array<i32>} : memref<112xf32, #tpu.memory_space<vmem>>, vector<16xf32>,
          %get3A_524 = arith.index_cast %mul3A_519 : i32 to index
          %get3A_525 = tpu.vector_load %arg15[%get3A_524] {strides = array<i32>} : memref<112xf32, #tpu.memory_space<vmem>>, vector<16xf32>,
          %get3A_526 = arith.index_cast %mul3A_519 : i32 to index
          %get3A_527 = tpu.vector_load %arg16[%get3A_526] {strides = array<i32>} : memref<112xf32, #tpu.memory_space<vmem>>, vector<16xf32>,
          %get3A_528 = arith.index_cast %mul3A_519 : i32 to index
          %get3A_529 = tpu.vector_load %arg17[%get3A_528] {strides = array<i32>} : memref<112xf32, #tpu.memory_space<vmem>>, vector<16xf32>,
          %slice3A = vector.extract_strided_slice %get3A_521 {offsets = [0], sizes = [1], strides = [1]} : vector<16xf32> to vector<1xf32>
          %squeeze3A = vector.extract %slice3A[0] : f32 from vector<1xf32>
          %slice3A_530 = vector.extract_strided_slice %get3A_523 {offsets = [0], sizes = [1], strides = [1]} : vector<16xf32> to vector<1xf32>
          %squeeze3A_531 = vector.extract %slice3A_530[0] : f32 from vector<1xf32>
          %slice3A_532 = vector.extract_strided_slice %get3A_525 {offsets = [0], sizes = [1], strides = [1]} : vector<16xf32> to vector<1xf32>
          %squeeze3A_533 = vector.extract %slice3A_532[0] : f32 from vector<1xf32>
          %slice3A_534 = vector.extract_strided_slice %get3A_527 {offsets = [0], sizes = [1], strides = [1]} : vector<16xf32> to vector<1xf32>
          %squeeze3A_535 = vector.extract %slice3A_534[0] : f32 from vector<1xf32>
          %slice3A_536 = vector.extract_strided_slice %get3A_529 {offsets = [0], sizes = [1], strides = [1]} : vector<16xf32> to vector<1xf32>
          %squeeze3A_537 = vector.extract %slice3A_536[0] : f32 from vector<1xf32>
          %min3A = vector.broadcast %squeeze3A_531 : f32 to vector<16xf32>
          %min3A_538 = arith.minimumf %add3A_456, %min3A : vector<16xf32>
          %max3A = vector.broadcast %squeeze3A : f32 to vector<16xf32>
          %max3A_539 = arith.maximumf %sub3A_455, %max3A : vector<16xf32>
          %sub3A_540 = arith.subf %min3A_538, %max3A_539 : vector<16xf32>
          %max3A_541 = arith.constant 0.000000e+00 : f32
          %max3A_542 = vector.broadcast %max3A_541 : f32 to vector<16xf32>
          %max3A_543 = arith.maximumf %sub3A_540, %max3A_542 : vector<16xf32>
          %min3A_544 = vector.broadcast %squeeze3A_535 : f32 to vector<16xf32>
          %min3A_545 = arith.minimumf %add3A_458, %min3A_544 : vector<16xf32>
          %max3A_546 = vector.broadcast %squeeze3A_533 : f32 to vector<16xf32>
          %max3A_547 = arith.maximumf %sub3A_457, %max3A_546 : vector<16xf32>
          %sub3A_548 = arith.subf %min3A_545, %max3A_547 : vector<16xf32>
          %max3A_549 = arith.constant 0.000000e+00 : f32
          %max3A_550 = vector.broadcast %max3A_549 : f32 to vector<16xf32>
          %max3A_551 = arith.maximumf %sub3A_548, %max3A_550 : vector<16xf32>
          %mul3A_552 = arith.mulf %max3A_543, %max3A_551 : vector<16xf32>
          %add3A_553 = vector.broadcast %squeeze3A_537 : f32 to vector<16xf32>
          %add3A_554 = arith.addf %mul3A_461, %add3A_553 : vector<16xf32>
          %sub3A_555 = arith.subf %add3A_554, %mul3A_552 : vector<16xf32>
          %slice3A_556 = vector.extract_strided_slice %get3A_521 {offsets = [1], sizes = [1], strides = [1]} : vector<16xf32> to vector<1xf32>
          %squeeze3A_557 = vector.extract %slice3A_556[0] : f32 from vector<1xf32>
          %slice3A_558 = vector.extract_strided_slice %get3A_523 {offsets = [1], sizes = [1], strides = [1]} : vector<16xf32> to vector<1xf32>
          %squeeze3A_559 = vector.extract %slice3A_558[0] : f32 from vector<1xf32>
          %slice3A_560 = vector.extract_strided_slice %get3A_525 {offsets = [1], sizes = [1], strides = [1]} : vector<16xf32> to vector<1xf32>
          %squeeze3A_561 = vector.extract %slice3A_560[0] : f32 from vector<1xf32>
          %slice3A_562 = vector.extract_strided_slice %get3A_527 {offsets = [1], sizes = [1], strides = [1]} : vector<16xf32> to vector<1xf32>
          %squeeze3A_563 = vector.extract %slice3A_562[0] : f32 from vector<1xf32>
          %slice3A_564 = vector.extract_strided_slice %get3A_529 {offsets = [1], sizes = [1], strides = [1]} : vector<16xf32> to vector<1xf32>
          %squeeze3A_565 = vector.extract %slice3A_564[0] : f32 from vector<1xf32>
          %min3A_566 = vector.broadcast %squeeze3A_559 : f32 to vector<16xf32>
          %min3A_567 = arith.minimumf %add3A_456, %min3A_566 : vector<16xf32>
          %max3A_568 = vector.broadcast %squeeze3A_557 : f32 to vector<16xf32>
          %max3A_569 = arith.maximumf %sub3A_455, %max3A_568 : vector<16xf32>
          %sub3A_570 = arith.subf %min3A_567, %max3A_569 : vector<16xf32>
          %max3A_571 = arith.constant 0.000000e+00 : f32
          %max3A_572 = vector.broadcast %max3A_571 : f32 to vector<16xf32>
          %max3A_573 = arith.maximumf %sub3A_570, %max3A_572 : vector<16xf32>
          %min3A_574 = vector.broadcast %squeeze3A_563 : f32 to vector<16xf32>
          %min3A_575 = arith.minimumf %add3A_458, %min3A_574 : vector<16xf32>
          %max3A_576 = vector.broadcast %squeeze3A_561 : f32 to vector<16xf32>
          %max3A_577 = arith.maximumf %sub3A_457, %max3A_576 : vector<16xf32>
          %sub3A_578 = arith.subf %min3A_575, %max3A_577 : vector<16xf32>
          %max3A_579 = arith.constant 0.000000e+00 : f32
          %max3A_580 = vector.broadcast %max3A_579 : f32 to vector<16xf32>
          %max3A_581 = arith.maximumf %sub3A_578, %max3A_580 : vector<16xf32>
          %mul3A_582 = arith.mulf %max3A_573, %max3A_581 : vector<16xf32>
          %add3A_583 = vector.broadcast %squeeze3A_565 : f32 to vector<16xf32>
          %add3A_584 = arith.addf %mul3A_461, %add3A_583 : vector<16xf32>
          %sub3A_585 = arith.subf %add3A_584, %mul3A_582 : vector<16xf32>
          %mul3A_586 = arith.mulf %mul3A_582, %sub3A_555 : vector<16xf32>
          %mul3A_587 = arith.mulf %mul3A_552, %sub3A_585 : vector<16xf32>
          %gt3A_588 = arith.cmpf ogt, %mul3A_586, %mul3A_587 : vector<16xf32>
          %select_n3A_589 = arith.select %gt3A_588, %mul3A_582, %mul3A_552 : vector<16xi1>, vector<16xf32>
          %select_n3A_590 = arith.select %gt3A_588, %sub3A_585, %sub3A_555 : vector<16xi1>, vector<16xf32>
          %jit3A_591 = arith.constant 1 : i32
          %jit3A_592 = arith.constant 0 : i32
          %broadcast_in_dim3A_593 = vector.broadcast %jit3A_591 : i32 to vector<16xi32>
          %broadcast_in_dim3A_594 = vector.broadcast %jit3A_592 : i32 to vector<16xi32>
          %select_n3A_595 = arith.select %gt3A_588, %broadcast_in_dim3A_593, %broadcast_in_dim3A_594 : vector<16xi1>, vector<16xi32>
          %slice3A_596 = vector.extract_strided_slice %get3A_521 {offsets = [2], sizes = [1], strides = [1]} : vector<16xf32> to vector<1xf32>
          %squeeze3A_597 = vector.extract %slice3A_596[0] : f32 from vector<1xf32>
          %slice3A_598 = vector.extract_strided_slice %get3A_523 {offsets = [2], sizes = [1], strides = [1]} : vector<16xf32> to vector<1xf32>
          %squeeze3A_599 = vector.extract %slice3A_598[0] : f32 from vector<1xf32>
          %slice3A_600 = vector.extract_strided_slice %get3A_525 {offsets = [2], sizes = [1], strides = [1]} : vector<16xf32> to vector<1xf32>
          %squeeze3A_601 = vector.extract %slice3A_600[0] : f32 from vector<1xf32>
          %slice3A_602 = vector.extract_strided_slice %get3A_527 {offsets = [2], sizes = [1], strides = [1]} : vector<16xf32> to vector<1xf32>
          %squeeze3A_603 = vector.extract %slice3A_602[0] : f32 from vector<1xf32>
          %slice3A_604 = vector.extract_strided_slice %get3A_529 {offsets = [2], sizes = [1], strides = [1]} : vector<16xf32> to vector<1xf32>
          %squeeze3A_605 = vector.extract %slice3A_604[0] : f32 from vector<1xf32>
          %min3A_606 = vector.broadcast %squeeze3A_599 : f32 to vector<16xf32>
          %min3A_607 = arith.minimumf %add3A_456, %min3A_606 : vector<16xf32>
          %max3A_608 = vector.broadcast %squeeze3A_597 : f32 to vector<16xf32>
          %max3A_609 = arith.maximumf %sub3A_455, %max3A_608 : vector<16xf32>
          %sub3A_610 = arith.subf %min3A_607, %max3A_609 : vector<16xf32>
          %max3A_611 = arith.constant 0.000000e+00 : f32
          %max3A_612 = vector.broadcast %max3A_611 : f32 to vector<16xf32>
          %max3A_613 = arith.maximumf %sub3A_610, %max3A_612 : vector<16xf32>
          %min3A_614 = vector.broadcast %squeeze3A_603 : f32 to vector<16xf32>
          %min3A_615 = arith.minimumf %add3A_458, %min3A_614 : vector<16xf32>
          %max3A_616 = vector.broadcast %squeeze3A_601 : f32 to vector<16xf32>
          %max3A_617 = arith.maximumf %sub3A_457, %max3A_616 : vector<16xf32>
          %sub3A_618 = arith.subf %min3A_615, %max3A_617 : vector<16xf32>
          %max3A_619 = arith.constant 0.000000e+00 : f32
          %max3A_620 = vector.broadcast %max3A_619 : f32 to vector<16xf32>
          %max3A_621 = arith.maximumf %sub3A_618, %max3A_620 : vector<16xf32>
          %mul3A_622 = arith.mulf %max3A_613, %max3A_621 : vector<16xf32>
          %add3A_623 = vector.broadcast %squeeze3A_605 : f32 to vector<16xf32>
          %add3A_624 = arith.addf %mul3A_461, %add3A_623 : vector<16xf32>
          %sub3A_625 = arith.subf %add3A_624, %mul3A_622 : vector<16xf32>
          %slice3A_626 = vector.extract_strided_slice %get3A_521 {offsets = [3], sizes = [1], strides = [1]} : vector<16xf32> to vector<1xf32>
          %squeeze3A_627 = vector.extract %slice3A_626[0] : f32 from vector<1xf32>
          %slice3A_628 = vector.extract_strided_slice %get3A_523 {offsets = [3], sizes = [1], strides = [1]} : vector<16xf32> to vector<1xf32>
          %squeeze3A_629 = vector.extract %slice3A_628[0] : f32 from vector<1xf32>
          %slice3A_630 = vector.extract_strided_slice %get3A_525 {offsets = [3], sizes = [1], strides = [1]} : vector<16xf32> to vector<1xf32>
          %squeeze3A_631 = vector.extract %slice3A_630[0] : f32 from vector<1xf32>
          %slice3A_632 = vector.extract_strided_slice %get3A_527 {offsets = [3], sizes = [1], strides = [1]} : vector<16xf32> to vector<1xf32>
          %squeeze3A_633 = vector.extract %slice3A_632[0] : f32 from vector<1xf32>
          %slice3A_634 = vector.extract_strided_slice %get3A_529 {offsets = [3], sizes = [1], strides = [1]} : vector<16xf32> to vector<1xf32>
          %squeeze3A_635 = vector.extract %slice3A_634[0] : f32 from vector<1xf32>
          %min3A_636 = vector.broadcast %squeeze3A_629 : f32 to vector<16xf32>
          %min3A_637 = arith.minimumf %add3A_456, %min3A_636 : vector<16xf32>
          %max3A_638 = vector.broadcast %squeeze3A_627 : f32 to vector<16xf32>
          %max3A_639 = arith.maximumf %sub3A_455, %max3A_638 : vector<16xf32>
          %sub3A_640 = arith.subf %min3A_637, %max3A_639 : vector<16xf32>
          %max3A_641 = arith.constant 0.000000e+00 : f32
          %max3A_642 = vector.broadcast %max3A_641 : f32 to vector<16xf32>
          %max3A_643 = arith.maximumf %sub3A_640, %max3A_642 : vector<16xf32>
          %min3A_644 = vector.broadcast %squeeze3A_633 : f32 to vector<16xf32>
          %min3A_645 = arith.minimumf %add3A_458, %min3A_644 : vector<16xf32>
          %max3A_646 = vector.broadcast %squeeze3A_631 : f32 to vector<16xf32>
          %max3A_647 = arith.maximumf %sub3A_457, %max3A_646 : vector<16xf32>
          %sub3A_648 = arith.subf %min3A_645, %max3A_647 : vector<16xf32>
          %max3A_649 = arith.constant 0.000000e+00 : f32
          %max3A_650 = vector.broadcast %max3A_649 : f32 to vector<16xf32>
          %max3A_651 = arith.maximumf %sub3A_648, %max3A_650 : vector<16xf32>
          %mul3A_652 = arith.mulf %max3A_643, %max3A_651 : vector<16xf32>
          %add3A_653 = vector.broadcast %squeeze3A_635 : f32 to vector<16xf32>
          %add3A_654 = arith.addf %mul3A_461, %add3A_653 : vector<16xf32>
          %sub3A_655 = arith.subf %add3A_654, %mul3A_652 : vector<16xf32>
          %mul3A_656 = arith.mulf %mul3A_652, %sub3A_625 : vector<16xf32>
          %mul3A_657 = arith.mulf %mul3A_622, %sub3A_655 : vector<16xf32>
          %gt3A_658 = arith.cmpf ogt, %mul3A_656, %mul3A_657 : vector<16xf32>
          %select_n3A_659 = arith.select %gt3A_658, %mul3A_652, %mul3A_622 : vector<16xi1>, vector<16xf32>
          %select_n3A_660 = arith.select %gt3A_658, %sub3A_655, %sub3A_625 : vector<16xi1>, vector<16xf32>
          %jit3A_661 = arith.constant 3 : i32
          %jit3A_662 = arith.constant 2 : i32
          %broadcast_in_dim3A_663 = vector.broadcast %jit3A_661 : i32 to vector<16xi32>
          %broadcast_in_dim3A_664 = vector.broadcast %jit3A_662 : i32 to vector<16xi32>
          %select_n3A_665 = arith.select %gt3A_658, %broadcast_in_dim3A_663, %broadcast_in_dim3A_664 : vector<16xi1>, vector<16xi32>
          %slice3A_666 = vector.extract_strided_slice %get3A_521 {offsets = [4], sizes = [1], strides = [1]} : vector<16xf32> to vector<1xf32>
          %squeeze3A_667 = vector.extract %slice3A_666[0] : f32 from vector<1xf32>
          %slice3A_668 = vector.extract_strided_slice %get3A_523 {offsets = [4], sizes = [1], strides = [1]} : vector<16xf32> to vector<1xf32>
          %squeeze3A_669 = vector.extract %slice3A_668[0] : f32 from vector<1xf32>
          %slice3A_670 = vector.extract_strided_slice %get3A_525 {offsets = [4], sizes = [1], strides = [1]} : vector<16xf32> to vector<1xf32>
          %squeeze3A_671 = vector.extract %slice3A_670[0] : f32 from vector<1xf32>
          %slice3A_672 = vector.extract_strided_slice %get3A_527 {offsets = [4], sizes = [1], strides = [1]} : vector<16xf32> to vector<1xf32>
          %squeeze3A_673 = vector.extract %slice3A_672[0] : f32 from vector<1xf32>
          %slice3A_674 = vector.extract_strided_slice %get3A_529 {offsets = [4], sizes = [1], strides = [1]} : vector<16xf32> to vector<1xf32>
          %squeeze3A_675 = vector.extract %slice3A_674[0] : f32 from vector<1xf32>
          %min3A_676 = vector.broadcast %squeeze3A_669 : f32 to vector<16xf32>
          %min3A_677 = arith.minimumf %add3A_456, %min3A_676 : vector<16xf32>
          %max3A_678 = vector.broadcast %squeeze3A_667 : f32 to vector<16xf32>
          %max3A_679 = arith.maximumf %sub3A_455, %max3A_678 : vector<16xf32>
          %sub3A_680 = arith.subf %min3A_677, %max3A_679 : vector<16xf32>
          %max3A_681 = arith.constant 0.000000e+00 : f32
          %max3A_682 = vector.broadcast %max3A_681 : f32 to vector<16xf32>
          %max3A_683 = arith.maximumf %sub3A_680, %max3A_682 : vector<16xf32>
          %min3A_684 = vector.broadcast %squeeze3A_673 : f32 to vector<16xf32>
          %min3A_685 = arith.minimumf %add3A_458, %min3A_684 : vector<16xf32>
          %max3A_686 = vector.broadcast %squeeze3A_671 : f32 to vector<16xf32>
          %max3A_687 = arith.maximumf %sub3A_457, %max3A_686 : vector<16xf32>
          %sub3A_688 = arith.subf %min3A_685, %max3A_687 : vector<16xf32>
          %max3A_689 = arith.constant 0.000000e+00 : f32
          %max3A_690 = vector.broadcast %max3A_689 : f32 to vector<16xf32>
          %max3A_691 = arith.maximumf %sub3A_688, %max3A_690 : vector<16xf32>
          %mul3A_692 = arith.mulf %max3A_683, %max3A_691 : vector<16xf32>
          %add3A_693 = vector.broadcast %squeeze3A_675 : f32 to vector<16xf32>
          %add3A_694 = arith.addf %mul3A_461, %add3A_693 : vector<16xf32>
          %sub3A_695 = arith.subf %add3A_694, %mul3A_692 : vector<16xf32>
          %slice3A_696 = vector.extract_strided_slice %get3A_521 {offsets = [5], sizes = [1], strides = [1]} : vector<16xf32> to vector<1xf32>
          %squeeze3A_697 = vector.extract %slice3A_696[0] : f32 from vector<1xf32>
          %slice3A_698 = vector.extract_strided_slice %get3A_523 {offsets = [5], sizes = [1], strides = [1]} : vector<16xf32> to vector<1xf32>
          %squeeze3A_699 = vector.extract %slice3A_698[0] : f32 from vector<1xf32>
          %slice3A_700 = vector.extract_strided_slice %get3A_525 {offsets = [5], sizes = [1], strides = [1]} : vector<16xf32> to vector<1xf32>
          %squeeze3A_701 = vector.extract %slice3A_700[0] : f32 from vector<1xf32>
          %slice3A_702 = vector.extract_strided_slice %get3A_527 {offsets = [5], sizes = [1], strides = [1]} : vector<16xf32> to vector<1xf32>
          %squeeze3A_703 = vector.extract %slice3A_702[0] : f32 from vector<1xf32>
          %slice3A_704 = vector.extract_strided_slice %get3A_529 {offsets = [5], sizes = [1], strides = [1]} : vector<16xf32> to vector<1xf32>
          %squeeze3A_705 = vector.extract %slice3A_704[0] : f32 from vector<1xf32>
          %min3A_706 = vector.broadcast %squeeze3A_699 : f32 to vector<16xf32>
          %min3A_707 = arith.minimumf %add3A_456, %min3A_706 : vector<16xf32>
          %max3A_708 = vector.broadcast %squeeze3A_697 : f32 to vector<16xf32>
          %max3A_709 = arith.maximumf %sub3A_455, %max3A_708 : vector<16xf32>
          %sub3A_710 = arith.subf %min3A_707, %max3A_709 : vector<16xf32>
          %max3A_711 = arith.constant 0.000000e+00 : f32
          %max3A_712 = vector.broadcast %max3A_711 : f32 to vector<16xf32>
          %max3A_713 = arith.maximumf %sub3A_710, %max3A_712 : vector<16xf32>
          %min3A_714 = vector.broadcast %squeeze3A_703 : f32 to vector<16xf32>
          %min3A_715 = arith.minimumf %add3A_458, %min3A_714 : vector<16xf32>
          %max3A_716 = vector.broadcast %squeeze3A_701 : f32 to vector<16xf32>
          %max3A_717 = arith.maximumf %sub3A_457, %max3A_716 : vector<16xf32>
          %sub3A_718 = arith.subf %min3A_715, %max3A_717 : vector<16xf32>
          %max3A_719 = arith.constant 0.000000e+00 : f32
          %max3A_720 = vector.broadcast %max3A_719 : f32 to vector<16xf32>
          %max3A_721 = arith.maximumf %sub3A_718, %max3A_720 : vector<16xf32>
          %mul3A_722 = arith.mulf %max3A_713, %max3A_721 : vector<16xf32>
          %add3A_723 = vector.broadcast %squeeze3A_705 : f32 to vector<16xf32>
          %add3A_724 = arith.addf %mul3A_461, %add3A_723 : vector<16xf32>
          %sub3A_725 = arith.subf %add3A_724, %mul3A_722 : vector<16xf32>
          %mul3A_726 = arith.mulf %mul3A_722, %sub3A_695 : vector<16xf32>
          %mul3A_727 = arith.mulf %mul3A_692, %sub3A_725 : vector<16xf32>
          %gt3A_728 = arith.cmpf ogt, %mul3A_726, %mul3A_727 : vector<16xf32>
          %select_n3A_729 = arith.select %gt3A_728, %mul3A_722, %mul3A_692 : vector<16xi1>, vector<16xf32>
          %select_n3A_730 = arith.select %gt3A_728, %sub3A_725, %sub3A_695 : vector<16xi1>, vector<16xf32>
          %jit3A_731 = arith.constant 5 : i32
          %jit3A_732 = arith.constant 4 : i32
          %broadcast_in_dim3A_733 = vector.broadcast %jit3A_731 : i32 to vector<16xi32>
          %broadcast_in_dim3A_734 = vector.broadcast %jit3A_732 : i32 to vector<16xi32>
          %select_n3A_735 = arith.select %gt3A_728, %broadcast_in_dim3A_733, %broadcast_in_dim3A_734 : vector<16xi1>, vector<16xi32>
          %slice3A_736 = vector.extract_strided_slice %get3A_521 {offsets = [6], sizes = [1], strides = [1]} : vector<16xf32> to vector<1xf32>
          %squeeze3A_737 = vector.extract %slice3A_736[0] : f32 from vector<1xf32>
          %slice3A_738 = vector.extract_strided_slice %get3A_523 {offsets = [6], sizes = [1], strides = [1]} : vector<16xf32> to vector<1xf32>
          %squeeze3A_739 = vector.extract %slice3A_738[0] : f32 from vector<1xf32>
          %slice3A_740 = vector.extract_strided_slice %get3A_525 {offsets = [6], sizes = [1], strides = [1]} : vector<16xf32> to vector<1xf32>
          %squeeze3A_741 = vector.extract %slice3A_740[0] : f32 from vector<1xf32>
          %slice3A_742 = vector.extract_strided_slice %get3A_527 {offsets = [6], sizes = [1], strides = [1]} : vector<16xf32> to vector<1xf32>
          %squeeze3A_743 = vector.extract %slice3A_742[0] : f32 from vector<1xf32>
          %slice3A_744 = vector.extract_strided_slice %get3A_529 {offsets = [6], sizes = [1], strides = [1]} : vector<16xf32> to vector<1xf32>
          %squeeze3A_745 = vector.extract %slice3A_744[0] : f32 from vector<1xf32>
          %min3A_746 = vector.broadcast %squeeze3A_739 : f32 to vector<16xf32>
          %min3A_747 = arith.minimumf %add3A_456, %min3A_746 : vector<16xf32>
          %max3A_748 = vector.broadcast %squeeze3A_737 : f32 to vector<16xf32>
          %max3A_749 = arith.maximumf %sub3A_455, %max3A_748 : vector<16xf32>
          %sub3A_750 = arith.subf %min3A_747, %max3A_749 : vector<16xf32>
          %max3A_751 = arith.constant 0.000000e+00 : f32
          %max3A_752 = vector.broadcast %max3A_751 : f32 to vector<16xf32>
          %max3A_753 = arith.maximumf %sub3A_750, %max3A_752 : vector<16xf32>
          %min3A_754 = vector.broadcast %squeeze3A_743 : f32 to vector<16xf32>
          %min3A_755 = arith.minimumf %add3A_458, %min3A_754 : vector<16xf32>
          %max3A_756 = vector.broadcast %squeeze3A_741 : f32 to vector<16xf32>
          %max3A_757 = arith.maximumf %sub3A_457, %max3A_756 : vector<16xf32>
          %sub3A_758 = arith.subf %min3A_755, %max3A_757 : vector<16xf32>
          %max3A_759 = arith.constant 0.000000e+00 : f32
          %max3A_760 = vector.broadcast %max3A_759 : f32 to vector<16xf32>
          %max3A_761 = arith.maximumf %sub3A_758, %max3A_760 : vector<16xf32>
          %mul3A_762 = arith.mulf %max3A_753, %max3A_761 : vector<16xf32>
          %add3A_763 = vector.broadcast %squeeze3A_745 : f32 to vector<16xf32>
          %add3A_764 = arith.addf %mul3A_461, %add3A_763 : vector<16xf32>
          %sub3A_765 = arith.subf %add3A_764, %mul3A_762 : vector<16xf32>
          %slice3A_766 = vector.extract_strided_slice %get3A_521 {offsets = [7], sizes = [1], strides = [1]} : vector<16xf32> to vector<1xf32>
          %squeeze3A_767 = vector.extract %slice3A_766[0] : f32 from vector<1xf32>
          %slice3A_768 = vector.extract_strided_slice %get3A_523 {offsets = [7], sizes = [1], strides = [1]} : vector<16xf32> to vector<1xf32>
          %squeeze3A_769 = vector.extract %slice3A_768[0] : f32 from vector<1xf32>
          %slice3A_770 = vector.extract_strided_slice %get3A_525 {offsets = [7], sizes = [1], strides = [1]} : vector<16xf32> to vector<1xf32>
          %squeeze3A_771 = vector.extract %slice3A_770[0] : f32 from vector<1xf32>
          %slice3A_772 = vector.extract_strided_slice %get3A_527 {offsets = [7], sizes = [1], strides = [1]} : vector<16xf32> to vector<1xf32>
          %squeeze3A_773 = vector.extract %slice3A_772[0] : f32 from vector<1xf32>
          %slice3A_774 = vector.extract_strided_slice %get3A_529 {offsets = [7], sizes = [1], strides = [1]} : vector<16xf32> to vector<1xf32>
          %squeeze3A_775 = vector.extract %slice3A_774[0] : f32 from vector<1xf32>
          %min3A_776 = vector.broadcast %squeeze3A_769 : f32 to vector<16xf32>
          %min3A_777 = arith.minimumf %add3A_456, %min3A_776 : vector<16xf32>
          %max3A_778 = vector.broadcast %squeeze3A_767 : f32 to vector<16xf32>
          %max3A_779 = arith.maximumf %sub3A_455, %max3A_778 : vector<16xf32>
          %sub3A_780 = arith.subf %min3A_777, %max3A_779 : vector<16xf32>
          %max3A_781 = arith.constant 0.000000e+00 : f32
          %max3A_782 = vector.broadcast %max3A_781 : f32 to vector<16xf32>
          %max3A_783 = arith.maximumf %sub3A_780, %max3A_782 : vector<16xf32>
          %min3A_784 = vector.broadcast %squeeze3A_773 : f32 to vector<16xf32>
          %min3A_785 = arith.minimumf %add3A_458, %min3A_784 : vector<16xf32>
          %max3A_786 = vector.broadcast %squeeze3A_771 : f32 to vector<16xf32>
          %max3A_787 = arith.maximumf %sub3A_457, %max3A_786 : vector<16xf32>
          %sub3A_788 = arith.subf %min3A_785, %max3A_787 : vector<16xf32>
          %max3A_789 = arith.constant 0.000000e+00 : f32
          %max3A_790 = vector.broadcast %max3A_789 : f32 to vector<16xf32>
          %max3A_791 = arith.maximumf %sub3A_788, %max3A_790 : vector<16xf32>
          %mul3A_792 = arith.mulf %max3A_783, %max3A_791 : vector<16xf32>
          %add3A_793 = vector.broadcast %squeeze3A_775 : f32 to vector<16xf32>
          %add3A_794 = arith.addf %mul3A_461, %add3A_793 : vector<16xf32>
          %sub3A_795 = arith.subf %add3A_794, %mul3A_792 : vector<16xf32>
          %mul3A_796 = arith.mulf %mul3A_792, %sub3A_765 : vector<16xf32>
          %mul3A_797 = arith.mulf %mul3A_762, %sub3A_795 : vector<16xf32>
          %gt3A_798 = arith.cmpf ogt, %mul3A_796, %mul3A_797 : vector<16xf32>
          %select_n3A_799 = arith.select %gt3A_798, %mul3A_792, %mul3A_762 : vector<16xi1>, vector<16xf32>
          %select_n3A_800 = arith.select %gt3A_798, %sub3A_795, %sub3A_765 : vector<16xi1>, vector<16xf32>
          %jit3A_801 = arith.constant 7 : i32
          %jit3A_802 = arith.constant 6 : i32
          %broadcast_in_dim3A_803 = vector.broadcast %jit3A_801 : i32 to vector<16xi32>
          %broadcast_in_dim3A_804 = vector.broadcast %jit3A_802 : i32 to vector<16xi32>
          %select_n3A_805 = arith.select %gt3A_798, %broadcast_in_dim3A_803, %broadcast_in_dim3A_804 : vector<16xi1>, vector<16xi32>
          %slice3A_806 = vector.extract_strided_slice %get3A_521 {offsets = [8], sizes = [1], strides = [1]} : vector<16xf32> to vector<1xf32>
          %squeeze3A_807 = vector.extract %slice3A_806[0] : f32 from vector<1xf32>
          %slice3A_808 = vector.extract_strided_slice %get3A_523 {offsets = [8], sizes = [1], strides = [1]} : vector<16xf32> to vector<1xf32>
          %squeeze3A_809 = vector.extract %slice3A_808[0] : f32 from vector<1xf32>
          %slice3A_810 = vector.extract_strided_slice %get3A_525 {offsets = [8], sizes = [1], strides = [1]} : vector<16xf32> to vector<1xf32>
          %squeeze3A_811 = vector.extract %slice3A_810[0] : f32 from vector<1xf32>
          %slice3A_812 = vector.extract_strided_slice %get3A_527 {offsets = [8], sizes = [1], strides = [1]} : vector<16xf32> to vector<1xf32>
          %squeeze3A_813 = vector.extract %slice3A_812[0] : f32 from vector<1xf32>
          %slice3A_814 = vector.extract_strided_slice %get3A_529 {offsets = [8], sizes = [1], strides = [1]} : vector<16xf32> to vector<1xf32>
          %squeeze3A_815 = vector.extract %slice3A_814[0] : f32 from vector<1xf32>
          %min3A_816 = vector.broadcast %squeeze3A_809 : f32 to vector<16xf32>
          %min3A_817 = arith.minimumf %add3A_456, %min3A_816 : vector<16xf32>
          %max3A_818 = vector.broadcast %squeeze3A_807 : f32 to vector<16xf32>
          %max3A_819 = arith.maximumf %sub3A_455, %max3A_818 : vector<16xf32>
          %sub3A_820 = arith.subf %min3A_817, %max3A_819 : vector<16xf32>
          %max3A_821 = arith.constant 0.000000e+00 : f32
          %max3A_822 = vector.broadcast %max3A_821 : f32 to vector<16xf32>
          %max3A_823 = arith.maximumf %sub3A_820, %max3A_822 : vector<16xf32>
          %min3A_824 = vector.broadcast %squeeze3A_813 : f32 to vector<16xf32>
          %min3A_825 = arith.minimumf %add3A_458, %min3A_824 : vector<16xf32>
          %max3A_826 = vector.broadcast %squeeze3A_811 : f32 to vector<16xf32>
          %max3A_827 = arith.maximumf %sub3A_457, %max3A_826 : vector<16xf32>
          %sub3A_828 = arith.subf %min3A_825, %max3A_827 : vector<16xf32>
          %max3A_829 = arith.constant 0.000000e+00 : f32
          %max3A_830 = vector.broadcast %max3A_829 : f32 to vector<16xf32>
          %max3A_831 = arith.maximumf %sub3A_828, %max3A_830 : vector<16xf32>
          %mul3A_832 = arith.mulf %max3A_823, %max3A_831 : vector<16xf32>
          %add3A_833 = vector.broadcast %squeeze3A_815 : f32 to vector<16xf32>
          %add3A_834 = arith.addf %mul3A_461, %add3A_833 : vector<16xf32>
          %sub3A_835 = arith.subf %add3A_834, %mul3A_832 : vector<16xf32>
          %slice3A_836 = vector.extract_strided_slice %get3A_521 {offsets = [9], sizes = [1], strides = [1]} : vector<16xf32> to vector<1xf32>
          %squeeze3A_837 = vector.extract %slice3A_836[0] : f32 from vector<1xf32>
          %slice3A_838 = vector.extract_strided_slice %get3A_523 {offsets = [9], sizes = [1], strides = [1]} : vector<16xf32> to vector<1xf32>
          %squeeze3A_839 = vector.extract %slice3A_838[0] : f32 from vector<1xf32>
          %slice3A_840 = vector.extract_strided_slice %get3A_525 {offsets = [9], sizes = [1], strides = [1]} : vector<16xf32> to vector<1xf32>
          %squeeze3A_841 = vector.extract %slice3A_840[0] : f32 from vector<1xf32>
          %slice3A_842 = vector.extract_strided_slice %get3A_527 {offsets = [9], sizes = [1], strides = [1]} : vector<16xf32> to vector<1xf32>
          %squeeze3A_843 = vector.extract %slice3A_842[0] : f32 from vector<1xf32>
          %slice3A_844 = vector.extract_strided_slice %get3A_529 {offsets = [9], sizes = [1], strides = [1]} : vector<16xf32> to vector<1xf32>
          %squeeze3A_845 = vector.extract %slice3A_844[0] : f32 from vector<1xf32>
          %min3A_846 = vector.broadcast %squeeze3A_839 : f32 to vector<16xf32>
          %min3A_847 = arith.minimumf %add3A_456, %min3A_846 : vector<16xf32>
          %max3A_848 = vector.broadcast %squeeze3A_837 : f32 to vector<16xf32>
          %max3A_849 = arith.maximumf %sub3A_455, %max3A_848 : vector<16xf32>
          %sub3A_850 = arith.subf %min3A_847, %max3A_849 : vector<16xf32>
          %max3A_851 = arith.constant 0.000000e+00 : f32
          %max3A_852 = vector.broadcast %max3A_851 : f32 to vector<16xf32>
          %max3A_853 = arith.maximumf %sub3A_850, %max3A_852 : vector<16xf32>
          %min3A_854 = vector.broadcast %squeeze3A_843 : f32 to vector<16xf32>
          %min3A_855 = arith.minimumf %add3A_458, %min3A_854 : vector<16xf32>
          %max3A_856 = vector.broadcast %squeeze3A_841 : f32 to vector<16xf32>
          %max3A_857 = arith.maximumf %sub3A_457, %max3A_856 : vector<16xf32>
          %sub3A_858 = arith.subf %min3A_855, %max3A_857 : vector<16xf32>
          %max3A_859 = arith.constant 0.000000e+00 : f32
          %max3A_860 = vector.broadcast %max3A_859 : f32 to vector<16xf32>
          %max3A_861 = arith.maximumf %sub3A_858, %max3A_860 : vector<16xf32>
          %mul3A_862 = arith.mulf %max3A_853, %max3A_861 : vector<16xf32>
          %add3A_863 = vector.broadcast %squeeze3A_845 : f32 to vector<16xf32>
          %add3A_864 = arith.addf %mul3A_461, %add3A_863 : vector<16xf32>
          %sub3A_865 = arith.subf %add3A_864, %mul3A_862 : vector<16xf32>
          %mul3A_866 = arith.mulf %mul3A_862, %sub3A_835 : vector<16xf32>
          %mul3A_867 = arith.mulf %mul3A_832, %sub3A_865 : vector<16xf32>
          %gt3A_868 = arith.cmpf ogt, %mul3A_866, %mul3A_867 : vector<16xf32>
          %select_n3A_869 = arith.select %gt3A_868, %mul3A_862, %mul3A_832 : vector<16xi1>, vector<16xf32>
          %select_n3A_870 = arith.select %gt3A_868, %sub3A_865, %sub3A_835 : vector<16xi1>, vector<16xf32>
          %jit3A_871 = arith.constant 9 : i32
          %jit3A_872 = arith.constant 8 : i32
          %broadcast_in_dim3A_873 = vector.broadcast %jit3A_871 : i32 to vector<16xi32>
          %broadcast_in_dim3A_874 = vector.broadcast %jit3A_872 : i32 to vector<16xi32>
          %select_n3A_875 = arith.select %gt3A_868, %broadcast_in_dim3A_873, %broadcast_in_dim3A_874 : vector<16xi1>, vector<16xi32>
          %slice3A_876 = vector.extract_strided_slice %get3A_521 {offsets = [10], sizes = [1], strides = [1]} : vector<16xf32> to vector<1xf32>
          %squeeze3A_877 = vector.extract %slice3A_876[0] : f32 from vector<1xf32>
          %slice3A_878 = vector.extract_strided_slice %get3A_523 {offsets = [10], sizes = [1], strides = [1]} : vector<16xf32> to vector<1xf32>
          %squeeze3A_879 = vector.extract %slice3A_878[0] : f32 from vector<1xf32>
          %slice3A_880 = vector.extract_strided_slice %get3A_525 {offsets = [10], sizes = [1], strides = [1]} : vector<16xf32> to vector<1xf32>
          %squeeze3A_881 = vector.extract %slice3A_880[0] : f32 from vector<1xf32>
          %slice3A_882 = vector.extract_strided_slice %get3A_527 {offsets = [10], sizes = [1], strides = [1]} : vector<16xf32> to vector<1xf32>
          %squeeze3A_883 = vector.extract %slice3A_882[0] : f32 from vector<1xf32>
          %slice3A_884 = vector.extract_strided_slice %get3A_529 {offsets = [10], sizes = [1], strides = [1]} : vector<16xf32> to vector<1xf32>
          %squeeze3A_885 = vector.extract %slice3A_884[0] : f32 from vector<1xf32>
          %min3A_886 = vector.broadcast %squeeze3A_879 : f32 to vector<16xf32>
          %min3A_887 = arith.minimumf %add3A_456, %min3A_886 : vector<16xf32>
          %max3A_888 = vector.broadcast %squeeze3A_877 : f32 to vector<16xf32>
          %max3A_889 = arith.maximumf %sub3A_455, %max3A_888 : vector<16xf32>
          %sub3A_890 = arith.subf %min3A_887, %max3A_889 : vector<16xf32>
          %max3A_891 = arith.constant 0.000000e+00 : f32
          %max3A_892 = vector.broadcast %max3A_891 : f32 to vector<16xf32>
          %max3A_893 = arith.maximumf %sub3A_890, %max3A_892 : vector<16xf32>
          %min3A_894 = vector.broadcast %squeeze3A_883 : f32 to vector<16xf32>
          %min3A_895 = arith.minimumf %add3A_458, %min3A_894 : vector<16xf32>
          %max3A_896 = vector.broadcast %squeeze3A_881 : f32 to vector<16xf32>
          %max3A_897 = arith.maximumf %sub3A_457, %max3A_896 : vector<16xf32>
          %sub3A_898 = arith.subf %min3A_895, %max3A_897 : vector<16xf32>
          %max3A_899 = arith.constant 0.000000e+00 : f32
          %max3A_900 = vector.broadcast %max3A_899 : f32 to vector<16xf32>
          %max3A_901 = arith.maximumf %sub3A_898, %max3A_900 : vector<16xf32>
          %mul3A_902 = arith.mulf %max3A_893, %max3A_901 : vector<16xf32>
          %add3A_903 = vector.broadcast %squeeze3A_885 : f32 to vector<16xf32>
          %add3A_904 = arith.addf %mul3A_461, %add3A_903 : vector<16xf32>
          %sub3A_905 = arith.subf %add3A_904, %mul3A_902 : vector<16xf32>
          %slice3A_906 = vector.extract_strided_slice %get3A_521 {offsets = [11], sizes = [1], strides = [1]} : vector<16xf32> to vector<1xf32>
          %squeeze3A_907 = vector.extract %slice3A_906[0] : f32 from vector<1xf32>
          %slice3A_908 = vector.extract_strided_slice %get3A_523 {offsets = [11], sizes = [1], strides = [1]} : vector<16xf32> to vector<1xf32>
          %squeeze3A_909 = vector.extract %slice3A_908[0] : f32 from vector<1xf32>
          %slice3A_910 = vector.extract_strided_slice %get3A_525 {offsets = [11], sizes = [1], strides = [1]} : vector<16xf32> to vector<1xf32>
          %squeeze3A_911 = vector.extract %slice3A_910[0] : f32 from vector<1xf32>
          %slice3A_912 = vector.extract_strided_slice %get3A_527 {offsets = [11], sizes = [1], strides = [1]} : vector<16xf32> to vector<1xf32>
          %squeeze3A_913 = vector.extract %slice3A_912[0] : f32 from vector<1xf32>
          %slice3A_914 = vector.extract_strided_slice %get3A_529 {offsets = [11], sizes = [1], strides = [1]} : vector<16xf32> to vector<1xf32>
          %squeeze3A_915 = vector.extract %slice3A_914[0] : f32 from vector<1xf32>
          %min3A_916 = vector.broadcast %squeeze3A_909 : f32 to vector<16xf32>
          %min3A_917 = arith.minimumf %add3A_456, %min3A_916 : vector<16xf32>
          %max3A_918 = vector.broadcast %squeeze3A_907 : f32 to vector<16xf32>
          %max3A_919 = arith.maximumf %sub3A_455, %max3A_918 : vector<16xf32>
          %sub3A_920 = arith.subf %min3A_917, %max3A_919 : vector<16xf32>
          %max3A_921 = arith.constant 0.000000e+00 : f32
          %max3A_922 = vector.broadcast %max3A_921 : f32 to vector<16xf32>
          %max3A_923 = arith.maximumf %sub3A_920, %max3A_922 : vector<16xf32>
          %min3A_924 = vector.broadcast %squeeze3A_913 : f32 to vector<16xf32>
          %min3A_925 = arith.minimumf %add3A_458, %min3A_924 : vector<16xf32>
          %max3A_926 = vector.broadcast %squeeze3A_911 : f32 to vector<16xf32>
          %max3A_927 = arith.maximumf %sub3A_457, %max3A_926 : vector<16xf32>
          %sub3A_928 = arith.subf %min3A_925, %max3A_927 : vector<16xf32>
          %max3A_929 = arith.constant 0.000000e+00 : f32
          %max3A_930 = vector.broadcast %max3A_929 : f32 to vector<16xf32>
          %max3A_931 = arith.maximumf %sub3A_928, %max3A_930 : vector<16xf32>
          %mul3A_932 = arith.mulf %max3A_923, %max3A_931 : vector<16xf32>
          %add3A_933 = vector.broadcast %squeeze3A_915 : f32 to vector<16xf32>
          %add3A_934 = arith.addf %mul3A_461, %add3A_933 : vector<16xf32>
          %sub3A_935 = arith.subf %add3A_934, %mul3A_932 : vector<16xf32>
          %mul3A_936 = arith.mulf %mul3A_932, %sub3A_905 : vector<16xf32>
          %mul3A_937 = arith.mulf %mul3A_902, %sub3A_935 : vector<16xf32>
          %gt3A_938 = arith.cmpf ogt, %mul3A_936, %mul3A_937 : vector<16xf32>
          %select_n3A_939 = arith.select %gt3A_938, %mul3A_932, %mul3A_902 : vector<16xi1>, vector<16xf32>
          %select_n3A_940 = arith.select %gt3A_938, %sub3A_935, %sub3A_905 : vector<16xi1>, vector<16xf32>
          %jit3A_941 = arith.constant 11 : i32
          %jit3A_942 = arith.constant 10 : i32
          %broadcast_in_dim3A_943 = vector.broadcast %jit3A_941 : i32 to vector<16xi32>
          %broadcast_in_dim3A_944 = vector.broadcast %jit3A_942 : i32 to vector<16xi32>
          %select_n3A_945 = arith.select %gt3A_938, %broadcast_in_dim3A_943, %broadcast_in_dim3A_944 : vector<16xi1>, vector<16xi32>
          %slice3A_946 = vector.extract_strided_slice %get3A_521 {offsets = [12], sizes = [1], strides = [1]} : vector<16xf32> to vector<1xf32>
          %squeeze3A_947 = vector.extract %slice3A_946[0] : f32 from vector<1xf32>
          %slice3A_948 = vector.extract_strided_slice %get3A_523 {offsets = [12], sizes = [1], strides = [1]} : vector<16xf32> to vector<1xf32>
          %squeeze3A_949 = vector.extract %slice3A_948[0] : f32 from vector<1xf32>
          %slice3A_950 = vector.extract_strided_slice %get3A_525 {offsets = [12], sizes = [1], strides = [1]} : vector<16xf32> to vector<1xf32>
          %squeeze3A_951 = vector.extract %slice3A_950[0] : f32 from vector<1xf32>
          %slice3A_952 = vector.extract_strided_slice %get3A_527 {offsets = [12], sizes = [1], strides = [1]} : vector<16xf32> to vector<1xf32>
          %squeeze3A_953 = vector.extract %slice3A_952[0] : f32 from vector<1xf32>
          %slice3A_954 = vector.extract_strided_slice %get3A_529 {offsets = [12], sizes = [1], strides = [1]} : vector<16xf32> to vector<1xf32>
          %squeeze3A_955 = vector.extract %slice3A_954[0] : f32 from vector<1xf32>
          %min3A_956 = vector.broadcast %squeeze3A_949 : f32 to vector<16xf32>
          %min3A_957 = arith.minimumf %add3A_456, %min3A_956 : vector<16xf32>
          %max3A_958 = vector.broadcast %squeeze3A_947 : f32 to vector<16xf32>
          %max3A_959 = arith.maximumf %sub3A_455, %max3A_958 : vector<16xf32>
          %sub3A_960 = arith.subf %min3A_957, %max3A_959 : vector<16xf32>
          %max3A_961 = arith.constant 0.000000e+00 : f32
          %max3A_962 = vector.broadcast %max3A_961 : f32 to vector<16xf32>
          %max3A_963 = arith.maximumf %sub3A_960, %max3A_962 : vector<16xf32>
          %min3A_964 = vector.broadcast %squeeze3A_953 : f32 to vector<16xf32>
          %min3A_965 = arith.minimumf %add3A_458, %min3A_964 : vector<16xf32>
          %max3A_966 = vector.broadcast %squeeze3A_951 : f32 to vector<16xf32>
          %max3A_967 = arith.maximumf %sub3A_457, %max3A_966 : vector<16xf32>
          %sub3A_968 = arith.subf %min3A_965, %max3A_967 : vector<16xf32>
          %max3A_969 = arith.constant 0.000000e+00 : f32
          %max3A_970 = vector.broadcast %max3A_969 : f32 to vector<16xf32>
          %max3A_971 = arith.maximumf %sub3A_968, %max3A_970 : vector<16xf32>
          %mul3A_972 = arith.mulf %max3A_963, %max3A_971 : vector<16xf32>
          %add3A_973 = vector.broadcast %squeeze3A_955 : f32 to vector<16xf32>
          %add3A_974 = arith.addf %mul3A_461, %add3A_973 : vector<16xf32>
          %sub3A_975 = arith.subf %add3A_974, %mul3A_972 : vector<16xf32>
          %slice3A_976 = vector.extract_strided_slice %get3A_521 {offsets = [13], sizes = [1], strides = [1]} : vector<16xf32> to vector<1xf32>
          %squeeze3A_977 = vector.extract %slice3A_976[0] : f32 from vector<1xf32>
          %slice3A_978 = vector.extract_strided_slice %get3A_523 {offsets = [13], sizes = [1], strides = [1]} : vector<16xf32> to vector<1xf32>
          %squeeze3A_979 = vector.extract %slice3A_978[0] : f32 from vector<1xf32>
          %slice3A_980 = vector.extract_strided_slice %get3A_525 {offsets = [13], sizes = [1], strides = [1]} : vector<16xf32> to vector<1xf32>
          %squeeze3A_981 = vector.extract %slice3A_980[0] : f32 from vector<1xf32>
          %slice3A_982 = vector.extract_strided_slice %get3A_527 {offsets = [13], sizes = [1], strides = [1]} : vector<16xf32> to vector<1xf32>
          %squeeze3A_983 = vector.extract %slice3A_982[0] : f32 from vector<1xf32>
          %slice3A_984 = vector.extract_strided_slice %get3A_529 {offsets = [13], sizes = [1], strides = [1]} : vector<16xf32> to vector<1xf32>
          %squeeze3A_985 = vector.extract %slice3A_984[0] : f32 from vector<1xf32>
          %min3A_986 = vector.broadcast %squeeze3A_979 : f32 to vector<16xf32>
          %min3A_987 = arith.minimumf %add3A_456, %min3A_986 : vector<16xf32>
          %max3A_988 = vector.broadcast %squeeze3A_977 : f32 to vector<16xf32>
          %max3A_989 = arith.maximumf %sub3A_455, %max3A_988 : vector<16xf32>
          %sub3A_990 = arith.subf %min3A_987, %max3A_989 : vector<16xf32>
          %max3A_991 = arith.constant 0.000000e+00 : f32
          %max3A_992 = vector.broadcast %max3A_991 : f32 to vector<16xf32>
          %max3A_993 = arith.maximumf %sub3A_990, %max3A_992 : vector<16xf32>
          %min3A_994 = vector.broadcast %squeeze3A_983 : f32 to vector<16xf32>
          %min3A_995 = arith.minimumf %add3A_458, %min3A_994 : vector<16xf32>
          %max3A_996 = vector.broadcast %squeeze3A_981 : f32 to vector<16xf32>
          %max3A_997 = arith.maximumf %sub3A_457, %max3A_996 : vector<16xf32>
          %sub3A_998 = arith.subf %min3A_995, %max3A_997 : vector<16xf32>
          %max3A_999 = arith.constant 0.000000e+00 : f32
          %max3A_1000 = vector.broadcast %max3A_999 : f32 to vector<16xf32>
          %max3A_1001 = arith.maximumf %sub3A_998, %max3A_1000 : vector<16xf32>
          %mul3A_1002 = arith.mulf %max3A_993, %max3A_1001 : vector<16xf32>
          %add3A_1003 = vector.broadcast %squeeze3A_985 : f32 to vector<16xf32>
          %add3A_1004 = arith.addf %mul3A_461, %add3A_1003 : vector<16xf32>
          %sub3A_1005 = arith.subf %add3A_1004, %mul3A_1002 : vector<16xf32>
          %mul3A_1006 = arith.mulf %mul3A_1002, %sub3A_975 : vector<16xf32>
          %mul3A_1007 = arith.mulf %mul3A_972, %sub3A_1005 : vector<16xf32>
          %gt3A_1008 = arith.cmpf ogt, %mul3A_1006, %mul3A_1007 : vector<16xf32>
          %select_n3A_1009 = arith.select %gt3A_1008, %mul3A_1002, %mul3A_972 : vector<16xi1>, vector<16xf32>
          %select_n3A_1010 = arith.select %gt3A_1008, %sub3A_1005, %sub3A_975 : vector<16xi1>, vector<16xf32>
          %jit3A_1011 = arith.constant 13 : i32
          %jit3A_1012 = arith.constant 12 : i32
          %broadcast_in_dim3A_1013 = vector.broadcast %jit3A_1011 : i32 to vector<16xi32>
          %broadcast_in_dim3A_1014 = vector.broadcast %jit3A_1012 : i32 to vector<16xi32>
          %select_n3A_1015 = arith.select %gt3A_1008, %broadcast_in_dim3A_1013, %broadcast_in_dim3A_1014 : vector<16xi1>, vector<16xi32>
          %slice3A_1016 = vector.extract_strided_slice %get3A_521 {offsets = [14], sizes = [1], strides = [1]} : vector<16xf32> to vector<1xf32>
          %squeeze3A_1017 = vector.extract %slice3A_1016[0] : f32 from vector<1xf32>
          %slice3A_1018 = vector.extract_strided_slice %get3A_523 {offsets = [14], sizes = [1], strides = [1]} : vector<16xf32> to vector<1xf32>
          %squeeze3A_1019 = vector.extract %slice3A_1018[0] : f32 from vector<1xf32>
          %slice3A_1020 = vector.extract_strided_slice %get3A_525 {offsets = [14], sizes = [1], strides = [1]} : vector<16xf32> to vector<1xf32>
          %squeeze3A_1021 = vector.extract %slice3A_1020[0] : f32 from vector<1xf32>
          %slice3A_1022 = vector.extract_strided_slice %get3A_527 {offsets = [14], sizes = [1], strides = [1]} : vector<16xf32> to vector<1xf32>
          %squeeze3A_1023 = vector.extract %slice3A_1022[0] : f32 from vector<1xf32>
          %slice3A_1024 = vector.extract_strided_slice %get3A_529 {offsets = [14], sizes = [1], strides = [1]} : vector<16xf32> to vector<1xf32>
          %squeeze3A_1025 = vector.extract %slice3A_1024[0] : f32 from vector<1xf32>
          %min3A_1026 = vector.broadcast %squeeze3A_1019 : f32 to vector<16xf32>
          %min3A_1027 = arith.minimumf %add3A_456, %min3A_1026 : vector<16xf32>
          %max3A_1028 = vector.broadcast %squeeze3A_1017 : f32 to vector<16xf32>
          %max3A_1029 = arith.maximumf %sub3A_455, %max3A_1028 : vector<16xf32>
          %sub3A_1030 = arith.subf %min3A_1027, %max3A_1029 : vector<16xf32>
          %max3A_1031 = arith.constant 0.000000e+00 : f32
          %max3A_1032 = vector.broadcast %max3A_1031 : f32 to vector<16xf32>
          %max3A_1033 = arith.maximumf %sub3A_1030, %max3A_1032 : vector<16xf32>
          %min3A_1034 = vector.broadcast %squeeze3A_1023 : f32 to vector<16xf32>
          %min3A_1035 = arith.minimumf %add3A_458, %min3A_1034 : vector<16xf32>
          %max3A_1036 = vector.broadcast %squeeze3A_1021 : f32 to vector<16xf32>
          %max3A_1037 = arith.maximumf %sub3A_457, %max3A_1036 : vector<16xf32>
          %sub3A_1038 = arith.subf %min3A_1035, %max3A_1037 : vector<16xf32>
          %max3A_1039 = arith.constant 0.000000e+00 : f32
          %max3A_1040 = vector.broadcast %max3A_1039 : f32 to vector<16xf32>
          %max3A_1041 = arith.maximumf %sub3A_1038, %max3A_1040 : vector<16xf32>
          %mul3A_1042 = arith.mulf %max3A_1033, %max3A_1041 : vector<16xf32>
          %add3A_1043 = vector.broadcast %squeeze3A_1025 : f32 to vector<16xf32>
          %add3A_1044 = arith.addf %mul3A_461, %add3A_1043 : vector<16xf32>
          %sub3A_1045 = arith.subf %add3A_1044, %mul3A_1042 : vector<16xf32>
          %slice3A_1046 = vector.extract_strided_slice %get3A_521 {offsets = [15], sizes = [1], strides = [1]} : vector<16xf32> to vector<1xf32>
          %squeeze3A_1047 = vector.extract %slice3A_1046[0] : f32 from vector<1xf32>
          %slice3A_1048 = vector.extract_strided_slice %get3A_523 {offsets = [15], sizes = [1], strides = [1]} : vector<16xf32> to vector<1xf32>
          %squeeze3A_1049 = vector.extract %slice3A_1048[0] : f32 from vector<1xf32>
          %slice3A_1050 = vector.extract_strided_slice %get3A_525 {offsets = [15], sizes = [1], strides = [1]} : vector<16xf32> to vector<1xf32>
          %squeeze3A_1051 = vector.extract %slice3A_1050[0] : f32 from vector<1xf32>
          %slice3A_1052 = vector.extract_strided_slice %get3A_527 {offsets = [15], sizes = [1], strides = [1]} : vector<16xf32> to vector<1xf32>
          %squeeze3A_1053 = vector.extract %slice3A_1052[0] : f32 from vector<1xf32>
          %slice3A_1054 = vector.extract_strided_slice %get3A_529 {offsets = [15], sizes = [1], strides = [1]} : vector<16xf32> to vector<1xf32>
          %squeeze3A_1055 = vector.extract %slice3A_1054[0] : f32 from vector<1xf32>
          %min3A_1056 = vector.broadcast %squeeze3A_1049 : f32 to vector<16xf32>
          %min3A_1057 = arith.minimumf %add3A_456, %min3A_1056 : vector<16xf32>
          %max3A_1058 = vector.broadcast %squeeze3A_1047 : f32 to vector<16xf32>
          %max3A_1059 = arith.maximumf %sub3A_455, %max3A_1058 : vector<16xf32>
          %sub3A_1060 = arith.subf %min3A_1057, %max3A_1059 : vector<16xf32>
          %max3A_1061 = arith.constant 0.000000e+00 : f32
          %max3A_1062 = vector.broadcast %max3A_1061 : f32 to vector<16xf32>
          %max3A_1063 = arith.maximumf %sub3A_1060, %max3A_1062 : vector<16xf32>
          %min3A_1064 = vector.broadcast %squeeze3A_1053 : f32 to vector<16xf32>
          %min3A_1065 = arith.minimumf %add3A_458, %min3A_1064 : vector<16xf32>
          %max3A_1066 = vector.broadcast %squeeze3A_1051 : f32 to vector<16xf32>
          %max3A_1067 = arith.maximumf %sub3A_457, %max3A_1066 : vector<16xf32>
          %sub3A_1068 = arith.subf %min3A_1065, %max3A_1067 : vector<16xf32>
          %max3A_1069 = arith.constant 0.000000e+00 : f32
          %max3A_1070 = vector.broadcast %max3A_1069 : f32 to vector<16xf32>
          %max3A_1071 = arith.maximumf %sub3A_1068, %max3A_1070 : vector<16xf32>
          %mul3A_1072 = arith.mulf %max3A_1063, %max3A_1071 : vector<16xf32>
          %add3A_1073 = vector.broadcast %squeeze3A_1055 : f32 to vector<16xf32>
          %add3A_1074 = arith.addf %mul3A_461, %add3A_1073 : vector<16xf32>
          %sub3A_1075 = arith.subf %add3A_1074, %mul3A_1072 : vector<16xf32>
          %mul3A_1076 = arith.mulf %mul3A_1072, %sub3A_1045 : vector<16xf32>
          %mul3A_1077 = arith.mulf %mul3A_1042, %sub3A_1075 : vector<16xf32>
          %gt3A_1078 = arith.cmpf ogt, %mul3A_1076, %mul3A_1077 : vector<16xf32>
          %select_n3A_1079 = arith.select %gt3A_1078, %mul3A_1072, %mul3A_1042 : vector<16xi1>, vector<16xf32>
          %select_n3A_1080 = arith.select %gt3A_1078, %sub3A_1075, %sub3A_1045 : vector<16xi1>, vector<16xf32>
          %jit3A_1081 = arith.constant 15 : i32
          %jit3A_1082 = arith.constant 14 : i32
          %broadcast_in_dim3A_1083 = vector.broadcast %jit3A_1081 : i32 to vector<16xi32>
          %broadcast_in_dim3A_1084 = vector.broadcast %jit3A_1082 : i32 to vector<16xi32>
          %select_n3A_1085 = arith.select %gt3A_1078, %broadcast_in_dim3A_1083, %broadcast_in_dim3A_1084 : vector<16xi1>, vector<16xi32>
          %mul3A_1086 = arith.mulf %select_n3A_659, %select_n3A_590 : vector<16xf32>
          %mul3A_1087 = arith.mulf %select_n3A_589, %select_n3A_660 : vector<16xf32>
          %gt3A_1088 = arith.cmpf ogt, %mul3A_1086, %mul3A_1087 : vector<16xf32>
          %select_n3A_1089 = arith.select %gt3A_1088, %select_n3A_659, %select_n3A_589 : vector<16xi1>, vector<16xf32>
          %select_n3A_1090 = arith.select %gt3A_1088, %select_n3A_660, %select_n3A_590 : vector<16xi1>, vector<16xf32>
          %select_n3A_1091 = arith.select %gt3A_1088, %select_n3A_665, %select_n3A_595 : vector<16xi1>, vector<16xi32>
          %mul3A_1092 = arith.mulf %select_n3A_799, %select_n3A_730 : vector<16xf32>
          %mul3A_1093 = arith.mulf %select_n3A_729, %select_n3A_800 : vector<16xf32>
          %gt3A_1094 = arith.cmpf ogt, %mul3A_1092, %mul3A_1093 : vector<16xf32>
          %select_n3A_1095 = arith.select %gt3A_1094, %select_n3A_799, %select_n3A_729 : vector<16xi1>, vector<16xf32>
          %select_n3A_1096 = arith.select %gt3A_1094, %select_n3A_800, %select_n3A_730 : vector<16xi1>, vector<16xf32>
          %select_n3A_1097 = arith.select %gt3A_1094, %select_n3A_805, %select_n3A_735 : vector<16xi1>, vector<16xi32>
          %mul3A_1098 = arith.mulf %select_n3A_939, %select_n3A_870 : vector<16xf32>
          %mul3A_1099 = arith.mulf %select_n3A_869, %select_n3A_940 : vector<16xf32>
          %gt3A_1100 = arith.cmpf ogt, %mul3A_1098, %mul3A_1099 : vector<16xf32>
          %select_n3A_1101 = arith.select %gt3A_1100, %select_n3A_939, %select_n3A_869 : vector<16xi1>, vector<16xf32>
          %select_n3A_1102 = arith.select %gt3A_1100, %select_n3A_940, %select_n3A_870 : vector<16xi1>, vector<16xf32>
          %select_n3A_1103 = arith.select %gt3A_1100, %select_n3A_945, %select_n3A_875 : vector<16xi1>, vector<16xi32>
          %mul3A_1104 = arith.mulf %select_n3A_1079, %select_n3A_1010 : vector<16xf32>
          %mul3A_1105 = arith.mulf %select_n3A_1009, %select_n3A_1080 : vector<16xf32>
          %gt3A_1106 = arith.cmpf ogt, %mul3A_1104, %mul3A_1105 : vector<16xf32>
          %select_n3A_1107 = arith.select %gt3A_1106, %select_n3A_1079, %select_n3A_1009 : vector<16xi1>, vector<16xf32>
          %select_n3A_1108 = arith.select %gt3A_1106, %select_n3A_1080, %select_n3A_1010 : vector<16xi1>, vector<16xf32>
          %select_n3A_1109 = arith.select %gt3A_1106, %select_n3A_1085, %select_n3A_1015 : vector<16xi1>, vector<16xi32>
          %mul3A_1110 = arith.mulf %select_n3A_1095, %select_n3A_1090 : vector<16xf32>
          %mul3A_1111 = arith.mulf %select_n3A_1089, %select_n3A_1096 : vector<16xf32>
          %gt3A_1112 = arith.cmpf ogt, %mul3A_1110, %mul3A_1111 : vector<16xf32>
          %select_n3A_1113 = arith.select %gt3A_1112, %select_n3A_1095, %select_n3A_1089 : vector<16xi1>, vector<16xf32>
          %select_n3A_1114 = arith.select %gt3A_1112, %select_n3A_1096, %select_n3A_1090 : vector<16xi1>, vector<16xf32>
          %select_n3A_1115 = arith.select %gt3A_1112, %select_n3A_1097, %select_n3A_1091 : vector<16xi1>, vector<16xi32>
          %mul3A_1116 = arith.mulf %select_n3A_1107, %select_n3A_1102 : vector<16xf32>
          %mul3A_1117 = arith.mulf %select_n3A_1101, %select_n3A_1108 : vector<16xf32>
          %gt3A_1118 = arith.cmpf ogt, %mul3A_1116, %mul3A_1117 : vector<16xf32>
          %select_n3A_1119 = arith.select %gt3A_1118, %select_n3A_1107, %select_n3A_1101 : vector<16xi1>, vector<16xf32>
          %select_n3A_1120 = arith.select %gt3A_1118, %select_n3A_1108, %select_n3A_1102 : vector<16xi1>, vector<16xf32>
          %select_n3A_1121 = arith.select %gt3A_1118, %select_n3A_1109, %select_n3A_1103 : vector<16xi1>, vector<16xi32>
          %mul3A_1122 = arith.mulf %select_n3A_1119, %select_n3A_1114 : vector<16xf32>
          %mul3A_1123 = arith.mulf %select_n3A_1113, %select_n3A_1120 : vector<16xf32>
          %gt3A_1124 = arith.cmpf ogt, %mul3A_1122, %mul3A_1123 : vector<16xf32>
          %select_n3A_1125 = arith.select %gt3A_1124, %select_n3A_1119, %select_n3A_1113 : vector<16xi1>, vector<16xf32>
          %select_n3A_1126 = arith.select %gt3A_1124, %select_n3A_1120, %select_n3A_1114 : vector<16xi1>, vector<16xf32>
          %select_n3A_1127 = arith.select %gt3A_1124, %select_n3A_1121, %select_n3A_1115 : vector<16xi1>, vector<16xi32>
          %mul3A_1128 = arith.mulf %select_n3A_1125, %scan3A_516 : vector<16xf32>
          %mul3A_1129 = arith.mulf %scan3A_515, %select_n3A_1126 : vector<16xf32>
          %gt3A_1130 = arith.cmpf ogt, %mul3A_1128, %mul3A_1129 : vector<16xf32>
          %select_n3A_1131 = arith.select %gt3A_1130, %select_n3A_1125, %scan3A_515 : vector<16xi1>, vector<16xf32>
          %select_n3A_1132 = arith.select %gt3A_1130, %select_n3A_1126, %scan3A_516 : vector<16xi1>, vector<16xf32>
          %add3A_1133 = vector.broadcast %mul3A_519 : i32 to vector<16xi32>
          %add3A_1134 = arith.addi %add3A_1133, %select_n3A_1127 : vector<16xi32>
          %select_n3A_1135 = arith.select %gt3A_1130, %add3A_1134, %scan3A_517 : vector<16xi1>, vector<16xi32>
          scf.yield %select_n3A_1131, %select_n3A_1132, %select_n3A_1135 : vector<16xf32>, vector<16xf32>, vector<16xi32>
        }
        %scan3A_475 = arith.constant 7 : i32
        %add3A_476 = arith.addf %scan3A_474#0, %scan3A_474#0 : vector<16xf32>
        %gt3A = arith.cmpf ogt, %add3A_476, %scan3A_474#1 : vector<16xf32>
        %and3A_477 = arith.andi %lt3A_465, %gt3A : vector<16xi1>
        %add3A_478 = arith.addi %broadcast_in_dim3A_11, %scan3A_474#2 : vector<16xi32>
        %gather3A = tpu.vector_load_idx %arg9[%add3A_478] : memref<3584xf32, #tpu.memory_space<vmem>>[vector<16xi32>], vector<16xf32>,
        %add3A_479 = arith.constant 112 : i32
        %add3A_480 = vector.broadcast %add3A_479 : i32 to vector<16xi32>
        %add3A_481 = arith.addi %add3A_478, %add3A_480 : vector<16xi32>
        %gather3A_482 = tpu.vector_load_idx %arg9[%add3A_481] : memref<3584xf32, #tpu.memory_space<vmem>>[vector<16xi32>], vector<16xf32>,
        %add3A_483 = arith.constant 224 : i32
        %add3A_484 = vector.broadcast %add3A_483 : i32 to vector<16xi32>
        %add3A_485 = arith.addi %add3A_478, %add3A_484 : vector<16xi32>
        %gather3A_486 = tpu.vector_load_idx %arg9[%add3A_485] : memref<3584xf32, #tpu.memory_space<vmem>>[vector<16xi32>], vector<16xf32>,
        %add3A_487 = arith.constant 336 : i32
        %add3A_488 = vector.broadcast %add3A_487 : i32 to vector<16xi32>
        %add3A_489 = arith.addi %add3A_478, %add3A_488 : vector<16xi32>
        %gather3A_490 = tpu.vector_load_idx %arg9[%add3A_489] : memref<3584xf32, #tpu.memory_space<vmem>>[vector<16xi32>], vector<16xf32>,
        %sub3A_491 = arith.subf %get3A_424, %gather3A : vector<16xf32>
        %sub3A_492 = arith.subf %get3A_430, %gather3A_482 : vector<16xf32>
        %sub3A_493 = arith.subf %get3A_436, %gather3A_486 : vector<16xf32>
        %sub3A_494 = arith.subf %get3A_442, %gather3A_490 : vector<16xf32>
        %mul3A_495 = arith.mulf %sub3A_491, %sub3A_491 : vector<16xf32>
        %mul3A_496 = arith.mulf %sub3A_492, %sub3A_492 : vector<16xf32>
        %add3A_497 = arith.addf %mul3A_495, %mul3A_496 : vector<16xf32>
        %mul3A_498 = arith.mulf %sub3A_493, %sub3A_493 : vector<16xf32>
        %add3A_499 = arith.addf %add3A_497, %mul3A_498 : vector<16xf32>
        %mul3A_500 = arith.mulf %sub3A_494, %sub3A_494 : vector<16xf32>
        %add3A_501 = arith.addf %add3A_499, %mul3A_500 : vector<16xf32>
        %broadcast_in_dim3A_502 = arith.constant 0.000000e+00 : f32
        %broadcast_in_dim3A_503 = vector.broadcast %broadcast_in_dim3A_502 : f32 to vector<16xf32>
        %select_n3A_504 = arith.select %and3A_477, %add3A_501, %broadcast_in_dim3A_503 : vector<16xi1>, vector<16xf32>
        %add3A_505 = arith.addf %while3A_418, %select_n3A_504 : vector<16xf32>
        %jit3A_506 = arith.constant 1.000000e+00 : f32
        %jit3A_507 = arith.constant 0.000000e+00 : f32
        %broadcast_in_dim3A_508 = vector.broadcast %jit3A_506 : f32 to vector<16xf32>
        %broadcast_in_dim3A_509 = vector.broadcast %jit3A_507 : f32 to vector<16xf32>
        %select_n3A_510 = arith.select %and3A_477, %broadcast_in_dim3A_508, %broadcast_in_dim3A_509 : vector<16xi1>, vector<16xf32>
        %add3A_511 = arith.addf %while3A_419, %select_n3A_510 : vector<16xf32>
        %select_n3A_512 = arith.select %and3A_477, %get3A_448, %broadcast_in_dim3A_503 : vector<16xi1>, vector<16xf32>
        %add3A_513 = arith.addf %while3A_420, %select_n3A_512 : vector<16xf32>
        scf.yield %add3A_505, %add3A_511, %add3A_513 : vector<16xf32>, vector<16xf32>, vector<16xf32>
      }
      %mul3A_405 = arith.constant 48 : i32
      %mul3A_406 = arith.muli %scan3A_8, %mul3A_405 : i32
      %add3A_407 = vector.broadcast %mul3A_406 : i32 to vector<16xi32>
      %add3A_408 = arith.addi %add3A_407, %iota3A : vector<16xi32>
      tpu.vector_store_idx %arg12[%add3A_408], %while3A_404#0 : memref<384xf32, #tpu.memory_space<vmem>>[vector<16xi32>], vector<16xf32>,
      %add3A_409 = arith.constant 16 : i32
      %add3A_410 = arith.addi %mul3A_406, %add3A_409 : i32
      %add3A_411 = vector.broadcast %add3A_410 : i32 to vector<16xi32>
      %add3A_412 = arith.addi %add3A_411, %iota3A : vector<16xi32>
      tpu.vector_store_idx %arg12[%add3A_412], %while3A_404#1 : memref<384xf32, #tpu.memory_space<vmem>>[vector<16xi32>], vector<16xf32>,
      %add3A_413 = arith.constant 32 : i32
      %add3A_414 = arith.addi %mul3A_406, %add3A_413 : i32
      %add3A_415 = vector.broadcast %add3A_414 : i32 to vector<16xi32>
      %add3A_416 = arith.addi %add3A_415, %iota3A : vector<16xi32>
      tpu.vector_store_idx %arg12[%add3A_416], %while3A_404#2 : memref<384xf32, #tpu.memory_space<vmem>>[vector<16xi32>], vector<16xf32>,
    }
    %scan3A_7 = arith.constant 8 : i32
    "tpu.region"() ({
      %run_scoped3A = tpu.sem_alloc : memref<!tpu.dma_semaphore, #tpu.memory_space<semaphore_mem>>
      %dma_start3A = arith.constant 0 : i32
      %dma_start3A_8 = tpu.memref_slice %arg6[%add3A, %dma_start3A] : memref<32x384xf32, #tpu.memory_space<hbm>> -> memref<1x384xf32, #tpu.memory_space<hbm>>
      %dma_start3A_9 = tpu.memref_squeeze %dma_start3A_8 : memref<1x384xf32, #tpu.memory_space<hbm>> -> memref<384xf32, #tpu.memory_space<hbm>>
      %dma_start3A_10 = arith.constant 0 : i32
      %dma_start3A_11 = tpu.memref_slice %arg6[%add3A, %dma_start3A_10] : memref<32x384xf32, #tpu.memory_space<hbm>> -> memref<1x384xf32, #tpu.memory_space<hbm>>
      %dma_start3A_12 = tpu.memref_squeeze %dma_start3A_11 : memref<1x384xf32, #tpu.memory_space<hbm>> -> memref<384xf32, #tpu.memory_space<hbm>>
      tpu.enqueue_dma source(%arg12 : memref<384xf32, #tpu.memory_space<vmem>>) target(%dma_start3A_12 : memref<384xf32, #tpu.memory_space<hbm>>) target_semaphore(%run_scoped3A : memref<!tpu.dma_semaphore, #tpu.memory_space<semaphore_mem>>)
      %dma_wait3A = arith.constant 0 : i32
      %dma_wait3A_13 = tpu.memref_slice %arg6[%add3A, %dma_wait3A] : memref<32x384xf32, #tpu.memory_space<hbm>> -> memref<1x384xf32, #tpu.memory_space<hbm>>
      %dma_wait3A_14 = tpu.memref_squeeze %dma_wait3A_13 : memref<1x384xf32, #tpu.memory_space<hbm>> -> memref<384xf32, #tpu.memory_space<hbm>>
      %dma_wait3A_15 = arith.constant 0 : i32
      %dma_wait3A_16 = tpu.memref_slice %arg6[%add3A, %dma_wait3A_15] : memref<32x384xf32, #tpu.memory_space<hbm>> -> memref<1x384xf32, #tpu.memory_space<hbm>>
      %dma_wait3A_17 = tpu.memref_squeeze %dma_wait3A_16 : memref<1x384xf32, #tpu.memory_space<hbm>> -> memref<384xf32, #tpu.memory_space<hbm>>
      tpu.wait_dma2 semaphore(%run_scoped3A : memref<!tpu.dma_semaphore, #tpu.memory_space<semaphore_mem>>) src(%arg12 : memref<384xf32, #tpu.memory_space<vmem>>) dst(%dma_wait3A_17 : memref<384xf32, #tpu.memory_space<hbm>>)
      tpu.yield
    }) : () -> ()
    return
  }
}

module attributes {stable_mosaic.version = 14 : i64} {
  func.func @_tc_body(%arg0: memref<8x20000xf32, #tpu.memory_space<vmem>>, %arg1: memref<1x1xf32, #tpu.memory_space<vmem>>, %arg2: memref<32x384xf32, #tpu.memory_space<vmem>>, %arg3: memref<1x1xf32, #tpu.memory_space<vmem>>) attributes {dimension_semantics = [], scalar_prefetch = 0 : i64, scratch_operands = 0 : i64, tpu.core_type = #tpu.core_type<tc>} {
    %get3A = arith.constant 0 : index
    %get3A_0 = arith.constant 0 : index
    %get3A_1 = vector.load %arg0[%get3A, %get3A_0] : memref<8x20000xf32, #tpu.memory_space<vmem>>, vector<8x20000xf32>
    %get3A_2 = arith.constant 0 : index
    %get3A_3 = arith.constant 0 : index
    %get3A_4 = vector.load %arg1[%get3A_2, %get3A_3] : memref<1x1xf32, #tpu.memory_space<vmem>>, vector<1x1xf32>
    %get3A_5 = vector.extract %get3A_4[0, 0] : f32 from vector<1x1xf32>
    %gt3A = vector.broadcast %get3A_5 : f32 to vector<8x20000xf32>
    %gt3A_6 = arith.cmpf ogt, %get3A_1, %gt3A : vector<8x20000xf32>
    %convert_element_type3A = arith.extui %gt3A_6 : vector<8x20000xi1> to vector<8x20000xi32>
    %convert_element_type3A_7 = arith.sitofp %convert_element_type3A : vector<8x20000xi32> to vector<8x20000xf32>
    %reduce_sum3A = arith.constant dense<0.000000e+00> : vector<8xf32>
    %reduce_sum3A_8 = vector.multi_reduction <add>, %convert_element_type3A_7, %reduce_sum3A [1] : vector<8x20000xf32> to vector<8xf32>
    %max3A = arith.constant 0.000000e+00 : f32
    %max3A_9 = vector.broadcast %max3A : f32 to vector<8x20000xf32>
    %max3A_10 = arith.maximumf %get3A_1, %max3A_9 : vector<8x20000xf32>
    %abs3A = math.absf %get3A_1 : vector<8x20000xf32>
    %neg3A = arith.constant 0.000000e+00 : f32
    %neg3A_11 = vector.broadcast %neg3A : f32 to vector<8x20000xf32>
    %neg3A_12 = arith.subf %neg3A_11, %abs3A : vector<8x20000xf32>
    %exp3A = math.exp %neg3A_12 : vector<8x20000xf32>
    %log1p3A = math.log1p %exp3A : vector<8x20000xf32>
    %add3A = arith.addf %max3A_10, %log1p3A : vector<8x20000xf32>
    %mul3A = arith.mulf %convert_element_type3A_7, %add3A : vector<8x20000xf32>
    %reduce_sum3A_13 = arith.constant dense<0.000000e+00> : vector<8xf32>
    %reduce_sum3A_14 = vector.multi_reduction <add>, %mul3A, %reduce_sum3A_13 [1] : vector<8x20000xf32> to vector<8xf32>
    %get3A_15 = arith.constant 0 : index
    %get3A_16 = arith.constant 0 : index
    %get3A_17 = vector.load %arg2[%get3A_15, %get3A_16] : memref<32x384xf32, #tpu.memory_space<vmem>>, vector<32x384xf32>
    %reshape3A = vector.shape_cast %get3A_17 : vector<32x384xf32> to vector<32x8x3x16xf32>
    %reduce_sum3A_18 = arith.constant dense<0.000000e+00> : vector<32x8x3xf32>
    %reduce_sum3A_19 = vector.multi_reduction <add>, %reshape3A, %reduce_sum3A_18 [3] : vector<32x8x3x16xf32> to vector<32x8x3xf32>
    %reduce_sum3A_20 = arith.constant dense<0.000000e+00> : vector<8x3xf32>
    %reduce_sum3A_21 = vector.multi_reduction <add>, %reduce_sum3A_19, %reduce_sum3A_20 [0] : vector<32x8x3xf32> to vector<8x3xf32>
    %slice3A = vector.extract_strided_slice %reduce_sum3A_21 {offsets = [0, 0], sizes = [8, 1], strides = [1, 1]} : vector<8x3xf32> to vector<8x1xf32>
    %squeeze3A = vector.shape_cast %slice3A : vector<8x1xf32> to vector<8xf32>
    %slice3A_22 = vector.extract_strided_slice %reduce_sum3A_21 {offsets = [0, 1], sizes = [8, 1], strides = [1, 1]} : vector<8x3xf32> to vector<8x1xf32>
    %squeeze3A_23 = vector.shape_cast %slice3A_22 : vector<8x1xf32> to vector<8xf32>
    %slice3A_24 = vector.extract_strided_slice %reduce_sum3A_21 {offsets = [0, 2], sizes = [8, 1], strides = [1, 1]} : vector<8x3xf32> to vector<8x1xf32>
    %squeeze3A_25 = vector.shape_cast %slice3A_24 : vector<8x1xf32> to vector<8xf32>
    %gt3A_26 = arith.constant 0.000000e+00 : f32
    %gt3A_27 = vector.broadcast %gt3A_26 : f32 to vector<8xf32>
    %gt3A_28 = arith.cmpf ogt, %squeeze3A_23, %gt3A_27 : vector<8xf32>
    %max3A_29 = arith.constant 1.000000e+00 : f32
    %max3A_30 = vector.broadcast %max3A_29 : f32 to vector<8xf32>
    %max3A_31 = arith.maximumf %squeeze3A_23, %max3A_30 : vector<8xf32>
    %mul3A_32 = arith.constant 4.000000e+00 : f32
    %mul3A_33 = vector.broadcast %mul3A_32 : f32 to vector<8xf32>
    %mul3A_34 = arith.mulf %mul3A_33, %max3A_31 : vector<8xf32>
    %div3A = arith.divf %squeeze3A, %mul3A_34 : vector<8xf32>
    %jit3A = arith.constant 0.000000e+00 : f32
    %broadcast_in_dim3A = vector.broadcast %jit3A : f32 to vector<8xf32>
    %select_n3A = arith.select %gt3A_28, %div3A, %broadcast_in_dim3A : vector<8xi1>, vector<8xf32>
    %sub3A = arith.subf %reduce_sum3A_14, %squeeze3A_25 : vector<8xf32>
    %div3A_35 = arith.divf %sub3A, %reduce_sum3A_8 : vector<8xf32>
    %sub3A_36 = arith.subf %reduce_sum3A_8, %squeeze3A_23 : vector<8xf32>
    %mul3A_37 = arith.constant 1.000000e-01 : f32
    %mul3A_38 = vector.broadcast %mul3A_37 : f32 to vector<8xf32>
    %mul3A_39 = arith.mulf %mul3A_38, %sub3A_36 : vector<8xf32>
    %add3A_40 = arith.addf %select_n3A, %div3A_35 : vector<8xf32>
    %add3A_41 = arith.addf %add3A_40, %mul3A_39 : vector<8xf32>
    %reduce_sum3A_42 = vector.shape_cast %add3A_41 : vector<8xf32> to vector<1x8xf32>
    %reduce_sum3A_43 = arith.constant dense<0.000000e+00> : vector<1xf32>
    %reduce_sum3A_44 = vector.multi_reduction <add>, %reduce_sum3A_42, %reduce_sum3A_43 [1] : vector<1x8xf32> to vector<1xf32>
    %reduce_sum3A_45 = vector.shape_cast %reduce_sum3A_44 : vector<1xf32> to vector<1x1xf32>
    %reduce_sum3A_46 = vector.extract %reduce_sum3A_45[0, 0] : f32 from vector<1x1xf32>
    %div3A_47 = arith.constant 8.000000e+00 : f32
    %div3A_48 = arith.divf %reduce_sum3A_46, %div3A_47 : f32
    %broadcast_in_dim3A_49 = vector.broadcast %div3A_48 : f32 to vector<1x1xf32>
    %swap3A = arith.constant 0 : index
    %swap3A_50 = arith.constant 0 : index
    %swap3A_51 = vector.load %arg3[%swap3A, %swap3A_50] : memref<1x1xf32, #tpu.memory_space<vmem>>, vector<1x1xf32>
    tpu.vector_store %arg3[%swap3A, %swap3A_50], %broadcast_in_dim3A_49 {strides = array<i32>} : memref<1x1xf32, #tpu.memory_space<vmem>>, vector<1x1xf32>,
    return
  }
}

</mosaic_0001>

<sc_bundles>
// kernel: kernel.4.cloned.1.call-start
scs
__scs_entry_jumppad:
0x0: {  	(pc) =	sbr.rel $0x88, $3  }
0x1: {  	(tag) =	ssettag $0x0;
	lr =	simm.s32 $0x1  }
0x2: {  	[smem:$0x3F9D] =	sst lr;
	_ =	strace $0xD0000000  }
0x3: {  	_ = 	snop  }
0x4: {  	_ = 	snop  }
0x5: {  	_ = 	snop  }
0x6: {  	_ = 	snop  }
0x7: {  	_ = 	snop  }
__scs_overlays_trampoline_lowered:
0x8: {  	[smem:$0x3FAC] =	sst s0  }
0x9: {  	[smem:$0x3FAD] =	sst s1  }
0xa: {  	[smem:$0x3FAE] =	sst s2  }
0xb: {  	[smem:$0x3FAF] =	sst s3  }
0xc: {  	[smem:$0x3FB0] =	sst s4  }
0xd: {  	[smem:$0x3FB1] =	sst s5  }
0xe: {  	[smem:$0x3FB2] =	sst s6  }
0xf: {  	[smem:$0x3FB3] =	sst s7  }
0x10: {  	[smem:$0x3FB4] =	sst s8  }
0x11: {  	[smem:$0x3FB5] =	sst s9;
	s0 =	simm.s32 @!p0 $0x0  }
0x12: {  	s1 =	sld [smem:$0x3F9B];
	s0 =	simm.s32 @p0 $0x1  }
0x13: {  	[smem:$0x3FB6] =	sst s0;
	s0 =	simm.s32 @!p1 $0x0  }
0x14: {  	s2 =	sld [smem:$0x3F9A];
	s0 =	simm.s32 @p1 $0x1  }
0x15: {  	[smem:$0x3FB7] =	sst s0;
	s0 =	simm.s32 @!p2 $0x0  }
0x16: {  	s3 =	sld [smem:$0x3FDB];
	s0 =	simm.s32 @p2 $0x1  }
0x17: {  	s4 =	simm.s32 $0x1BF5;
	[smem:$0x3FB9] =	sst s0  }
0x18: {  	s0 =	sld [smem:$0x3F9C];
	_ =	swait.ge [sflag:s4], $0x0  }
0x19: {  	s7 =	sld [smem:$0x3F9D]  }
0x1a: {  	s8 =	sadd.s32 $0xFFFFE003, lr  }
0x1b: {  	s9 =	sadd.s32 $0xFFFFFEF7, lr;
	s5 =	simm.s32 $0xFFFFFFFF;
	p2 =	slt.u32 s8, $0xFFFFF086  }
0x1c: {  	p1 =	slt.u32 s9, $0xF7A;
	s5 =	simm.s32 @!p2 $0x0  }
0x1d: {  	s5 =	simm.s32 @p1 $0x1;
	p0 =	seq.s32 s7, s2  }
0x1e: {  	s7 =	smul.u32 @!p0 $0xF7A, s2;
	p2 =	seq.s32 @!p0 s5, $0x0  }
0x1f: {  	s9 =	smul.u32 $0xF7A, s1;
	s8 =	simm.s32 @!p0 $0x1BF5;
	p2 =	por !p2, p0  }
0x20: {  	[sflag:s8] =	ssyncset.s32 @!p0 $0xFFFFF086;
	s6 =	sadd.s32 @!p0 s3, s7;
	s7 =	simm.s32 @!p0 $0x108  }
0x21: {  	s3 =	sadd.s32 s3, s9;
	s6 =	sadd.s32 @!p0 $0x88, s6;
	s7 =	simm.s32 @p2 $0x1082  }
0x22: {  	[simem:s7], [sflag:s8] =	dma.local @!p0 [hbm:s6], $0xF7A  }
0x23: {  	s9 =	sor.u32 $0xD0000000, s2;
	s6 =	simm.s32 $0x108;
	_ =	swait.ge @!p0 [sflag:s8], $0x0  }
0x24: {  	s3 =	sadd.s32 $0x88, s3;
	s6 =	simm.s32 @!p1 $0x1082;
	[sflag:s4] =	ssyncset.s32 $0xFFFFF086  }
0x25: {  	[simem:s6], [sflag:s4] =	dma.local [hbm:s3], $0xF7A  }
0x26: {  	[smem:$0x3F9D] =	sst s1;
	(tag) =	ssettag s2;
	_ =	strace s9  }
0x27: {  	s1 =	sld [smem:$0x3FAD]  }
0x28: {  	s2 =	sld [smem:$0x3FAE]  }
0x29: {  	s4 =	sld [smem:$0x3FB0]  }
0x2a: {  	p0 =	seq.s32 s5, $0x0;
	s5 =	sld [smem:$0x3FB1]  }
0x2b: {  	s6 =	sld [smem:$0x3FB2]  }
0x2c: {  	s7 =	sld [smem:$0x3FB3]  }
0x2d: {  	s3 =	simm.s32 $0x108;
	s8 =	sld [smem:$0x3FB4]  }
0x2e: {  	s3 =	simm.s32 @!p0 $0x1082;
	s9 =	sld [smem:$0x3FB5]  }
0x2f: {  	lr =	sadd.s32 s0, s3;
	s0 =	sld [smem:$0x3FAC]  }
0x30: {  	s3 =	sld [smem:$0x3FAF]  }
0x31: {  	[smem:$0x3FB8] =	sst s10  }
0x32: {  	s10 =	sld [smem:$0x3FB6];
	_ =	sdelay $0x3  }
0x33: {  	p0 =	seq.s32 s10, $0x1;
	s10 =	sld [smem:$0x3FB8];
	_ =	sdelay $0x3  }
0x34: {  	[smem:$0x3FB8] =	sst s10  }
0x35: {  	s10 =	sld [smem:$0x3FB7];
	_ =	sdelay $0x3  }
0x36: {  	p1 =	seq.s32 s10, $0x1;
	s10 =	sld [smem:$0x3FB8];
	_ =	sdelay $0x3  }
0x37: {  	[smem:$0x3FB8] =	sst s10  }
0x38: {  	s10 =	sld [smem:$0x3FB9]  }
0x39: {  	_ = 	snop;
	(pc) =	sbr.ind lr, $3  }
0x3a: {  	_ = 	snop  }
0x3b: {  	_ = 	snop  }
0x3c: {  	p2 =	seq.s32 s10, $0x1;
	s10 =	sld [smem:$0x3FB8]  }
0x3d: {  	_ =	shalt  }
0x3e: {  	_ =	shalt  }
0x3f: {  	_ =	shalt  }
0x40: {  	_ =	shalt  }
0x41: {  	_ =	shalt  }
0x42: {  	_ =	shalt  }
0x43: {  	_ =	shalt  }
0x44: {  	_ =	shalt  }
0x45: {  	_ =	shalt  }
0x46: {  	_ =	shalt  }
0x47: {  	_ =	shalt  }
0x48: {  	_ =	shalt  }
0x49: {  	_ =	shalt  }
0x4a: {  	_ =	shalt  }
0x4b: {  	_ =	shalt  }
0x4c: {  	_ =	shalt  }
0x4d: {  	_ =	shalt  }
0x4e: {  	_ =	shalt  }
0x4f: {  	_ =	shalt  }
0x50: {  	_ =	shalt  }
0x51: {  	_ =	shalt  }
0x52: {  	_ =	shalt  }
0x53: {  	_ =	shalt  }
0x54: {  	_ =	shalt  }
0x55: {  	_ =	shalt  }
0x56: {  	_ =	shalt  }
0x57: {  	_ =	shalt  }
0x58: {  	_ =	shalt  }
0x59: {  	_ =	shalt  }
0x5a: {  	_ =	shalt  }
0x5b: {  	_ =	shalt  }
0x5c: {  	_ =	shalt  }
0x5d: {  	_ =	shalt  }
0x5e: {  	_ =	shalt  }
0x5f: {  	_ =	shalt  }
0x60: {  	_ =	shalt  }
0x61: {  	_ =	shalt  }
0x62: {  	_ =	shalt  }
0x63: {  	_ =	shalt  }
0x64: {  	_ =	shalt  }
0x65: {  	_ =	shalt  }
0x66: {  	_ =	shalt  }
0x67: {  	_ =	shalt  }
0x68: {  	_ =	shalt  }
0x69: {  	_ =	shalt  }
0x6a: {  	_ =	shalt  }
0x6b: {  	_ =	shalt  }
0x6c: {  	_ =	shalt  }
0x6d: {  	_ =	shalt  }
0x6e: {  	_ =	shalt  }
0x6f: {  	_ =	shalt  }
0x70: {  	_ =	shalt  }
0x71: {  	_ =	shalt  }
0x72: {  	_ =	shalt  }
0x73: {  	_ =	shalt  }
0x74: {  	_ =	shalt  }
0x75: {  	_ =	shalt  }
0x76: {  	_ =	shalt  }
0x77: {  	_ =	shalt  }
0x78: {  	_ =	shalt  }
0x79: {  	_ =	shalt  }
0x7a: {  	_ =	shalt  }
0x7b: {  	_ =	shalt  }
0x7c: {  	_ =	shalt  }
0x7d: {  	_ =	shalt  }
0x7e: {  	_ =	shalt  }
0x7f: {  	_ =	shalt  }
0x80: {  	_ =	shalt  }
0x81: {  	_ =	shalt  }
0x82: {  	_ =	shalt  }
0x83: {  	_ =	shalt  }
0x84: {  	_ =	shalt  }
0x85: {  	_ =	shalt  }
0x86: {  	_ =	shalt  }
0x87: {  	_ =	shalt  }
.Lfunc_end0:
.L_simem_size_0:
called_computation_lowered:
.L_overlay_start_0:
0x88: {  	s2 =	sld [smem:$0x3FD9]  }
0x89: {  	s3 =	sld [smem:$0x3FFE];
	_ =	sdelay $0x1  }
0x8a: {  	s1 =	srdreg.scid  }
0x8b: {  	s0 =	sand.u32 $0x1, s1  }
0x8c: {  	s17 =	sshll.u32 s0, $0xA;
	s2 =	sadd.s32 s3, s2  }
0x8d: {  	s2 =	sadd.s32 s2, s17  }
0x8e: {  	[smem:$0x3FC4] =	sst s2  }
0x8f: {  	_ = 	snop  }
0x90: {  	s2 =	sld [smem:$0x3FD0];
	(tm) =	ssettm $0x1  }
0x91: {  	s18 =	sld [smem:$0x3FFB];
	_ =	sdelay $0x3  }
0x92: {  	_ =	strace s18  }
0x93: {  	s3 =	sld [smem:$0x3FFC];
	_ =	sdelay $0x3  }
0x94: {  	_ =	strace s3  }
0x95: {  	s3 =	sld [smem:$0x3FFD];
	_ =	sdelay $0x3  }
0x96: {  	_ =	strace s3  }
0x97: {  	_ =	strace $0x8FFFFFFF  }
0x98: {  	s19 =	sld [smem:$0x3FDB];
	_ =	sdelay $0x1  }
0x99: {  	s4 =	simm.s32 $_scs_section_size  }
0x9a: {  	s5 =	simm.s32 $_size__tile_overlayer_lowered;
	s6 =	simm.s32 $_tile_overlayer_lowered  }
0x9b: {  	s22 =	simm.s32 $0x1BFF;
	s21 =	sshll.u32 s6, $0x1;
	s3 =	sadd.s32 s4, s19  }
0x9c: {  	s7 =	simm.s32 $0x0;
	s20 =	sshll.u32 s5, $0x1;
	s5 =	sadd.s32 s21, s3  }
0x9d: {  	[timem:s7], [sflag:s22] =	dma.local [hbm:s5], s20  }
0x9e: {  	_ =	swait.ge [sflag:s22], s20  }
0x9f: {  	s4 =	ssub.s32 $0x0, s20;
	[sflag:s22] =	ssyncset.done $0x0  }
0xa0: {  	[sflag:s22] =	ssyncadd.s32 s4;
	_ =	sdelay $0x1  }
0xa1: {  	s23 =	simm.s32 $0x1B8B  }
0xa2: {  	_ =	swait.ge [sflag:s23], $0x1  }
0xa3: {  	[sflag:s23] =	ssyncset.done $0x0  }
0xa4: {  	s25 =	simm.s32 $0x1B8E;
	s24 =	sld [smem:$0x3FFE];
	[sflag:s23] =	ssyncadd.s32 $0xFFFFFFFF  }
0xa5: {  	s26 =	simm.s32 $execute0_lowered;
	[smem:$0x3FD2] =	sst s25  }
0xa6: {  	s5 =	sshll.u32 s26, $0x1;
	_ =	strace $0x80000046;
	[dreg:$0x1] =	wrdreg $0xFFFFFFFF  }
0xa7: {  	s28 =	simm.s32 $_size_execute0_lowered;
	s3 =	sadd.s32 s3, s5;
	[dreg:$0x0] =	wrdreg $0x0  }
0xa8: {  	s5 =	sshll.u32 s28, $0x1;
	[dreg:$0x2] =	wrdreg s3  }
0xa9: {  	[dreg:$0x3] =	wrdreg s5  }
0xaa: {  	[dreg:$0x4] =	wrdreg $0xC0  }
0xab: {  	_ =	task [dreg:s7], $0x5FFFF  }
0xac: {  	[dreg:$0x1] =	wrdreg $0xFFFFFFFF  }
0xad: {  	[dreg:$0x0] =	wrdreg $0x60  }
0xae: {  	[dreg:$0x2] =	wrdreg s24  }
0xaf: {  	[dreg:$0x3] =	wrdreg s2  }
0xb0: {  	[dreg:$0x4] =	wrdreg $0x9  }
0xb1: {  	_ =	task.clear_ibuf [dreg:s7], $0x5FFFF;
	_ =	strace $0x90000046  }
0xb2: {  	s29 =	simm.s32 $0x9;
	_ =	strace $0x80000048  }
0xb3: {  	_ =	swait.ge [sflag:s29], $0x1  }
0xb4: {  	[sflag:s29] =	ssyncadd.s32 $0xFFFFFFFF  }
0xb5: {  	_ =	strace $0x90000048  }
0xb6: {  	_ =	sfence  }
0xb7: {  	s30 =	sld [smem:$0x0];
	_ =	sdelay $0x2  }
0xb8: {  	s31 =	sshll.u32 s1, $0xD;
	s1 =	sshrl.u32 s1, $0x2  }
0xb9: {  	s3 =	sand.u32 $0x4000, s31;
	s1 =	sadd.s32 s1, s30  }
0xba: {  	s0 =	sor.u32 s3, s0;
	s1 =	sshll.u32 s1, $0x11  }
0xbb: {  	s0 =	sor.u32 s1, s0  }
0xbc: {  	s0 =	sadd.s32 $0x8F2B, s0  }
0xbd: {  	[sflag:s0] =	ssyncadd.remote.s32 $0x1  }
0xbe: {  	_ =	sfence.sel $0xFFFF  }
0xbf: {  	[dreg:$0x0] =	wrdreg $0xFFFFFFFF;
	(pc) =	sbr.abs _section_cstart, $3  }
0xc0: {  	[dreg:$0x1] =	wrdreg $0xFFFFFFFF  }
0xc1: {  	_ =	task.clear_ibuf [dreg:s7], $0x2FFFF;
	_ =	strace $0x9FFFFFFF  }
0xc2: {  	(tm) =	ssettm $0x7FFFFFFF  }
0xc3: {  	_ =	shalt  }
tec
execute0_lowered:
.L_overlay_start_1:
0x0: {  	(tag) =	ssettag $0x1  }
0x1: {  	s1 =	srdreg.scid;
	s5 =	rddreg [dreg:$0x0]  }
0x2: {  	s0 =	stileid.u32;
	s2 =	rddreg [dreg:$0x1]  }
0x3: {  	s3 =	simm.s32 $0x0;
	s12 =	simm.s32 $0x7E80;
	s13 =	simm.s32 $0x7200  }
0x4: {  	s14 =	simm.s32 $0x7F00;
	s15 =	simm.s32 $0x80;
	s16 =	simm.s32 $0x400  }
0x5: {  	s4 =	sand.u32 $0x1, s1;
	s30 =	sshll.u32 s0, $0x1;
	s9 =	sshrl.u32 s0, $0x2  }
0x6: {  	s1 =	rddreg [dreg:$0x2];
	s6 =	sor.u32 s4, s30;
	s9 =	smul.u32 $0xC00, s9  }
0x7: {  	s17 =	simm.s32 $0x0;
	[smem:$0x7FF] =	sst s3;
	s7 =	smul.u32 $0xA00, s6  }
0x8: {  	_ =	strace $0x80000047;
	s8 =	smul.u32 $0x280, s6;
	s6 =	sshll.u32 s6, $0x7  }
0x9: {  	s31 =	ssub.s32 $0x2, s4;
	s4 =	sadd.s32 $0x14C00, s5;
	s6 =	sand.u32 $0x380, s6  }
.Ltmp0:
0xa: {  	s10 =	sshrl.u32 s31, $0x1;
	s6 =	sor.u32 s9, s6;
	(pc) =	sbr.rel .LBB2_1-.Ltmp0, $4  }
0xb: {  	s7 =	sadd.s32 s7, s5;
	s8 =	sadd.s32 s8, s5;
	s6 =	sshrl.u32 s6, $0x3  }
0xc: {  	s9 =	ssub.s32 s31, s10;
	s10 =	simm.s32 $0x5000;
	s11 =	sadd.s32 s6, s5  }
0xd: {  	s5 =	sadd.s32 $0xC00, s7;
	s6 =	sadd.s32 $0x14E00, s8;
	s8 =	smax.u32 s9, $0x1  }
0xe: {  	v3 =	vimm.s32 $0x0;
	s9 =	simm.s32 $0x1;
	s7 =	sadd.s32 $0x19E00, s11;
	s11 =	simm.s32 $0x6400  }
.LBB2_11:
0xf: {  	s17 =	sadd.s32 $0x1, s17  }
0x10: {  	p0 =	sne.s32 s17, s8  }
.Ltmp1:
0x11: {  	_ = 	snop;
	(pc) =	sbr.rel @!p0 .LBB2_12-.Ltmp1, $4  }
0x12: {  	[hbm4b:s7+s15] =	stream.strided.scatter [tilespmem:s14], [sflag:$0x1], $0x180, s16, s15, $0x38;
	[tilespmem:$0x8300] =	vst v63  }
0x13: {  	_ =	swait.ge [sflag:s9], $0x180  }
0x14: {  	[sflag:s9] =	ssyncset.done $0x0  }
0x15: {  	[sflag:s9] =	ssyncadd.s32 $0xFFFFFE80  }
.LBB2_1:
0x16: {  	[tilespmem:s3], [sflag:$0x1] =	stream.linear.gather [hbm4b:s5+s3], $0x5000, $0x38;
	[tilespmem:$0x8300] =	vst v63  }
0x17: {  	_ =	swait.ge [sflag:s9], $0x5000  }
0x18: {  	[sflag:s9] =	ssyncset.done $0x0  }
0x19: {  	[sflag:s9] =	ssyncadd.s32 $0xFFFFB000  }
0x1a: {  	[tilespmem:s10], [sflag:$0x1] =	stream.linear.gather [hbm4b:s6+s3], $0x1400, $0x38;
	[tilespmem:$0x8300] =	vst v63  }
0x1b: {  	_ =	swait.ge [sflag:s9], $0x1400  }
0x1c: {  	[sflag:s9] =	ssyncset.done $0x0  }
0x1d: {  	[sflag:s9] =	ssyncadd.s32 $0xFFFFEC00  }
0x1e: {  	[tilespmem:s11], [sflag:$0x1] =	stream.linear.gather [hbm4b:s4+s3], $0xE00, $0x38;
	[tilespmem:$0x8300] =	vst v63  }
0x1f: {  	_ =	swait.ge [sflag:s9], $0xE00  }
0x20: {  	[sflag:s9] =	ssyncset.done $0x0  }
0x21: {  	[sflag:s9] =	ssyncadd.s32 $0xFFFFF200  }
0x22: {  	[tilespmem:s12], [sflag:$0x1] =	stream.linear.gather [hbm4b:s2+s3], $0x80, $0x38;
	[tilespmem:$0x8300] =	vst v63  }
0x23: {  	_ =	swait.ge [sflag:s9], $0x80  }
0x24: {  	[sflag:s9] =	ssyncset.done $0x0  }
0x25: {  	[sflag:s9] =	ssyncadd.s32 $0xFFFFFF80  }
0x26: {  	v0 =	vld [tilespmem:$0x7E80]  }
.Ltmp2:
0x27: {  	_ = 	snop;
	(pc) =	sbr.rel .LBB2_2-.Ltmp2, $2  }
0x28: {  	_ =	sdelay $0x2  }
0x29: {  	s18 =	simm.s32 $0x0;
	[tilespmem:$0x1FFF0] =	vst v0  }
.LBB2_5:
0x2a: {  	v6 =	vimm.f32 $0.0e+00;
	v5 =	vimm.f32 $0.0e+00  }
.LBB2_10:
0x2b: {  	s19 =	smul.u32 $0x30, s18  }
0x2c: {  	v2 =	vlaneseq.u32  }
0x2d: {  	v0 =	vor.u32 s19, v2;
	s20 =	sadd.s32 $0x10, s19  }
0x2e: {  	s18 =	sadd.s32 $0x1, s18;
	s19 =	sadd.s32 $0x20, s19;
	v1 =	vor.u32 s20, v2  }
0x2f: {  	p0 =	sne.s32 s18, $0x8;
	v2 =	vor.u32 s19, v2  }
.Ltmp3:
0x30: {  	_ = 	snop;
	(pc) =	sbr.rel @!p0 .LBB2_11-.Ltmp3, $4  }
0x31: {  	_ = 	snop  }
0x32: {  	[tilespmem:v0+s14+$0x0] =	vst.idx.msk $0xffff, v6  }
0x33: {  	[tilespmem:v1+s14+$0x0] =	vst.idx.msk $0xffff, v5  }
0x34: {  	v0 =	vld [tilespmem:$0x1FFF0];
	[tilespmem:v2+s14+$0x0] =	vst.idx.msk $0xffff, v4  }
.LBB2_2:
0x35: {  	s19 =	sshll.u32 s18, $0x7  }
0x36: {  	s21 =	simm.s32 $0x0;
	s19 =	sand.u32 $0x3FFFFF80, s19  }
0x37: {  	s21 =	sand.u32 $0x3FFFFC00, s21;
	s20 =	sadd.s32 $0x5000, s19;
	s19 =	simm.s32 $0x0  }
0x38: {  	s22 =	sand.u32 $0x70, s19;
	s21 =	sadd.s32 s21, s20  }
0x39: {  	s21 =	sadd.s32 s22, s21  }
0x3a: {  	v11 =	vld [tilespmem:s21+$0x0];
	_ =	sdelay $0x4  }
0x3b: {  	vm0 =	vgt.f32 v11, v0  }
0x3c: {  	v12 =	vsel vm0, $0x1, v3  }
0x3d: {  	(xrf0) =	vadd.scan.msk.s32 $0xffff, v12;
	_ =	sdelay $0x1  }
0x3e: {  	s30 =	smul.u32 $0x2800, s18  }
0x3f: {  	s23 =	simm.s32 $0x0  }
0x40: {  	s23 =	sand.u32 $0x3FFFFE00, s23;
	s21 =	sshra.s32 s30, $0x2  }
0x41: {  	s23 =	sadd.s32 s23, s21  }
0x42: {  	s31 =	simm.s32 $0xFFFFFFFF;
	s22 =	sadd.s32 s22, s23;
	v14, _, _ =	vpop (xrf0)  }
0x43: {  	v15 =	vld [tilespmem:s22+$0x0];
	v16 =	vadd.s32 s31, v14;
	_ =	sdelay $0x2  }
0x44: {  	v17 =	vld [tilespmem:s22+$0x80];
	(v2sf) =	vpush v14, $0xF  }
0x45: {  	v13 =	vld [tilespmem:s22+$0x100];
	v18 =	vadd.s32 $0x280, v16  }
0x46: {  	v12 =	vld [tilespmem:s22+$0x180];
	v14 =	vadd.s32 $0xA00, v16;
	[tilespmem:v16+s13+$0x0] =	vst.idx.msk vm0, v15;
	v15 =	vadd.s32 $0x780, v16;
	v16 =	vadd.s32 $0x500, v16;
	_ =	sdelay $0x2  }
0x47: {  	s25 =	simm.s32 $0x80  }
0x48: {  	s24 =	simm.s32 $0x2;
	s23 =	simm.s32 $0x10;
	s22 =	simm.s32 $0x1;
	[tilespmem:v18+s13+$0x0] =	vst.idx.msk vm0, v17  }
.LBB2_3:
0x49: {  	p0 =	sne.s32 s24, $0x27;
	s22 =	sshll.u32 s22, $0x6;
	s25 =	sand.u32 $0x3FFFFC00, s25;
	[tilespmem:v16+s13+$0x0] =	vst.idx.msk vm0, v13  }
0x4a: {  	s26 =	sand.u32 $0x70, s23;
	s22 =	sand.u32 $0x3FFFFE00, s22;
	s25 =	sadd.s32 s25, s20;
	[tilespmem:v15+s13+$0x0] =	vst.idx.msk vm0, v12  }
0x4b: {  	s28 =	sadd.s32 s22, s21;
	s25 =	sadd.s32 s26, s25;
	[tilespmem:v14+s13+$0x0] =	vst.idx.msk vm0, v11;
	s22 =	smov.u32 s24  }
0x4c: {  	s26 =	sadd.s32 s26, s28;
	v11 =	vld [tilespmem:s25+$0x0]  }
0x4d: {  	v17 =	vld [tilespmem:s26+$0x0]  }
0x4e: {  	v12 =	vld [tilespmem:s26+$0x180]  }
0x4f: {  	v13 =	vld [tilespmem:s26+$0x100]  }
0x50: {  	v18 =	vld [tilespmem:s26+$0x80]  }
0x51: {  	vm0 =	vgt.f32 v11, v0;
	s25 =	spop (v2sf)  }
0x52: {  	v14 =	vsel vm0, $0x1, v3;
	s19 =	sadd.s32 s19, s25  }
0x53: {  	s25 =	sadd.s32 $0xFFFFFFFF, s19;
	(xrf0) =	vadd.scan.msk.s32 $0xffff, v14;
	_ =	sdelay $0x5  }
0x54: {  	v14, _, _ =	vpop (xrf0)  }
0x55: {  	v19 =	vadd.s32 s25, v14;
	(v2sf) =	vpush v14, $0xF  }
0x56: {  	v20 =	vadd.s32 $0x280, v19;
	v15 =	vadd.s32 $0x780, v19;
	v14 =	vadd.s32 $0xA00, v19  }
.Ltmp4:
0x57: {  	v16 =	vadd.s32 $0x500, v19;
	(pc) =	sbr.rel @p0 .LBB2_3-.Ltmp4, $3  }
0x58: {  	_ =	sdelay $0x1  }
0x59: {  	[tilespmem:v19+s13+$0x0] =	vst.idx.msk vm0, v17  }
0x5a: {  	s23 =	sadd.s32 $0x10, s23;
	s24 =	sadd.s32 $0x1, s24;
	s25 =	sshll.u32 s22, $0x7;
	[tilespmem:v20+s13+$0x0] =	vst.idx.msk vm0, v18  }
0x5b: {  	_ =	sdelay $0x4  }
0x5c: {  	s24 =	sand.u32 $0x3FFFFC00, s25;
	[tilespmem:v16+s13+$0x0] =	vst.idx.msk vm0, v13  }
0x5d: {  	s23 =	sand.u32 $0x70, s23;
	s20 =	sadd.s32 s24, s20;
	[tilespmem:v15+s13+$0x0] =	vst.idx.msk vm0, v12  }
0x5e: {  	s20 =	sadd.s32 s23, s20;
	[tilespmem:v14+s13+$0x0] =	vst.idx.msk vm0, v11  }
0x5f: {  	v11 =	vld [tilespmem:s20+$0x0];
	_ =	sdelay $0x4  }
0x60: {  	vm15 =	vgt.f32 v11, v0  }
0x61: {  	v8 =	vsel vm15, $0x1, v3  }
0x62: {  	(xrf0) =	vadd.scan.msk.s32 $0xffff, v8;
	_ =	sdelay $0x2  }
0x63: {  	s22 =	sshll.u32 s22, $0x6  }
0x64: {  	s20 =	sand.u32 $0x3FFFFE00, s22;
	s24 =	spop (v2sf)  }
0x65: {  	s20 =	sadd.s32 s20, s21;
	s19 =	sadd.s32 s19, s24  }
0x66: {  	s20 =	sadd.s32 s23, s20;
	s25 =	sadd.s32 $0xFFFFFFFF, s19;
	v12, _, _ =	vpop (xrf0)  }
0x67: {  	v13 =	vld [tilespmem:s20+$0x0];
	v9 =	vadd.s32 s25, v12  }
0x68: {  	v15 =	vld [tilespmem:s20+$0x80];
	v10 =	vadd.s32 $0x280, v9  }
0x69: {  	v17 =	vld [tilespmem:s20+$0x100];
	v18 =	vadd.s32 $0x500, v9  }
0x6a: {  	v19 =	vld [tilespmem:s20+$0x180];
	v20 =	vadd.s32 $0x780, v9  }
0x6b: {  	v21 =	vadd.s32 $0xA00, v9  }
0x6c: {  	[tilespmem:v9+s13+$0x0] =	vst.idx.msk vm15, v13  }
0x6d: {  	[tilespmem:v10+s13+$0x0] =	vst.idx.msk vm15, v15  }
0x6e: {  	[tilespmem:v18+s13+$0x0] =	vst.idx.msk vm15, v17  }
0x6f: {  	s21 =	smul.u32 $0x1C0, s18;
	[tilespmem:v20+s13+$0x0] =	vst.idx.msk vm15, v19  }
0x70: {  	[tilespmem:v21+s13+$0x0] =	vst.idx.msk vm15, v11  }
0x71: {  	v11 =	vld [tilespmem:s21+$0x64E0]  }
0x72: {  	v13 =	vld [tilespmem:s21+$0x6550]  }
0x73: {  	v14 =	vld [tilespmem:s21+$0x6400]  }
0x74: {  	v15 =	vld [tilespmem:s21+$0x6470];
	_ =	sdelay $0x1  }
0x75: {  	v11 =	vmul.f32 $5.000000000e-01, v11  }
0x76: {  	v13 =	vmul.f32 $5.000000000e-01, v13  }
0x77: {  	v24 =	vsub.f32 v14, v11;
	v11 =	vadd.f32 v11, v14  }
0x78: {  	v25 =	vsub.f32 v15, v13;
	v13 =	vadd.f32 v13, v15;
	_ =	sdelay $0x1  }
0x79: {  	[tilespmem:$0x8080] =	vst v24;
	v26 =	vsub.f32 v11, v24;
	v27 =	vsub.f32 v13, v25  }
0x7a: {  	[tilespmem:$0x8100] =	vst v11  }
0x7b: {  	[tilespmem:$0x8180] =	vst v25;
	v28 =	vmul.f32 v27, v26  }
0x7c: {  	[tilespmem:$0x8200] =	vst v13  }
0x7d: {  	[tilespmem:$0x8280] =	vst v28  }
0x7e: {  	v11 =	vld [tilespmem:s21+$0x64F0]  }
0x7f: {  	v13 =	vld [tilespmem:s21+$0x6560]  }
0x80: {  	s26 =	sand.u32 $0xFC0, s21;
	v14 =	vld [tilespmem:s21+$0x6410]  }
0x81: {  	v29 =	vld [tilespmem:s26+$0x6480];
	_ =	sdelay $0x1  }
0x82: {  	v11 =	vmul.f32 $5.000000000e-01, v11  }
0x83: {  	v13 =	vmul.f32 $5.000000000e-01, v13  }
0x84: {  	v30 =	vsub.f32 v14, v11;
	v11 =	vadd.f32 v11, v14  }
0x85: {  	v31 =	vsub.f32 v29, v13;
	v13 =	vadd.f32 v13, v29;
	_ =	sdelay $0x1  }
0x86: {  	[tilespmem:$0x8090] =	vst v30;
	v32 =	vsub.f32 v11, v30;
	v33 =	vsub.f32 v13, v31  }
0x87: {  	[tilespmem:$0x8110] =	vst v11  }
0x88: {  	[tilespmem:$0x8190] =	vst v31;
	v34 =	vmul.f32 v33, v32  }
0x89: {  	[tilespmem:$0x8210] =	vst v13  }
0x8a: {  	[tilespmem:$0x8290] =	vst v34  }
0x8b: {  	v11 =	vld [tilespmem:s26+$0x6500]  }
0x8c: {  	v13 =	vld [tilespmem:s21+$0x6570]  }
0x8d: {  	v14 =	vld [tilespmem:s21+$0x6420]  }
0x8e: {  	v35 =	vld [tilespmem:s21+$0x6490];
	_ =	sdelay $0x1  }
0x8f: {  	v11 =	vmul.f32 $5.000000000e-01, v11  }
0x90: {  	v13 =	vmul.f32 $5.000000000e-01, v13  }
0x91: {  	v36 =	vsub.f32 v14, v11;
	v11 =	vadd.f32 v11, v14  }
0x92: {  	v37 =	vsub.f32 v35, v13;
	v13 =	vadd.f32 v13, v35;
	_ =	sdelay $0x1  }
0x93: {  	[tilespmem:$0x80A0] =	vst v36;
	v38 =	vsub.f32 v11, v36;
	v39 =	vsub.f32 v13, v37  }
0x94: {  	[tilespmem:$0x8120] =	vst v11  }
0x95: {  	[tilespmem:$0x81A0] =	vst v37;
	v40 =	vmul.f32 v39, v38  }
0x96: {  	[tilespmem:$0x8220] =	vst v13  }
0x97: {  	[tilespmem:$0x82A0] =	vst v40  }
0x98: {  	v11 =	vld [tilespmem:s21+$0x6510]  }
0x99: {  	v13 =	vld [tilespmem:s26+$0x6580]  }
0x9a: {  	v14 =	vld [tilespmem:s21+$0x6430]  }
0x9b: {  	v41 =	vld [tilespmem:s21+$0x64A0];
	_ =	sdelay $0x1  }
0x9c: {  	v11 =	vmul.f32 $5.000000000e-01, v11  }
0x9d: {  	v13 =	vmul.f32 $5.000000000e-01, v13  }
0x9e: {  	v42 =	vsub.f32 v14, v11;
	v11 =	vadd.f32 v11, v14  }
0x9f: {  	v43 =	vsub.f32 v41, v13;
	v13 =	vadd.f32 v13, v41;
	_ =	sdelay $0x1  }
0xa0: {  	[tilespmem:$0x80B0] =	vst v42;
	v44 =	vsub.f32 v11, v42;
	v45 =	vsub.f32 v13, v43  }
0xa1: {  	[tilespmem:$0x8130] =	vst v11  }
0xa2: {  	[tilespmem:$0x81B0] =	vst v43;
	v46 =	vmul.f32 v45, v44  }
0xa3: {  	[tilespmem:$0x8230] =	vst v13  }
0xa4: {  	[tilespmem:$0x82B0] =	vst v46  }
0xa5: {  	v11 =	vld [tilespmem:s21+$0x6520]  }
0xa6: {  	v13 =	vld [tilespmem:s21+$0x6590]  }
0xa7: {  	v14 =	vld [tilespmem:s21+$0x6440]  }
0xa8: {  	v47 =	vld [tilespmem:s21+$0x64B0];
	_ =	sdelay $0x1  }
0xa9: {  	v11 =	vmul.f32 $5.000000000e-01, v11  }
0xaa: {  	v13 =	vmul.f32 $5.000000000e-01, v13  }
0xab: {  	v48 =	vsub.f32 v14, v11;
	v11 =	vadd.f32 v11, v14  }
0xac: {  	v49 =	vsub.f32 v47, v13;
	v13 =	vadd.f32 v13, v47;
	_ =	sdelay $0x1  }
0xad: {  	[tilespmem:$0x80C0] =	vst v48;
	v50 =	vsub.f32 v11, v48;
	v51 =	vsub.f32 v13, v49  }
0xae: {  	[tilespmem:$0x8140] =	vst v11  }
0xaf: {  	[tilespmem:$0x81C0] =	vst v49;
	v52 =	vmul.f32 v51, v50  }
0xb0: {  	[tilespmem:$0x8240] =	vst v13  }
0xb1: {  	[tilespmem:$0x82C0] =	vst v52  }
0xb2: {  	(v2sf) =	vpush v12, $0xF;
	v11 =	vld [tilespmem:s21+$0x6530]  }
0xb3: {  	v13 =	vld [tilespmem:s21+$0x65A0]  }
0xb4: {  	v14 =	vld [tilespmem:s21+$0x6450]  }
0xb5: {  	v53 =	vld [tilespmem:s21+$0x64C0];
	_ =	sdelay $0x1  }
0xb6: {  	v11 =	vmul.f32 $5.000000000e-01, v11  }
0xb7: {  	v54 =	vmul.f32 $5.000000000e-01, v13  }
0xb8: {  	v55 =	vsub.f32 v14, v11;
	v11 =	vadd.f32 v11, v14  }
0xb9: {  	v56 =	vsub.f32 v53, v54;
	v12 =	vadd.f32 v54, v53;
	_ =	sdelay $0x1  }
0xba: {  	[tilespmem:$0x80D0] =	vst v55;
	v13 =	vsub.f32 v11, v55;
	v15 =	vsub.f32 v12, v56  }
0xbb: {  	[tilespmem:$0x8150] =	vst v11  }
0xbc: {  	[tilespmem:$0x81D0] =	vst v56;
	v57 =	vmul.f32 v15, v13  }
0xbd: {  	[tilespmem:$0x8250] =	vst v12  }
0xbe: {  	[tilespmem:$0x82D0] =	vst v57  }
0xbf: {  	s28 =	spop (v2sf);
	v11 =	vld [tilespmem:s21+$0x6540]  }
0xc0: {  	s19 =	sadd.s32 s19, s28;
	v12 =	vld [tilespmem:s21+$0x65B0]  }
0xc1: {  	s20 =	sadd.s32 $0xF, s19;
	v58 =	vld [tilespmem:s21+$0x6460]  }
0xc2: {  	s29 =	sand.u32 $0xF, s20;
	v14 =	vld [tilespmem:s21+$0x64D0]  }
0xc3: {  	s30 =	sshra.s32 s20, $0x1F;
	p0 =	slt.s32 s20, $0x1;
	p1 =	sne.s32 s29, $0x0  }
0xc4: {  	s31 =	sshrl.u32 s30, $0x1C;
	p0 =	por !p0, !p1;
	v11 =	vmul.f32 $5.000000000e-01, v11  }
0xc5: {  	s22 =	simm.s32 $0x1;
	s20 =	sadd.s32 s31, s20;
	p0 =	por !p0, !p0;
	v12 =	vmul.f32 $5.000000000e-01, v12  }
0xc6: {  	s20 =	sshra.s32 s20, $0x4;
	s22 =	simm.s32 @!p0 $0x0;
	v59 =	vsub.f32 v58, v11;
	v11 =	vadd.f32 v11, v58  }
0xc7: {  	s20 =	ssub.s32 s20, s22;
	v60 =	vsub.f32 v14, v12;
	v12 =	vadd.f32 v12, v14  }
0xc8: {  	p0 =	slt.s32 s20, $0x1  }
.Ltmp5:
0xc9: {  	[tilespmem:$0x80E0] =	vst v59;
	v61 =	vsub.f32 v11, v59;
	v62 =	vsub.f32 v12, v60;
	(pc) =	sbr.rel @p0 .LBB2_5-.Ltmp5, $4  }
0xca: {  	[tilespmem:$0x8160] =	vst v11  }
0xcb: {  	[tilespmem:$0x81E0] =	vst v60;
	v63 =	vmul.f32 v62, v61  }
0xcc: {  	[tilespmem:$0x8260] =	vst v12  }
0xcd: {  	v4 =	vimm.f32 $0.0e+00;
	[tilespmem:$0x82E0] =	vst v63  }
0xce: {  	v0 =	vmov s21  }
0xcf: {  	s21 =	simm.s32 $0x0;
	v5 =	vimm.f32 $0.0e+00;
	v6 =	vimm.f32 $0.0e+00;
	[tilespmem:$0x1FFE0] =	vst v0  }
.LBB2_7:
0xd0: {  	s22 =	sshll.u32 s21, $0x4  }
0xd1: {  	v1 =	vld [tilespmem:s22+$0x7700]  }
0xd2: {  	s23 =	simm.s32 $0x8280;
	v0 =	vld [tilespmem:s22+$0x7980]  }
0xd3: {  	s24 =	simm.s32 $0x8080;
	v25 =	vld [tilespmem:s23+$0x0]  }
0xd4: {  	s25 =	simm.s32 $0x8100;
	v32 =	vld [tilespmem:s24+$0x0]  }
0xd5: {  	s26 =	simm.s32 $0x8200;
	v34 =	vld [tilespmem:s25+$0x0]  }
0xd6: {  	s28 =	simm.s32 $0x8180;
	v30 =	vld [tilespmem:s26+$0x0]  }
0xd7: {  	v31 =	vld [tilespmem:s28+$0x0]  }
0xd8: {  	v20 =	vmul.f32 $5.000000000e-01, v1;
	v22 =	vmul.f32 $5.000000000e-01, v0  }
0xd9: {  	v29 =	vbroadcast v25, $0x0;
	v26 =	vbroadcast v25, $0x1  }
0xda: {  	v27 =	vbroadcast v25, $0x2;
	v28 =	vbroadcast v25, $0x3  }
0xdb: {  	v33 =	vbroadcast v32, $0x0;
	v35 =	vbroadcast v30, $0x0  }
0xdc: {  	v36 =	vbroadcast v31, $0x0;
	v37 =	vbroadcast v34, $0x1  }
0xdd: {  	v38 =	vbroadcast v32, $0x1;
	v39 =	vbroadcast v30, $0x1  }
0xde: {  	v40 =	vbroadcast v31, $0x1;
	v41 =	vbroadcast v34, $0x2  }
0xdf: {  	v42 =	vbroadcast v32, $0x2;
	v43 =	vbroadcast v30, $0x2  }
0xe0: {  	v44 =	vbroadcast v31, $0x2;
	v45 =	vbroadcast v34, $0x3  }
0xe1: {  	v46 =	vbroadcast v32, $0x3;
	v47 =	vbroadcast v30, $0x3  }
0xe2: {  	v48 =	vbroadcast v31, $0x3;
	v49 =	vbroadcast v34, $0x4  }
0xe3: {  	v2 =	vld [tilespmem:s22+$0x7200];
	v50 =	vbroadcast v32, $0x4;
	v51 =	vbroadcast v30, $0x4  }
0xe4: {  	v3 =	vld [tilespmem:s22+$0x7480];
	v52 =	vbroadcast v31, $0x4;
	v53 =	vbroadcast v34, $0x5  }
0xe5: {  	v54 =	vbroadcast v32, $0x5;
	v55 =	vbroadcast v30, $0x5  }
0xe6: {  	v56 =	vbroadcast v31, $0x5;
	v57 =	vbroadcast v34, $0x6  }
0xe7: {  	v58 =	vbroadcast v32, $0x6;
	v59 =	vbroadcast v30, $0x6  }
0xe8: {  	v60 =	vbroadcast v31, $0x6;
	v19 =	vsub.f32 v2, v20;
	v20 =	vadd.f32 v20, v2  }
0xe9: {  	v61 =	vbroadcast v34, $0x7;
	v21 =	vsub.f32 v3, v22;
	v22 =	vadd.f32 v22, v3  }
0xea: {  	v62 =	vbroadcast v32, $0x7;
	v63 =	vbroadcast v30, $0x7  }
0xeb: {  	v16 =	vbroadcast v25, $0x5;
	v23 =	vsub.f32 v20, v19;
	v24 =	vsub.f32 v22, v21  }
0xec: {  	v33 =	vmax.f32 v19, v33;
	v35 =	vmin.f32 v22, v35;
	v36 =	vmax.f32 v21, v36  }
0xed: {  	v37 =	vmin.f32 v20, v37;
	v38 =	vmax.f32 v19, v38;
	v39 =	vmin.f32 v22, v39  }
0xee: {  	v40 =	vmax.f32 v21, v40;
	v41 =	vmin.f32 v20, v41;
	v42 =	vmax.f32 v19, v42  }
0xef: {  	[tilespmem:$0x1FF90] =	vst v1;
	v43 =	vmin.f32 v22, v43;
	v44 =	vmax.f32 v21, v44;
	v45 =	vmin.f32 v20, v45  }
0xf0: {  	[tilespmem:$0x1FFB0] =	vst v2;
	v46 =	vmax.f32 v19, v46;
	v1 =	vmin.f32 v22, v47;
	v2 =	vmax.f32 v21, v48  }
0xf1: {  	v12 =	vmin.f32 v20, v49;
	v13 =	vmax.f32 v19, v50;
	v49 =	vbroadcast v31, $0x9  }
0xf2: {  	v14 =	vmin.f32 v22, v51;
	v15 =	vmax.f32 v21, v52;
	v51 =	vbroadcast v34, $0xA  }
0xf3: {  	[tilespmem:$0x1FFA0] =	vst v0;
	v0 =	vmin.f32 v20, v53;
	v53 =	vbroadcast v32, $0xA;
	v35 =	vsub.f32 v35, v36  }
0xf4: {  	v36 =	vbroadcast v34, $0x8;
	v37 =	vsub.f32 v37, v38;
	v38 =	vbroadcast v32, $0x8  }
0xf5: {  	v39 =	vsub.f32 v39, v40;
	v40 =	vbroadcast v30, $0x8;
	v41 =	vsub.f32 v41, v42  }
0xf6: {  	v42 =	vbroadcast v31, $0x8;
	v43 =	vsub.f32 v43, v44;
	v44 =	vbroadcast v34, $0x9  }
0xf7: {  	v9 =	vsub.f32 v45, v46;
	v45 =	vbroadcast v32, $0x9;
	v47 =	vsub.f32 v1, v2  }
0xf8: {  	v46 =	vbroadcast v30, $0x9;
	v48 =	vsub.f32 v12, v13;
	v50 =	vsub.f32 v14, v15  }
0xf9: {  	v1 =	vmax.f32 v19, v54;
	v2 =	vmin.f32 v22, v55;
	v12 =	vmax.f32 v21, v56  }
0xfa: {  	v55 =	vbroadcast v30, $0xA;
	v13 =	vmin.f32 v20, v57;
	v14 =	vmax.f32 v19, v58  }
0xfb: {  	v57 =	vbroadcast v31, $0xA;
	v15 =	vmin.f32 v22, v59;
	v23 =	vmul.f32 v24, v23  }
0xfc: {  	v24 =	vbroadcast v34, $0x0;
	v52 =	vsub.f32 v0, v1;
	v54 =	vsub.f32 v2, v12  }
0xfd: {  	v56 =	vsub.f32 v13, v14;
	v0 =	vmax.f32 v21, v60;
	v1 =	vmin.f32 v20, v61  }
0xfe: {  	v2 =	vmax.f32 v19, v62;
	v12 =	vbroadcast v34, $0xB;
	v61 =	vbroadcast v32, $0xB  }
0xff: {  	v13 =	vmin.f32 v22, v63;
	v14 =	vbroadcast v30, $0xB;
	v49 =	vmax.f32 v21, v49  }
0x100: {  	v51 =	vmin.f32 v20, v51;
	v53 =	vmax.f32 v19, v53;
	v58 =	vsub.f32 v15, v0  }
0x101: {  	v60 =	vsub.f32 v1, v2;
	v36 =	vmin.f32 v20, v36;
	v38 =	vmax.f32 v19, v38  }
0x102: {  	v40 =	vmin.f32 v22, v40;
	v42 =	vmax.f32 v21, v42;
	v15 =	vbroadcast v31, $0xB  }
0x103: {  	v44 =	vmin.f32 v20, v44;
	v45 =	vmax.f32 v19, v45;
	v46 =	vmin.f32 v22, v46  }
0x104: {  	v8 =	vsub.f32 v51, v53;
	v0 =	vmin.f32 v22, v55;
	v1 =	vmax.f32 v21, v57  }
0x105: {  	v2 =	vbroadcast v34, $0xD;
	v35 =	vmax.f32 v35, $0.0e+00;
	v9 =	vmax.f32 v9, $0.0e+00  }
0x106: {  	v24 =	vmin.f32 v20, v24;
	v36 =	vsub.f32 v36, v38;
	v40 =	vsub.f32 v40, v42  }
0x107: {  	v42 =	vbroadcast v34, $0xC;
	v44 =	vsub.f32 v44, v45;
	v45 =	vbroadcast v32, $0xC  }
0x108: {  	v63 =	vsub.f32 v46, v49;
	v46 =	vbroadcast v30, $0xC;
	v49 =	vbroadcast v31, $0xC  }
0x109: {  	v55 =	vsub.f32 v0, v1;
	v12 =	vmin.f32 v20, v12;
	v0 =	vbroadcast v31, $0xD  }
0x10a: {  	v1 =	vbroadcast v34, $0xE;
	v34 =	vbroadcast v34, $0xF;
	v52 =	vmax.f32 v52, $0.0e+00  }
0x10b: {  	v54 =	vmax.f32 v54, $0.0e+00;
	v26 =	vadd.f32 v26, v23;
	v27 =	vadd.f32 v27, v23  }
0x10c: {  	v56 =	vmax.f32 v56, $0.0e+00;
	v16 =	vadd.f32 v16, v23;
	v24 =	vsub.f32 v24, v33  }
0x10d: {  	v33 =	vbroadcast v31, $0x7;
	v38 =	vmax.f32 v21, v15;
	v15 =	vbroadcast v30, $0xD  }
0x10e: {  	v51 =	vmin.f32 v20, v2;
	v2 =	vbroadcast v32, $0xE;
	v58 =	vmax.f32 v58, $0.0e+00  }
0x10f: {  	v8 =	vmax.f32 v8, $0.0e+00;
	v42 =	vmin.f32 v20, v42;
	v45 =	vmax.f32 v19, v45  }
0x110: {  	v46 =	vmin.f32 v22, v46;
	v49 =	vmax.f32 v21, v49;
	v34 =	vmin.f32 v20, v34  }
0x111: {  	v33 =	vmax.f32 v21, v33;
	v42 =	vsub.f32 v42, v45;
	v59 =	vsub.f32 v46, v49  }
0x112: {  	v45 =	vmax.f32 v21, v0;
	v24 =	vmax.f32 v24, $0.0e+00;
	v49 =	vbroadcast v30, $0xE  }
0x113: {  	v0 =	vmax.f32 v41, $0.0e+00;
	v30 =	vbroadcast v30, $0xF;
	v62 =	vsub.f32 v13, v33  }
0x114: {  	v13 =	vmax.f32 v19, v61;
	v33 =	vmin.f32 v22, v14;
	v14 =	vbroadcast v32, $0xD  }
0x115: {  	v32 =	vbroadcast v32, $0xF;
	v57 =	vsub.f32 v12, v13;
	v38 =	vsub.f32 v33, v38  }
0x116: {  	v33 =	vmin.f32 v22, v15;
	v13 =	vmin.f32 v20, v1;
	v15 =	vmax.f32 v19, v2  }
0x117: {  	v1 =	vmax.f32 v43, $0.0e+00;
	v2 =	vbroadcast v31, $0xE;
	v12 =	vmax.f32 v47, $0.0e+00  }
0x118: {  	v31 =	vbroadcast v31, $0xF;
	v30 =	vmin.f32 v22, v30;
	v43 =	vadd.f32 v29, v23  }
0x119: {  	v29 =	vbroadcast v25, $0xD;
	v42 =	vmax.f32 v42, $0.0e+00;
	v53 =	vmax.f32 v19, v14  }
0x11a: {  	v14 =	vsub.f32 v33, v45;
	v15 =	vsub.f32 v13, v15;
	v33 =	vmul.f32 v35, v24  }
0x11b: {  	v24 =	vmax.f32 v37, $0.0e+00;
	v45 =	vmul.f32 v1, v0;
	v13 =	vbroadcast v25, $0x6  }
0x11c: {  	v35 =	vmin.f32 v22, v49;
	v47 =	vmul.f32 v12, v9;
	v9 =	vbroadcast v25, $0x7  }
0x11d: {  	v32 =	vmax.f32 v19, v32;
	v49 =	vmax.f32 v48, $0.0e+00;
	v0 =	vmax.f32 v60, $0.0e+00  }
0x11e: {  	v1 =	vmax.f32 v62, $0.0e+00;
	v12 =	vmax.f32 v40, $0.0e+00;
	v61 =	vsub.f32 v51, v53  }
0x11f: {  	v53 =	vbroadcast v25, $0x4;
	v51 =	vmax.f32 v39, $0.0e+00;
	v37 =	vmax.f32 v21, v2  }
0x120: {  	v32 =	vsub.f32 v34, v32;
	v34 =	vbroadcast v25, $0x8;
	v39 =	vbroadcast v25, $0x9  }
0x121: {  	[tilespmem:$0x1FF70] =	vst v5;
	v31 =	vmax.f32 v21, v31;
	v2 =	vbroadcast v25, $0xC;
	v5 =	vadd.f32 v29, v23  }
0x122: {  	v38 =	vmax.f32 v38, $0.0e+00;
	v46 =	vmul.f32 v51, v24;
	v24 =	vimm.f32 $1.000000000e+00  }
0x123: {  	v35 =	vsub.f32 v35, v37;
	v17 =	vsub.f32 v30, v31;
	v30 =	vbroadcast v25, $0xA  }
0x124: {  	v51 =	vmax.f32 v50, $0.0e+00;
	v31 =	vbroadcast v25, $0xB;
	v50 =	vmul.f32 v58, v56  }
0x125: {  	v58 =	vadd.f32 v28, v23;
	v28 =	vmax.f32 v36, $0.0e+00;
	v37 =	vadd.f32 v13, v23  }
0x126: {  	v9 =	vadd.f32 v9, v23;
	v13 =	vbroadcast v25, $0xF;
	v56 =	vmax.f32 v55, $0.0e+00  }
0x127: {  	v14 =	vmax.f32 v14, $0.0e+00;
	v15 =	vmax.f32 v15, $0.0e+00;
	v48 =	vmul.f32 v51, v49  }
0x128: {  	v55 =	vsub.f32 v43, v33;
	v49 =	vmul.f32 v54, v52;
	v51 =	vmul.f32 v1, v0  }
0x129: {  	v40 =	vadd.f32 v53, v23;
	v52 =	vmul.f32 v12, v28;
	v28 =	vbroadcast v25, $0xE  }
0x12a: {  	v34 =	vadd.f32 v34, v23;
	v39 =	vadd.f32 v39, v23;
	v25 =	vmax.f32 v44, $0.0e+00  }
0x12b: {  	v0 =	vmax.f32 v57, $0.0e+00;
	v1 =	vmax.f32 v59, $0.0e+00;
	v32 =	vmax.f32 v32, $0.0e+00  }
0x12c: {  	v54 =	vmul.f32 v56, v8;
	v57 =	vsub.f32 v27, v45;
	v27 =	vimm.f32 $0.0e+00  }
0x12d: {  	v62 =	vadd.f32 v30, v23;
	v30 =	vmax.f32 v63, $0.0e+00;
	v18 =	vadd.f32 v31, v23  }
0x12e: {  	v31 =	vadd.f32 v2, v23;
	v11 =	vadd.f32 v13, v23;
	v2 =	vmax.f32 v61, $0.0e+00  }
0x12f: {  	v13 =	vmax.f32 v35, $0.0e+00;
	v8 =	vmax.f32 v17, $0.0e+00;
	v56 =	vsub.f32 v26, v46  }
0x130: {  	v35 =	vmul.f32 v38, v0;
	v59 =	vsub.f32 v58, v47;
	v36 =	vmul.f32 v1, v42  }
0x131: {  	v41 =	vsub.f32 v37, v50;
	v60 =	vmul.f32 v55, v46;
	v63 =	vld [tilespmem:s22+$0x7C00];
	v53 =	vmul.f32 v30, v25  }
0x132: {  	v25 =	vimm.s32 $0x0;
	v10 =	vadd.f32 v28, v23;
	v58 =	vsub.f32 v40, v48  }
0x133: {  	[tilespmem:$0x1FF60] =	vst v6;
	v40 =	vsub.f32 v16, v49;
	v38 =	vmul.f32 v14, v2;
	v42 =	vsub.f32 v9, v51  }
0x134: {  	[tilespmem:$0x1FF80] =	vst v4;
	v37 =	vmul.f32 v13, v15;
	v43 =	vsub.f32 v34, v52;
	v61 =	vmul.f32 v56, v33  }
0x135: {  	[tilespmem:$0x1FFC0] =	vst v3;
	v34 =	vsub.f32 v62, v54;
	v62 =	vmul.f32 v57, v47;
	v44 =	vsub.f32 v39, v53  }
0x136: {  	s30 =	simm.s32 $0x10;
	s29 =	simm.s32 $0x0;
	v39 =	vmul.f32 v8, v32;
	v32 =	vsub.f32 v18, v35;
	[tilespmem:$0x1FFD0] =	vst v63;
	v63 =	vmul.f32 v59, v45  }
.LBB2_8:
0x137: {  	v8 =	vmul.f32 v58, v49;
	v9 =	vmul.f32 v40, v48  }
0x138: {  	v15 =	vmul.f32 v41, v51;
	v16 =	vmul.f32 v42, v50  }
0x139: {  	v14 =	vsub.f32 v31, v36;
	v18 =	vmul.f32 v43, v53;
	v30 =	vmul.f32 v44, v52  }
0x13a: {  	v31 =	vmul.f32 v34, v35;
	v26 =	vmul.f32 v32, v54;
	vm4 =	vgt.f32 v60, v61  }
0x13b: {  	vm3 =	vgt.f32 v62, v63;
	vm9 =	vgt.f32 v8, v9;
	vm8 =	vgt.f32 v15, v16  }
0x13c: {  	vm6 =	vgt.f32 v18, v30;
	vm2 =	vgt.f32 v31, v26;
	v8 =	vsel vm4, v46, v33  }
0x13d: {  	v9 =	vsel vm4, v56, v55;
	v17 =	vsub.f32 v5, v38;
	v29 =	vsub.f32 v10, v37  }
0x13e: {  	v28 =	vsub.f32 v11, v39;
	v11 =	vmul.f32 v14, v38;
	v60 =	vsel vm9, v40, v58  }
0x13f: {  	v15 =	vsel vm8, v51, v50;
	v16 =	vsel vm8, v42, v41;
	v12 =	vmul.f32 v17, v36  }
0x140: {  	v18 =	vsel vm6, v53, v52;
	v13 =	vmul.f32 v29, v39;
	v10 =	vmul.f32 v28, v37  }
0x141: {  	v26 =	vsel vm6, v44, v43;
	v30 =	vsel vm2, v35, v54;
	v31 =	vsel vm2, v32, v34  }
0x142: {  	v63 =	vmul.f32 v60, v15;
	vm1 =	vgt.f32 v11, v12;
	vm0 =	vgt.f32 v13, v10  }
0x143: {  	v10 =	vsel vm3, v47, v45;
	v11 =	vsel vm3, v59, v57;
	v59 =	vsel vm9, v49, v48  }
0x144: {  	v45 =	vmul.f32 v31, v18;
	v61 =	vsel vm1, v38, v36;
	v14 =	vsel vm1, v17, v14  }
0x145: {  	v17 =	vmul.f32 v9, v10;
	v33 =	vmul.f32 v11, v8;
	v62 =	vsel vm0, v39, v37  }
0x146: {  	v44 =	vmul.f32 v16, v59;
	v28 =	vsel vm0, v28, v29;
	v29 =	vmul.f32 v26, v30  }
0x147: {  	v0 =	vimm.s32 $0x0;
	v39 =	vmul.f32 v14, v62;
	v46 =	vmul.f32 v28, v61  }
0x148: {  	v38 =	vsel vm4, $0x1, v0;
	vm7 =	vgt.f32 v17, v33;
	vm4 =	vgt.f32 v63, v44  }
0x149: {  	vm5 =	vgt.f32 v29, v45;
	v8 =	vsel vm7, v10, v8;
	vm12 =	vgt.f32 v39, v46  }
0x14a: {  	s28 =	sadd.s32 $0x10, s28;
	v9 =	vsel vm7, v11, v9;
	v10 =	vsel vm4, v15, v59;
	v11 =	vsel vm4, v16, v60  }
0x14b: {  	s23 =	sadd.s32 $0x10, s23;
	v48 =	vsel vm5, v30, v18;
	v49 =	vsel vm5, v31, v26;
	v46 =	vld [tilespmem:s28+$0x0];
	v50 =	vsel vm12, v62, v61  }
0x14c: {  	s25 =	sadd.s32 $0x10, s25;
	v17 =	vld [tilespmem:s23+$0x0];
	v14 =	vsel vm12, v28, v14;
	v16 =	vmul.f32 v9, v10;
	v18 =	vmul.f32 v11, v8  }
0x14d: {  	v43 =	vld [tilespmem:s25+$0x0];
	v31 =	vmul.f32 v49, v50;
	v52 =	vmul.f32 v14, v48;
	_ =	sdelay $0x1  }
0x14e: {  	vm13 =	vgt.f32 v16, v18;
	vm10 =	vgt.f32 v31, v52  }
0x14f: {  	v8 =	vsel vm13, v10, v8;
	v10 =	vsel vm10, v50, v48;
	v48 =	vbroadcast v46, $0xD  }
0x150: {  	v53 =	vbroadcast v17, $0x0  }
0x151: {  	[tilespmem:$0x1FDE0] =	vst v48;
	v48 =	vbroadcast v43, $0xE  }
0x152: {  	[tilespmem:$0x1FCD0] =	vst v53  }
0x153: {  	[tilespmem:$0x1FDF0] =	vst v48;
	v48 =	vld [tilespmem:$0x1FCD0];
	_ =	sdelay $0x3  }
0x154: {  	v54 =	vbroadcast v17, $0x1  }
0x155: {  	v48 =	vadd.f32 v48, v23  }
0x156: {  	[tilespmem:$0x1FCE0] =	vst v54  }
0x157: {  	[tilespmem:$0x1FE80] =	vst v48;
	v48 =	vld [tilespmem:$0x1FCE0]  }
0x158: {  	s24 =	sadd.s32 $0x10, s24  }
0x159: {  	v31 =	vld [tilespmem:s24+$0x0];
	_ =	sdelay $0x2  }
0x15a: {  	v48 =	vadd.f32 v48, v23  }
0x15b: {  	v55 =	vbroadcast v17, $0x2  }
0x15c: {  	[tilespmem:$0x1FE90] =	vst v48;
	v48 =	vbroadcast v31, $0xE  }
0x15d: {  	[tilespmem:$0x1FCF0] =	vst v55  }
0x15e: {  	[tilespmem:$0x1FE00] =	vst v48;
	v48 =	vld [tilespmem:$0x1FCF0];
	_ =	sdelay $0x3  }
0x15f: {  	v58 =	vbroadcast v17, $0x3  }
0x160: {  	v56 =	vimm.s32 $0x6;
	v48 =	vadd.f32 v48, v23  }
0x161: {  	v51 =	vimm.s32 $0x4;
	v47 =	vimm.s32 $0x2;
	v12 =	vsel vm8, $0x7, v56;
	[tilespmem:$0x1FD00] =	vst v58  }
0x162: {  	s26 =	sadd.s32 $0x10, s26;
	v41 =	vsel vm3, $0x3, v47;
	v3 =	vbroadcast v43, $0xB;
	v2 =	vbroadcast v43, $0xC;
	[tilespmem:$0x1FEA0] =	vst v48;
	v48 =	vld [tilespmem:$0x1FD00]  }
0x163: {  	v45 =	vld [tilespmem:s26+$0x0];
	v16 =	vsel vm7, v41, v38;
	v38 =	vbroadcast v43, $0xA;
	v59 =	vbroadcast v17, $0x4  }
0x164: {  	v26 =	vsel vm9, $0x5, v51;
	v62 =	vbroadcast v17, $0x5;
	v63 =	vbroadcast v17, $0x6  }
0x165: {  	v60 =	vimm.s32 $0x8;
	v32 =	vbroadcast v17, $0x7;
	v35 =	vbroadcast v17, $0x8  }
0x166: {  	v61 =	vsel vm6, $0x9, v60;
	v36 =	vbroadcast v17, $0x9;
	v51 =	vbroadcast v17, $0xB  }
0x167: {  	v52 =	vbroadcast v17, $0xC;
	v56 =	vbroadcast v17, $0xF;
	v48 =	vadd.f32 v48, v23  }
0x168: {  	v12 =	vsel vm4, v12, v26;
	v60 =	vbroadcast v45, $0x4;
	v18 =	vbroadcast v45, $0x5  }
0x169: {  	v12 =	vsel vm13, v12, v16;
	v16 =	vbroadcast v45, $0x6;
	[tilespmem:$0x1FEB0] =	vst v48;
	v48 =	vbroadcast v45, $0xE  }
0x16a: {  	v29 =	vbroadcast v45, $0x8;
	v6 =	vbroadcast v45, $0xA;
	[tilespmem:$0x1FD10] =	vst v59  }
0x16b: {  	v9 =	vsel vm13, v11, v9;
	v5 =	vbroadcast v45, $0xB;
	v47 =	vbroadcast v45, $0xD;
	[tilespmem:$0x1FE10] =	vst v48;
	v48 =	vld [tilespmem:$0x1FD10]  }
0x16c: {  	v11 =	vsel vm10, v14, v49;
	v50 =	vbroadcast v17, $0xA;
	v49 =	vbroadcast v43, $0x0  }
0x16d: {  	v44 =	vbroadcast v46, $0x0;
	v40 =	vbroadcast v46, $0x1  }
0x16e: {  	v37 =	vimm.s32 $0xC;
	v13 =	vbroadcast v46, $0x5;
	v30 =	vbroadcast v46, $0x8  }
0x16f: {  	v33 =	vimm.s32 $0xA;
	v4 =	vbroadcast v46, $0x9;
	v7 =	vbroadcast v46, $0xA;
	[tilespmem:$0x1FD20] =	vst v62  }
0x170: {  	v1 =	vbroadcast v46, $0xB;
	v57 =	vmul.f32 v9, v10;
	[tilespmem:$0x1FD50] =	vst v35;
	v48 =	vadd.f32 v48, v23  }
0x171: {  	v3 =	vmin.f32 v20, v3;
	v14 =	vmul.f32 v11, v8;
	[tilespmem:$0x1FD90] =	vst v52;
	v53 =	vbroadcast v17, $0xD  }
0x172: {  	v2 =	vmin.f32 v20, v2;
	v54 =	vbroadcast v17, $0xE;
	v52 =	vbroadcast v43, $0x1;
	[tilespmem:$0x1FED0] =	vst v48;
	v48 =	vld [tilespmem:$0x1FD20]  }
0x173: {  	v39 =	vsel vm1, $0xD, v37;
	[tilespmem:$0x1FDC0] =	vst v56;
	v35 =	vbroadcast v46, $0x2;
	v56 =	vbroadcast v43, $0x3  }
0x174: {  	v38 =	vmin.f32 v20, v38;
	v58 =	vbroadcast v46, $0x3;
	v59 =	vbroadcast v43, $0x4  }
0x175: {  	[tilespmem:$0x1FD40] =	vst v32;
	v55 =	vimm.s32 $0xE;
	v62 =	vbroadcast v43, $0x5;
	v17 =	vbroadcast v43, $0x7  }
0x176: {  	[tilespmem:$0x1FD60] =	vst v36;
	v32 =	vbroadcast v45, $0xC;
	v36 =	vbroadcast v43, $0xD;
	v60 =	vmin.f32 v22, v60  }
0x177: {  	v18 =	vmin.f32 v22, v18;
	v16 =	vmin.f32 v22, v16;
	v48 =	vadd.f32 v48, v23  }
0x178: {  	v29 =	vmin.f32 v22, v29;
	v6 =	vmin.f32 v22, v6;
	v5 =	vmin.f32 v22, v5;
	[tilespmem:$0x1FD70] =	vst v50  }
0x179: {  	v50 =	vbroadcast v43, $0x9;
	v49 =	vmin.f32 v20, v49;
	[tilespmem:$0x1FEE0] =	vst v48;
	v48 =	vbroadcast v46, $0xE  }
0x17a: {  	[tilespmem:$0x1FD30] =	vst v63;
	v44 =	vmax.f32 v21, v44;
	v40 =	vmax.f32 v21, v40;
	v13 =	vmax.f32 v21, v13  }
0x17b: {  	v30 =	vmax.f32 v21, v30;
	v4 =	vmax.f32 v21, v4;
	v7 =	vmax.f32 v21, v7;
	[tilespmem:$0x1FE20] =	vst v48;
	v48 =	vld [tilespmem:$0x1FD30]  }
0x17c: {  	vm14 =	vgt.f32 v57, v14;
	[tilespmem:$0x1FDA0] =	vst v53;
	v57 =	vbroadcast v45, $0x0;
	v53 =	vbroadcast v45, $0x1  }
0x17d: {  	v1 =	vmax.f32 v21, v1;
	[tilespmem:$0x1FDB0] =	vst v54;
	v54 =	vbroadcast v43, $0x2;
	v14 =	vbroadcast v43, $0x6  }
0x17e: {  	v52 =	vmin.f32 v20, v52;
	v35 =	vmax.f32 v21, v35;
	v56 =	vmin.f32 v20, v56  }
0x17f: {  	v58 =	vmax.f32 v21, v58;
	v59 =	vmin.f32 v20, v59;
	v62 =	vmin.f32 v20, v62  }
0x180: {  	v17 =	vmin.f32 v20, v17;
	v32 =	vmin.f32 v22, v32;
	v48 =	vadd.f32 v48, v23  }
0x181: {  	[tilespmem:$0x1FD80] =	vst v51;
	v36 =	vmin.f32 v20, v36;
	v13 =	vsub.f32 v18, v13;
	v18 =	vmin.f32 v22, v47  }
0x182: {  	v6 =	vsub.f32 v6, v7;
	v51 =	vbroadcast v31, $0x0;
	v42 =	vbroadcast v31, $0x1;
	[tilespmem:$0x1FF00] =	vst v48;
	v48 =	vld [tilespmem:$0x1FD40]  }
0x183: {  	v1 =	vsub.f32 v5, v1;
	v37 =	vbroadcast v31, $0x2;
	v26 =	vbroadcast v31, $0x4  }
0x184: {  	v8 =	vsel vm14, v10, v8;
	v63 =	vbroadcast v31, $0x5;
	v15 =	vbroadcast v31, $0x6  }
0x185: {  	v9 =	vsel vm14, v11, v9;
	v28 =	vbroadcast v31, $0x8;
	v41 =	vbroadcast v31, $0xA  }
0x186: {  	v10 =	vsel vm2, $0xB, v33;
	v0 =	vbroadcast v31, $0xB;
	v33 =	vbroadcast v46, $0xC  }
0x187: {  	v50 =	vmin.f32 v20, v50;
	v11 =	vmul.f32 v8, v24;
	v48 =	vadd.f32 v48, v23  }
0x188: {  	v34 =	vmul.f32 v9, v27;
	[tilespmem:$0x1FDD0] =	vst v57;
	v10 =	vsel vm5, v10, v61;
	v57 =	vbroadcast v45, $0x3  }
0x189: {  	v61 =	vbroadcast v46, $0x4;
	v53 =	vmin.f32 v22, v53;
	v54 =	vmin.f32 v20, v54;
	[tilespmem:$0x1FF10] =	vst v48;
	v48 =	vld [tilespmem:$0x1FD50]  }
0x18a: {  	v14 =	vmin.f32 v20, v14;
	v13 =	vmax.f32 v13, $0.0e+00;
	v6 =	vmax.f32 v6, $0.0e+00  }
0x18b: {  	v1 =	vmax.f32 v1, $0.0e+00;
	v51 =	vmax.f32 v19, v51;
	v42 =	vmax.f32 v19, v42  }
0x18c: {  	v37 =	vmax.f32 v19, v37;
	v26 =	vmax.f32 v19, v26;
	v63 =	vmax.f32 v19, v63  }
0x18d: {  	v15 =	vmax.f32 v19, v15;
	v28 =	vmax.f32 v19, v28;
	v41 =	vmax.f32 v19, v41  }
0x18e: {  	v0 =	vmax.f32 v19, v0;
	v40 =	vsub.f32 v53, v40;
	v48 =	vadd.f32 v48, v23  }
0x18f: {  	v33 =	vmax.f32 v21, v33;
	vm15 =	vgt.f32 v11, v34;
	v34 =	vbroadcast v31, $0x3  }
0x190: {  	v11 =	vbroadcast v31, $0x7;
	v49 =	vsub.f32 v49, v51;
	v42 =	vsub.f32 v52, v42;
	[tilespmem:$0x1FF20] =	vst v48;
	v48 =	vld [tilespmem:$0x1FD60]  }
0x191: {  	v57 =	vmin.f32 v22, v57;
	v37 =	vsub.f32 v54, v37;
	v26 =	vsub.f32 v59, v26  }
0x192: {  	v61 =	vmax.f32 v21, v61;
	v63 =	vsub.f32 v62, v63;
	v14 =	vsub.f32 v14, v15  }
0x193: {  	v0 =	vsub.f32 v3, v0;
	v5 =	vsub.f32 v32, v33;
	v27 =	vsel vm15, v8, v27  }
0x194: {  	v24 =	vsel vm15, v9, v24;
	v9 =	vsel vm0, $0xF, v55;
	v55 =	vbroadcast v45, $0x2  }
0x195: {  	v8 =	vbroadcast v31, $0x9;
	v58 =	vsub.f32 v57, v58;
	[tilespmem:$0x1FE40] =	vst v27;
	v48 =	vadd.f32 v48, v23  }
0x196: {  	v61 =	vsub.f32 v60, v61;
	[tilespmem:$0x1FE70] =	vst v24;
	v24 =	vbroadcast v46, $0x7;
	v27 =	vbroadcast v43, $0x8  }
0x197: {  	v9 =	vsel vm12, v9, v39;
	v39 =	vbroadcast v31, $0xD;
	v43 =	vbroadcast v43, $0xF;
	[tilespmem:$0x1FF30] =	vst v48;
	v48 =	vld [tilespmem:$0x1FDA0]  }
0x198: {  	v34 =	vmax.f32 v19, v34;
	v11 =	vmax.f32 v19, v11;
	v26 =	vmax.f32 v26, $0.0e+00  }
0x199: {  	v14 =	vmax.f32 v14, $0.0e+00;
	v0 =	vmax.f32 v0, $0.0e+00;
	v9 =	vsel vm10, v9, v10  }
0x19a: {  	v5 =	vmax.f32 v5, $0.0e+00;
	v10 =	vbroadcast v31, $0xC;
	v9 =	vsel vm14, v9, v12  }
0x19b: {  	v55 =	vmin.f32 v22, v55;
	v8 =	vmax.f32 v19, v8;
	v9 =	vor.u32 s29, v9  }
0x19c: {  	v34 =	vsub.f32 v56, v34;
	v25 =	vsel vm15, v9, v25;
	v48 =	vadd.f32 v48, v23  }
0x19d: {  	v54 =	vld [tilespmem:$0x1FDE0];
	v11 =	vsub.f32 v17, v11;
	v56 =	vmax.f32 v58, $0.0e+00;
	[tilespmem:$0x1FE60] =	vst v25;
	v31 =	vbroadcast v31, $0xF  }
0x19e: {  	v57 =	vmax.f32 v61, $0.0e+00;
	v58 =	vmax.f32 v63, $0.0e+00;
	v12 =	vbroadcast v46, $0x6;
	[tilespmem:$0x1FEC0] =	vst v48;
	v48 =	vld [tilespmem:$0x1FDB0]  }
0x19f: {  	v24 =	vmax.f32 v21, v24;
	v27 =	vmin.f32 v20, v27;
	v25 =	vbroadcast v45, $0x7;
	[tilespmem:$0x1FE30] =	vst v31;
	v31 =	vld [tilespmem:$0x1FD70]  }
0x1a0: {  	v35 =	vsub.f32 v55, v35;
	v39 =	vmax.f32 v19, v39;
	v8 =	vsub.f32 v50, v8  }
0x1a1: {  	v3 =	vmin.f32 v20, v43;
	v12 =	vmax.f32 v21, v12;
	v25 =	vmin.f32 v22, v25  }
0x1a2: {  	v55 =	vmax.f32 v37, $0.0e+00;
	v12 =	vsub.f32 v16, v12;
	v16 =	vsub.f32 v25, v24  }
0x1a3: {  	v10 =	vmax.f32 v19, v10;
	v24 =	vsub.f32 v27, v28;
	v48 =	vadd.f32 v48, v23  }
0x1a4: {  	v17 =	vld [tilespmem:$0x1FDF0];
	v15 =	vmax.f32 v21, v54;
	v25 =	vsub.f32 v29, v30;
	v31 =	vadd.f32 v31, v23  }
0x1a5: {  	v34 =	vmax.f32 v34, $0.0e+00;
	v11 =	vmax.f32 v11, $0.0e+00;
	v28 =	vsub.f32 v38, v41;
	[tilespmem:$0x1FEF0] =	vst v48;
	v48 =	vld [tilespmem:$0x1FDC0]  }
0x1a6: {  	v9 =	vbroadcast v45, $0x9;
	v24 =	vmax.f32 v24, $0.0e+00;
	v25 =	vmax.f32 v25, $0.0e+00;
	[tilespmem:$0x1FF40] =	vst v31;
	v31 =	vld [tilespmem:$0x1FD80]  }
0x1a7: {  	v2 =	vsub.f32 v2, v10;
	v28 =	vmax.f32 v28, $0.0e+00;
	v52 =	vmul.f32 v25, v24;
	v25 =	vld [tilespmem:$0x1FE60]  }
0x1a8: {  	v15 =	vsub.f32 v18, v15;
	v35 =	vmax.f32 v35, $0.0e+00;
	v54 =	vmul.f32 v6, v28;
	v6 =	vld [tilespmem:$0x1FE80]  }
0x1a9: {  	v8 =	vmax.f32 v8, $0.0e+00;
	v47 =	vmul.f32 v56, v34;
	v9 =	vmin.f32 v22, v9;
	v27 =	vld [tilespmem:$0x1FE00]  }
0x1aa: {  	v17 =	vmin.f32 v20, v17;
	v2 =	vmax.f32 v2, $0.0e+00;
	v10 =	vld [tilespmem:$0x1FE30];
	v48 =	vadd.f32 v48, v23  }
0x1ab: {  	v4 =	vsub.f32 v9, v4;
	v12 =	vmax.f32 v12, $0.0e+00;
	v59 =	vld [tilespmem:$0x1FEA0];
	v31 =	vadd.f32 v31, v23  }
0x1ac: {  	v15 =	vmax.f32 v15, $0.0e+00;
	v29 =	vsub.f32 v36, v39;
	v50 =	vmul.f32 v12, v14;
	[tilespmem:$0x1FE50] =	vst v48;
	v48 =	vld [tilespmem:$0x1FDD0]  }
0x1ad: {  	v36 =	vmul.f32 v5, v2;
	v4 =	vmax.f32 v4, $0.0e+00;
	v16 =	vmax.f32 v16, $0.0e+00;
	[tilespmem:$0x1FF50] =	vst v31;
	v31 =	vld [tilespmem:$0x1FD90]  }
0x1ae: {  	v30 =	vmax.f32 v40, $0.0e+00;
	v53 =	vmul.f32 v4, v8;
	v51 =	vmul.f32 v16, v11;
	v32 =	vld [tilespmem:$0x1FF50]  }
0x1af: {  	v27 =	vmax.f32 v19, v27;
	v10 =	vmax.f32 v19, v10;
	v45 =	vbroadcast v45, $0xF;
	v9 =	vld [tilespmem:$0x1FE10]  }
0x1b0: {  	v17 =	vsub.f32 v17, v27;
	v27 =	vmax.f32 v49, $0.0e+00;
	v3 =	vsub.f32 v3, v10;
	v7 =	vld [tilespmem:$0x1FE20]  }
0x1b1: {  	v49 =	vmul.f32 v13, v58;
	v18 =	vmin.f32 v22, v45;
	v62 =	vld [tilespmem:$0x1FEE0];
	v48 =	vmin.f32 v22, v48  }
0x1b2: {  	v60 =	vld [tilespmem:$0x1FEB0];
	v45 =	vmul.f32 v35, v55;
	v35 =	vmul.f32 v1, v0;
	v44 =	vsub.f32 v48, v44  }
0x1b3: {  	v17 =	vmax.f32 v17, $0.0e+00;
	v3 =	vmax.f32 v3, $0.0e+00;
	v31 =	vadd.f32 v31, v23;
	v63 =	vld [tilespmem:$0x1FF00]  }
0x1b4: {  	v32 =	vsub.f32 v32, v35;
	v46 =	vbroadcast v46, $0xF;
	v12 =	vld [tilespmem:$0x1FF10];
	v10 =	vmax.f32 v44, $0.0e+00  }
0x1b5: {  	v9 =	vmin.f32 v22, v9;
	v7 =	vmax.f32 v21, v7;
	v13 =	vld [tilespmem:$0x1FF20];
	v33 =	vmul.f32 v10, v27  }
0x1b6: {  	v61 =	vld [tilespmem:$0x1FED0];
	v40 =	vsub.f32 v62, v49;
	v7 =	vsub.f32 v9, v7;
	v9 =	vmax.f32 v21, v46  }
0x1b7: {  	v9 =	vsub.f32 v18, v9;
	v18 =	vmax.f32 v42, $0.0e+00;
	v55 =	vsub.f32 v6, v33;
	v6 =	vld [tilespmem:$0x1FE90]  }
0x1b8: {  	v46 =	vmul.f32 v30, v18;
	v7 =	vmax.f32 v7, $0.0e+00;
	v14 =	vld [tilespmem:$0x1FF30];
	v10 =	vmax.f32 v29, $0.0e+00  }
0x1b9: {  	p0 =	sne.s32 s30, $0x60;
	v4 =	vmax.f32 v9, $0.0e+00;
	v41 =	vsub.f32 v63, v50;
	v38 =	vmul.f32 v15, v10;
	v15 =	vld [tilespmem:$0x1FF40]  }
.Ltmp6:
0x1ba: {  	v24 =	vld [tilespmem:$0x1FE70];
	v42 =	vsub.f32 v12, v51;
	v43 =	vsub.f32 v13, v52;
	v48 =	vmul.f32 v57, v26;
	(pc) =	sbr.rel @p0 .LBB2_8-.Ltmp6, $4  }
0x1bb: {  	v37 =	vmul.f32 v7, v17;
	v5 =	vld [tilespmem:$0x1FEC0];
	v57 =	vsub.f32 v59, v45;
	v59 =	vsub.f32 v60, v47  }
0x1bc: {  	v39 =	vmul.f32 v4, v3;
	v11 =	vld [tilespmem:$0x1FE50];
	v58 =	vsub.f32 v61, v48;
	v56 =	vsub.f32 v6, v46  }
0x1bd: {  	v44 =	vsub.f32 v14, v53;
	v62 =	vmul.f32 v57, v47;
	v63 =	vmul.f32 v59, v45;
	v27 =	vld [tilespmem:$0x1FE40]  }
0x1be: {  	s29 =	smov.u32 s30;
	s30 =	sadd.s32 $0x10, s30;
	v10 =	vld [tilespmem:$0x1FEF0];
	v60 =	vmul.f32 v55, v46;
	v34 =	vsub.f32 v15, v54;
	v61 =	vmul.f32 v56, v33  }
0x1bf: {  	v0 =	vmul.f32 v58, v49;
	v1 =	vmul.f32 v40, v48  }
0x1c0: {  	v3 =	vmul.f32 v41, v51;
	v4 =	vmul.f32 v42, v50  }
0x1c1: {  	v2 =	vsub.f32 v31, v36;
	v6 =	vmul.f32 v43, v53;
	v7 =	vmul.f32 v44, v52  }
0x1c2: {  	v31 =	vmul.f32 v32, v54;
	vm2 =	vgt.f32 v62, v63;
	v5 =	vsub.f32 v5, v38  }
0x1c3: {  	vm0 =	vgt.f32 v60, v61;
	v9 =	vmul.f32 v34, v35;
	v11 =	vsub.f32 v11, v39  }
0x1c4: {  	v12 =	vmul.f32 v2, v38;
	vm4 =	vgt.f32 v0, v1;
	vm7 =	vgt.f32 v3, v4  }
0x1c5: {  	vm6 =	vgt.f32 v6, v7;
	v3 =	vsel vm2, v47, v45;
	v4 =	vsel vm2, v59, v57  }
0x1c6: {  	v13 =	vmul.f32 v5, v36;
	vm5 =	vgt.f32 v9, v31;
	v6 =	vsel vm4, v49, v48  }
0x1c7: {  	v7 =	vsel vm4, v40, v58;
	v57 =	vsel vm7, v42, v41;
	v58 =	vsel vm6, v53, v52  }
0x1c8: {  	v59 =	vsel vm6, v44, v43;
	v8 =	vsub.f32 v10, v37;
	v1 =	vmul.f32 v11, v37  }
0x1c9: {  	v14 =	vsel vm5, v35, v54;
	v15 =	vsel vm5, v32, v34;
	v20 =	vmul.f32 v57, v6  }
0x1ca: {  	vm3 =	vgt.f32 v12, v13;
	v60 =	vmul.f32 v59, v14;
	v0 =	vmul.f32 v8, v39  }
0x1cb: {  	v21 =	vmul.f32 v15, v58;
	v16 =	vsel vm3, v38, v36;
	v2 =	vsel vm3, v5, v2  }
0x1cc: {  	vm1 =	vgt.f32 v0, v1;
	v0 =	vsel vm0, v46, v33;
	v1 =	vsel vm0, v56, v55  }
0x1cd: {  	v56 =	vsel vm7, v51, v50;
	v5 =	vmul.f32 v1, v3;
	v17 =	vmul.f32 v4, v0  }
0x1ce: {  	v18 =	vsel vm1, v39, v37;
	v19 =	vmul.f32 v7, v56;
	v8 =	vsel vm1, v11, v8  }
0x1cf: {  	v22 =	vmul.f32 v2, v18;
	v23 =	vmul.f32 v8, v16  }
0x1d0: {  	vm8 =	vgt.f32 v60, v21;
	vm11 =	vgt.f32 v5, v17  }
0x1d1: {  	vm10 =	vgt.f32 v19, v20;
	v5 =	vsel vm8, v14, v58;
	vm9 =	vgt.f32 v22, v23  }
0x1d2: {  	v0 =	vsel vm11, v3, v0;
	v1 =	vsel vm11, v4, v1;
	v3 =	vsel vm10, v56, v6  }
0x1d3: {  	v4 =	vsel vm10, v57, v7;
	v6 =	vsel vm8, v15, v59;
	v7 =	vsel vm9, v18, v16  }
0x1d4: {  	v2 =	vsel vm9, v8, v2;
	v8 =	vmul.f32 v1, v3;
	v61 =	vmul.f32 v4, v0  }
0x1d5: {  	v62 =	vmul.f32 v6, v7;
	v63 =	vmul.f32 v2, v5  }
0x1d6: {  	vm12 =	vgt.f32 v8, v61  }
0x1d7: {  	vm13 =	vgt.f32 v62, v63;
	v0 =	vsel vm12, v3, v0  }
0x1d8: {  	v1 =	vsel vm12, v4, v1;
	v3 =	vsel vm13, v7, v5;
	v2 =	vsel vm13, v2, v6  }
0x1d9: {  	v6 =	vimm.s32 $0x0;
	v7 =	vimm.s32 $0x2;
	v4 =	vmul.f32 v1, v3  }
0x1da: {  	v5 =	vmul.f32 v2, v0;
	v6 =	vsel vm0, $0x1, v6;
	v7 =	vsel vm2, $0x3, v7  }
0x1db: {  	v6 =	vsel vm11, v7, v6;
	v7 =	vimm.s32 $0xC  }
0x1dc: {  	vm15 =	vgt.f32 v4, v5;
	v4 =	vimm.s32 $0x4;
	v5 =	vimm.s32 $0x6  }
0x1dd: {  	v7 =	vsel vm3, $0xD, v7;
	v4 =	vsel vm4, $0x5, v4;
	v5 =	vsel vm7, $0x7, v5  }
0x1de: {  	v0 =	vsel vm15, v3, v0;
	v3 =	vimm.s32 $0x8;
	v1 =	vsel vm15, v2, v1  }
0x1df: {  	v2 =	vimm.s32 $0xA;
	v4 =	vsel vm10, v5, v4;
	v5 =	vimm.s32 $0xE  }
0x1e0: {  	v3 =	vsel vm6, $0x9, v3;
	v2 =	vsel vm5, $0xB, v2;
	v5 =	vsel vm1, $0xF, v5  }
0x1e1: {  	v2 =	vsel vm8, v2, v3;
	v3 =	vsel vm9, v5, v7  }
0x1e2: {  	v5 =	vmul.f32 v0, v24;
	v2 =	vsel vm13, v3, v2;
	v3 =	vmul.f32 v1, v27;
	_ =	sdelay $0x1  }
0x1e3: {  	vm14 =	vgt.f32 v5, v3;
	v3 =	vld [tilespmem:$0x1FFE0]  }
0x1e4: {  	v4 =	vsel vm12, v4, v6  }
0x1e5: {  	v2 =	vsel vm15, v2, v4  }
0x1e6: {  	v2 =	vor.u32 s29, v2  }
0x1e7: {  	v2 =	vsel vm14, v2, v25  }
0x1e8: {  	v2 =	vadd.s32 v3, v2;
	_ =	sdelay $0x3  }
0x1e9: {  	v6 =	vld [tilespmem:$0x1FFB0];
	v3 =	vadd.s32 $0x70, v2  }
0x1ea: {  	v5 =	vld.idx.msk [tilespmem:v2+s11+$0x0], $0xffff;
	_ =	sdelay $0x3  }
0x1eb: {  	v4 =	vadd.s32 $0xE0, v2;
	v3 =	vld.idx.msk [tilespmem:v3+s11+$0x0], $0xffff  }
0x1ec: {  	v5 =	vsub.f32 v6, v5;
	v6 =	vld [tilespmem:$0x1FFC0];
	_ =	sdelay $0x3  }
0x1ed: {  	v2 =	vadd.s32 $0x150, v2;
	v4 =	vld.idx.msk [tilespmem:v4+s11+$0x0], $0xffff  }
0x1ee: {  	v3 =	vsub.f32 v6, v3;
	v6 =	vld [tilespmem:$0x1FF90];
	_ =	sdelay $0x3  }
0x1ef: {  	v2 =	vld.idx.msk [tilespmem:v2+s11+$0x0], $0xffff  }
0x1f0: {  	v4 =	vsub.f32 v6, v4;
	v6 =	vld [tilespmem:$0x1FFA0];
	_ =	sdelay $0x2  }
0x1f1: {  	v0 =	vsel vm14, v0, v27;
	v5 =	vmul.f32 v5, v5;
	v3 =	vmul.f32 v3, v3  }
0x1f2: {  	v1 =	vsel vm14, v1, v24;
	v0 =	vadd.f32 v0, v0  }
0x1f3: {  	v3 =	vadd.f32 v3, v5;
	v4 =	vmul.f32 v4, v4;
	v2 =	vsub.f32 v6, v2  }
0x1f4: {  	vm0 =	vgt.f32 v0, v1;
	v1 =	vld [tilespmem:$0x1FFD0]  }
0x1f5: {  	s22 =	ssub.s32 s19, s22;
	v3 =	vadd.f32 v4, v3;
	v6 =	vld [tilespmem:$0x1FF60];
	v2 =	vmul.f32 v2, v2  }
0x1f6: {  	s21 =	sadd.s32 $0x1, s21;
	v0 =	vlaneseq.u32;
	v5 =	vld [tilespmem:$0x1FF70];
	v4 =	vmov s22  }
0x1f7: {  	p0 =	sne.s32 s21, s20;
	vm15 =	vgt.s32 v4, v0;
	v4 =	vld [tilespmem:$0x1FF80];
	v0 =	vadd.f32 v2, v3  }
.Ltmp7:
0x1f8: {  	vm0 =	vmand vm15, vm0;
	(pc) =	sbr.rel @p0 .LBB2_7-.Ltmp7, $4  }
.Ltmp8:
0x1f9: {  	v0 =	vnsel vm0, $0x0, v0;
	(pc) =	sbr.rel @!p0 .LBB2_10-.Ltmp8, $4  }
0x1fa: {  	v6 =	vadd.f32 v0, v6;
	v0 =	vimm.f32 $0.0e+00  }
0x1fb: {  	v1 =	vnsel vm0, $0x0, v1;
	v0 =	vsel vm0, $0x3F800000, v0  }
0x1fc: {  	v3 =	vimm.s32 $0x0;
	v4 =	vadd.f32 v1, v4;
	v5 =	vadd.f32 v0, v5  }
0x1fd: {  	_ = 	snop  }
.LBB2_12:
0x1fe: {  	_ =	sfence.sel $0x180000  }
0x1ff: {  	[bflag:$0x0] =	sbarrier.arrive $0xFFFF  }
0x200: {  	p0 =	sne.s32 s0, $0x0;
	_ =	strace $0x90000047  }
0x201: {  	s0 =	sadd.s32 @!p0 $0x100000, s1;
	[bflag:$0x2] =	sbarrier.arrive $0xFFFF  }
0x202: {  	[sflag:s0] =	ssyncadd.tile.s32 @!p0 $0x1;
	_ =	shalt  }
.Lfunc_end2:
_tile_overlayer_lowered:
.L_overlay_start_2:
0x203: {  	(tag) =	ssettag $0x2  }
0x204: {  	s0 =	rddreg [dreg:$0x0];
	s2 =	stileid.u32  }
0x205: {  	s1 =	rddreg [dreg:$0x1];
	p0 =	sne.s32 s2, $0x0  }
0x206: {  	s3 =	rddreg [dreg:$0x2];
	[bflag:$0x3] =	sbarrier.arrive $0xFFFF;
	s2 =	simm.s32 @!p0 $0x1C01  }
0x207: {  	[timem:s3], [sflag:s2] =	dma.local @!p0 [hbm:s0], s1  }
0x208: {  	s0 =	simm.s32 @!p0 $0x1  }
0x209: {  	_ =	swait.ge @!p0 [sflag:s0], s1  }
0x20a: {  	s1 =	ssub.s32 @!p0 $0x0, s1;
	[sflag:s0] =	ssyncset.done @!p0 $0x0  }
0x20b: {  	[sflag:s0] =	ssyncadd.s32 @!p0 s1  }
0x20c: {  	[bflag:$0x3] =	sbarrier.arrive $0xFFFF  }
0x20d: {  	_ =	shalt  }

</sc_bundles>
